<compile_context>
chip_gen: v7x
topology: tpu7x:2x2x1
jax: 0.10.2.dev20260603
libtpu: 0.0.44.dev20260713+nightly
codegen_flags: <defaults>
</compile_context>

<pallas_src>
import jax
import jax.numpy as jnp
from jax import lax
from jax.experimental import pallas as pl
from jax.experimental.pallas import tpu as pltpu
from jax.experimental.pallas import tpu_sc as plsc

NN = 10000
NP = 10240
DD = 128
GG = 64
EE = 320000
NCORE = 2
NSUB = 16
NWORK = NCORE * NSUB
CHUNK = 128
CPW = 80
EPW = CHUNK * CPW
EPAD = NWORK * EPW
NACC = NP
DUMP = NN
HALF = CPW // 2
BLK = 512
NBLK = NP // BLK

_SC_MESH = plsc.VectorSubcoreMesh(
    core_axis_name="c", subcore_axis_name="s",
    num_cores=NCORE, num_subcores=NSUB)


def _zero_shared(acc_sh, zbuf_v, s, width):
    nch = NACC // CHUNK

    def body(i, carry):
        ch = s + NSUB * i
        pltpu.sync_copy(zbuf_v, acc_sh.at[pl.ds(ch * CHUNK, CHUNK)])
        return carry

    lax.fori_loop(0, nch // NSUB, body, 0)


def _copy_out(acc_sh, out_hbm, c, s):
    rows = NP // NSUB
    pltpu.sync_copy(acc_sh.at[pl.ds(s * rows, rows)],
                    out_hbm.at[c, pl.ds(s * rows, rows)])


def _agg_body(h_hbm, src_hbm, dst_hbm, zeros_hbm, out_hbm,
              src_v, dst_v, rows0_v, rows1_v, acc_sh, sem0, sem1):
    c = lax.axis_index("c")
    s = lax.axis_index("s")
    wid = s * NCORE + c

    pltpu.sync_copy(src_hbm.at[wid, pl.ds(0, HALF)], src_v)
    pltpu.async_copy(h_hbm.at[src_v.at[0]], rows0_v, sem0)
    pltpu.sync_copy(dst_hbm.at[wid, pl.ds(0, HALF)], dst_v)
    pltpu.sync_copy(zeros_hbm, rows1_v)
    _zero_shared(acc_sh, rows1_v, s, DD)
    plsc.subcore_barrier()

    for half in range(2):
        if half > 0:
            pltpu.sync_copy(src_hbm.at[wid, pl.ds(half * HALF, HALF)], src_v)
            pltpu.sync_copy(dst_hbm.at[wid, pl.ds(half * HALF, HALF)], dst_v)
            pltpu.async_copy(h_hbm.at[src_v.at[0]], rows0_v, sem0)

        def edge_pair(gg, carry):
            g = 2 * gg
            pltpu.make_async_copy(h_hbm.at[src_v.at[g]], rows0_v, sem0).wait()
            pltpu.async_copy(h_hbm.at[src_v.at[g + 1]], rows1_v, sem1)
            pltpu.sync_copy(rows0_v, acc_sh.at[dst_v.at[g]], add=True)
            pltpu.make_async_copy(
                h_hbm.at[src_v.at[g + 1]], rows1_v, sem1).wait()

            @pl.when(gg + 1 < HALF // 2)
            def _():
                pltpu.async_copy(h_hbm.at[src_v.at[g + 2]], rows0_v, sem0)

            pltpu.sync_copy(rows1_v, acc_sh.at[dst_v.at[g + 1]], add=True)
            return carry

        lax.fori_loop(0, HALF // 2, edge_pair, 0)
    plsc.subcore_barrier()
    _copy_out(acc_sh, out_hbm, c, s)


_agg_call = pl.kernel(
    _agg_body,
    out_type=jax.ShapeDtypeStruct((NCORE, NP, DD), jnp.float32),
    mesh=_SC_MESH,
    scratch_types=[
        pltpu.VMEM((HALF, CHUNK), jnp.int32),
        pltpu.VMEM((HALF, CHUNK), jnp.int32),
        pltpu.VMEM((CHUNK, DD), jnp.float32),
        pltpu.VMEM((CHUNK, DD), jnp.float32),
        pltpu.VMEM_SHARED((NACC, DD), jnp.float32),
        pltpu.SemaphoreType.DMA,
        pltpu.SemaphoreType.DMA,
    ],
)


def _deg_body(dst_hbm, zeros_hbm, ones_hbm, out_hbm,
              dst_v, buf_v, ones_v, acc_sh):
    c = lax.axis_index("c")
    s = lax.axis_index("s")
    wid = s * NCORE + c
    pltpu.sync_copy(dst_hbm.at[wid], dst_v)
    pltpu.sync_copy(ones_hbm, ones_v)
    pltpu.sync_copy(zeros_hbm, buf_v)
    _zero_shared(acc_sh, buf_v, s, DD)
    plsc.subcore_barrier()

    def edge_chunk(g, carry):
        pltpu.sync_copy(ones_v, acc_sh.at[dst_v.at[g]], add=True)
        return carry

    lax.fori_loop(0, CPW, edge_chunk, 0)
    plsc.subcore_barrier()
    _copy_out(acc_sh, out_hbm, c, s)


_deg_call = pl.kernel(
    _deg_body,
    out_type=jax.ShapeDtypeStruct((NCORE, NP, DD), jnp.float32),
    mesh=_SC_MESH,
    scratch_types=[
        pltpu.VMEM((CPW, CHUNK), jnp.int32),
        pltpu.VMEM((CHUNK, DD), jnp.float32),
        pltpu.VMEM((CHUNK, DD), jnp.float32),
        pltpu.VMEM_SHARED((NACC, DD), jnp.float32),
    ],
)


def _dinv(d0_ref, d1_ref):
    deg = d0_ref[:, 0:1] + d1_ref[:, 0:1] + 1.0
    return lax.rsqrt(deg)


def _mmu_body(x_ref, w_ref, u_ref):
    u_ref[...] = jnp.dot(x_ref[...], w_ref[...],
                         preferred_element_type=jnp.float32)


def _scale_body(u_ref, d0_ref, d1_ref, h_ref):
    h_ref[...] = u_ref[...] * _dinv(d0_ref, d1_ref)


def _mid1_body(h_ref, a0_ref, a1_ref, d0_ref, d1_ref, b_ref, w_ref,
               hn_ref, xc_ref):
    dinv = _dinv(d0_ref, d1_ref)
    xc = jnp.maximum(
        (h_ref[...] + a0_ref[...] + a1_ref[...]) * dinv + b_ref[...], 0.0)
    xc_ref[...] = xc
    hn_ref[...] = jnp.dot(xc, w_ref[...],
                          preferred_element_type=jnp.float32) * dinv


def _mid2_body(h_ref, a0_ref, a1_ref, d0_ref, d1_ref, b_ref, xp_ref, w_ref,
               hn_ref):
    dinv = _dinv(d0_ref, d1_ref)
    xc = jnp.maximum(
        (h_ref[...] + a0_ref[...] + a1_ref[...]) * dinv + b_ref[...], 0.0)
    xin = xc + xp_ref[...]
    hn_ref[...] = jnp.dot(xin, w_ref[...],
                          preferred_element_type=jnp.float32) * dinv


def _fin_body(h_ref, a0_ref, a1_ref, d0_ref, d1_ref, b_ref, bt_ref,
              wl_ref, bl_ref, y_ref, sums, cnts):
    i = pl.program_id(0)

    @pl.when(i == 0)
    def _():
        sums[...] = jnp.zeros_like(sums)
        cnts[...] = jnp.zeros_like(cnts)

    dinv = _dinv(d0_ref, d1_ref)
    x3 = jnp.maximum(
        (h_ref[...] + a0_ref[...] + a1_ref[...]) * dinv + b_ref[...], 0.0)
    bt = bt_ref[0, 0, :]
    seg = lax.broadcasted_iota(jnp.int32, (GG, BLK), 0)
    oh = (bt[None, :] == seg).astype(jnp.float32)
    sums[...] += jnp.dot(oh, x3, preferred_element_type=jnp.float32)
    cnts[...] += jnp.broadcast_to(jnp.sum(oh, axis=1, keepdims=True),
                                  (GG, DD))

    @pl.when(i == pl.num_programs(0) - 1)
    def _():
        pooled = sums[...] / jnp.maximum(cnts[...], 1.0)
        y_ref[...] = jnp.dot(pooled, wl_ref[...],
                             preferred_element_type=jnp.float32) + bl_ref[...]


_row = lambda i: (i, 0)
_fix = lambda i: (0, 0)

_mmu = pl.pallas_call(
    _mmu_body,
    grid=(NBLK,),
    in_specs=[
        pl.BlockSpec((BLK, DD), _row),
        pl.BlockSpec((DD, DD), _fix),
    ],
    out_specs=pl.BlockSpec((BLK, DD), _row),
    out_shape=jax.ShapeDtypeStruct((NP, DD), jnp.float32),
)

_scale = pl.pallas_call(
    _scale_body,
    grid=(NBLK,),
    in_specs=[
        pl.BlockSpec((BLK, DD), _row),
        pl.BlockSpec((BLK, DD), _row),
        pl.BlockSpec((BLK, DD), _row),
    ],
    out_specs=pl.BlockSpec((BLK, DD), _row),
    out_shape=jax.ShapeDtypeStruct((NP, DD), jnp.float32),
)

_mid1 = pl.pallas_call(
    _mid1_body,
    grid=(NBLK,),
    in_specs=[
        pl.BlockSpec((BLK, DD), _row),
        pl.BlockSpec((BLK, DD), _row),
        pl.BlockSpec((BLK, DD), _row),
        pl.BlockSpec((BLK, DD), _row),
        pl.BlockSpec((BLK, DD), _row),
        pl.BlockSpec((1, DD), _fix),
        pl.BlockSpec((DD, DD), _fix),
    ],
    out_specs=[pl.BlockSpec((BLK, DD), _row), pl.BlockSpec((BLK, DD), _row)],
    out_shape=[jax.ShapeDtypeStruct((NP, DD), jnp.float32),
               jax.ShapeDtypeStruct((NP, DD), jnp.float32)],
)

_mid2 = pl.pallas_call(
    _mid2_body,
    grid=(NBLK,),
    in_specs=[
        pl.BlockSpec((BLK, DD), _row),
        pl.BlockSpec((BLK, DD), _row),
        pl.BlockSpec((BLK, DD), _row),
        pl.BlockSpec((BLK, DD), _row),
        pl.BlockSpec((BLK, DD), _row),
        pl.BlockSpec((1, DD), _fix),
        pl.BlockSpec((BLK, DD), _row),
        pl.BlockSpec((DD, DD), _fix),
    ],
    out_specs=pl.BlockSpec((BLK, DD), _row),
    out_shape=jax.ShapeDtypeStruct((NP, DD), jnp.float32),
)

_fin = pl.pallas_call(
    _fin_body,
    grid=(NBLK,),
    in_specs=[
        pl.BlockSpec((BLK, DD), _row),
        pl.BlockSpec((BLK, DD), _row),
        pl.BlockSpec((BLK, DD), _row),
        pl.BlockSpec((BLK, DD), _row),
        pl.BlockSpec((BLK, DD), _row),
        pl.BlockSpec((1, DD), _fix),
        pl.BlockSpec((1, 1, BLK), lambda i: (i, 0, 0)),
        pl.BlockSpec((DD, 16), _fix),
        pl.BlockSpec((1, 16), _fix),
    ],
    out_specs=pl.BlockSpec((GG, 16), _fix),
    out_shape=jax.ShapeDtypeStruct((GG, 16), jnp.float32),
    scratch_shapes=[pltpu.VMEM((GG, DD), jnp.float32),
                    pltpu.VMEM((GG, DD), jnp.float32)],
)


def kernel(x, edge_index, batch, W0, b0, W1, b1, W2, b2, Wl, bl):
    src = edge_index[0]
    dst = edge_index[1]
    pad_e = EPAD - EE
    pad_src = (jnp.arange(pad_e, dtype=jnp.int32) * 37) % NN
    srcp = jnp.concatenate([src, pad_src]).reshape(NWORK, CPW, CHUNK)
    dump_rows = DUMP + (jnp.arange(pad_e, dtype=jnp.int32) % CHUNK)
    dstp = jnp.concatenate([dst, dump_rows]).reshape(NWORK, CPW, CHUNK)
    xp = jnp.pad(x, ((0, NP - NN), (0, 0)))
    batp = jnp.pad(batch, (0, NP - NN),
                   constant_values=GG).reshape(NBLK, 1, BLK)
    zeros128 = jnp.zeros((CHUNK, DD), jnp.float32)
    ones128 = jnp.ones((CHUNK, DD), jnp.float32)

    u = _mmu(xp, W0)
    degp = _deg_call(dstp, zeros128, ones128)
    d0, d1 = degp[0], degp[1]
    h0 = _scale(u, d0, d1)
    a0 = _agg_call(h0, srcp, dstp, zeros128)
    h1, x1 = _mid1(h0, a0[0], a0[1], d0, d1, b0.reshape(1, DD), W1)
    a1 = _agg_call(h1, srcp, dstp, zeros128)
    h2 = _mid2(h1, a1[0], a1[1], d0, d1, b1.reshape(1, DD), x1, W2)
    a2 = _agg_call(h2, srcp, dstp, zeros128)
    y = _fin(h2, a2[0], a2[1], d0, d1, b2.reshape(1, DD), batp,
             Wl, bl.reshape(1, 16))
    return y

# --- scband reference (transcript-rebuilt; emitter-appended) ---
"""Pipeline reference for scband-res-block-gnn-85469849190402 (READ-ONLY COPY).

The authoritative reference and input builder live on the scoring server;
editing this copy changes nothing except your own understanding.
"""

import jax, jax.numpy as jnp
import numpy as np

N = 10000
E = 320000
D = 128
H = 128
C = 16
G = 64


def setup_inputs(seed: int = 0) -> dict:
    key = jax.random.key(seed)
    ks = jax.random.split(key, 12)
    x = jax.random.normal(ks[0], (N, D), dtype=jnp.float32)
    edge_index = jax.random.randint(ks[1], (2, E), 0, N, dtype=jnp.int32)
    batch = jnp.sort(jax.random.randint(ks[2], (N,), 0, G, dtype=jnp.int32))
    W0 = jax.random.normal(ks[3], (D, H), dtype=jnp.float32) * 0.05
    b0 = jnp.zeros((H,), dtype=jnp.float32)
    W1 = jax.random.normal(ks[4], (H, H), dtype=jnp.float32) * 0.05
    b1 = jnp.zeros((H,), dtype=jnp.float32)
    W2 = jax.random.normal(ks[5], (H, H), dtype=jnp.float32) * 0.05
    b2 = jnp.zeros((H,), dtype=jnp.float32)
    Wl = jax.random.normal(ks[6], (H, C), dtype=jnp.float32) * 0.05
    bl = jnp.zeros((C,), dtype=jnp.float32)
    return {"x": x, "edge_index": edge_index, "batch": batch,
            "W0": W0, "b0": b0, "W1": W1, "b1": b1,
            "W2": W2, "b2": b2, "Wl": Wl, "bl": bl}


def gcn_conv(x, edge_index, W, b):
    # PyG-style GCNConv: add self loops + symmetric normalization D^-1/2 (A+I) D^-1/2 X W + b
    n = x.shape[0]
    loop = jnp.arange(n, dtype=edge_index.dtype)
    src = jnp.concatenate([edge_index[0], loop])
    dst = jnp.concatenate([edge_index[1], loop])
    deg = jax.ops.segment_sum(jnp.ones_like(src, dtype=x.dtype), dst, num_segments=n)
    dinv = jnp.where(deg > 0, deg ** -0.5, 0.0)
    norm = dinv[src] * dinv[dst]
    h = x @ W
    msg = h[src] * norm[:, None]
    out = jax.ops.segment_sum(msg, dst, num_segments=n)
    return out + b


def reference(x, edge_index, batch, W0, b0, W1, b1, W2, b2, Wl, bl):
    x_cur = jax.nn.relu(gcn_conv(x, edge_index, W0, b0))
    x_pre = jnp.zeros(x_cur.shape, dtype=x_cur.dtype)
    for (W, b) in ((W1, b1), (W2, b2)):
        x_temp = x_cur
        x_cur = jax.nn.relu(gcn_conv(x_cur + x_pre, edge_index, W, b))
        x_pre = x_temp
    # global_mean_pool
    sums = jax.ops.segment_sum(x_cur, batch, num_segments=G)
    cnt = jax.ops.segment_sum(jnp.ones((x_cur.shape[0],), dtype=x_cur.dtype), batch, num_segments=G)
    pooled = sums / jnp.maximum(cnt, 1.0)[:, None]
    # dropout is identity in eval mode
    y = pooled @ Wl + bl
    return y

if __name__ == "__main__":
    import jax
    _d = setup_inputs()
    print(jax.jit(kernel)(*tuple(_d.values())))

</pallas_src>

<mosaic_0001>
#map = affine_map<(d0, d1) -> (0, 0)>
#map1 = affine_map<(d0, d1) -> (0, 0, 0)>
module attributes {stable_mosaic.version = 14 : i64} {
  func.func @_agg_body(%arg0: i32, %arg1: i32, %arg2: memref<10240x128xf32, #tpu.memory_space<hbm>>, %arg3: memref<32x80x128xi32, #tpu.memory_space<hbm>>, %arg4: memref<32x80x128xi32, #tpu.memory_space<hbm>>, %arg5: memref<128x128xf32, #tpu.memory_space<hbm>>, %arg6: memref<2x10240x128xf32, #tpu.memory_space<hbm>>, %arg7: memref<40x128xi32, #tpu.memory_space<vmem>>, %arg8: memref<40x128xi32, #tpu.memory_space<vmem>>, %arg9: memref<128x128xf32, #tpu.memory_space<vmem>>, %arg10: memref<128x128xf32, #tpu.memory_space<vmem>>, %arg11: memref<10240x128xf32, #tpu.memory_space<vmem_shared>>, %arg12: memref<!tpu.dma_semaphore, #tpu.memory_space<semaphore_mem>>, %arg13: memref<!tpu.dma_semaphore, #tpu.memory_space<semaphore_mem>>) attributes {dimension_semantics = [#tpu.dimension_semantics<core_parallel>, #tpu.dimension_semantics<subcore_parallel>], iteration_bounds = array<i64: 2, 16>, scalar_prefetch = 0 : i64, scratch_operands = 7 : i64, tpu.core_type = #tpu.core_type<sc_vector_subcore>, window_params = [{transform_indices = #map}, {transform_indices = #map1}, {transform_indices = #map1}, {transform_indices = #map}, {transform_indices = #map1}]} {
    %mul3A = arith.constant 2 : i32
    %mul3A_0 = arith.muli %arg1, %mul3A : i32
    %add3A = arith.addi %mul3A_0, %arg0 : i32
    "tpu.region"() ({
      %run_scoped3A = tpu.sem_alloc : memref<!tpu.dma_semaphore, #tpu.memory_space<semaphore_mem>>
      %dma_start3A_36 = arith.constant 0 : i32
      %dma_start3A_37 = arith.constant 0 : i32
      %dma_start3A_38 = tpu.memref_slice %arg3[%add3A, %dma_start3A_36, %dma_start3A_37] : memref<32x80x128xi32, #tpu.memory_space<hbm>> -> memref<1x40x128xi32, #tpu.memory_space<hbm>>
      %dma_start3A_39 = tpu.memref_squeeze %dma_start3A_38 : memref<1x40x128xi32, #tpu.memory_space<hbm>> -> memref<40x128xi32, #tpu.memory_space<hbm>>
      %dma_start3A_40 = arith.constant 0 : i32
      %dma_start3A_41 = arith.constant 0 : i32
      %dma_start3A_42 = tpu.memref_slice %arg3[%add3A, %dma_start3A_40, %dma_start3A_41] : memref<32x80x128xi32, #tpu.memory_space<hbm>> -> memref<1x40x128xi32, #tpu.memory_space<hbm>>
      %dma_start3A_43 = tpu.memref_squeeze %dma_start3A_42 : memref<1x40x128xi32, #tpu.memory_space<hbm>> -> memref<40x128xi32, #tpu.memory_space<hbm>>
      tpu.enqueue_dma source(%dma_start3A_43 : memref<40x128xi32, #tpu.memory_space<hbm>>) target(%arg7 : memref<40x128xi32, #tpu.memory_space<vmem>>) target_semaphore(%run_scoped3A : memref<!tpu.dma_semaphore, #tpu.memory_space<semaphore_mem>>)
      %dma_wait3A = arith.constant 0 : i32
      %dma_wait3A_44 = arith.constant 0 : i32
      %dma_wait3A_45 = tpu.memref_slice %arg3[%add3A, %dma_wait3A, %dma_wait3A_44] : memref<32x80x128xi32, #tpu.memory_space<hbm>> -> memref<1x40x128xi32, #tpu.memory_space<hbm>>
      %dma_wait3A_46 = tpu.memref_squeeze %dma_wait3A_45 : memref<1x40x128xi32, #tpu.memory_space<hbm>> -> memref<40x128xi32, #tpu.memory_space<hbm>>
      %dma_wait3A_47 = arith.constant 0 : i32
      %dma_wait3A_48 = arith.constant 0 : i32
      %dma_wait3A_49 = tpu.memref_slice %arg3[%add3A, %dma_wait3A_47, %dma_wait3A_48] : memref<32x80x128xi32, #tpu.memory_space<hbm>> -> memref<1x40x128xi32, #tpu.memory_space<hbm>>
      %dma_wait3A_50 = tpu.memref_squeeze %dma_wait3A_49 : memref<1x40x128xi32, #tpu.memory_space<hbm>> -> memref<40x128xi32, #tpu.memory_space<hbm>>
      tpu.wait_dma2 semaphore(%run_scoped3A : memref<!tpu.dma_semaphore, #tpu.memory_space<semaphore_mem>>) src(%dma_wait3A_50 : memref<40x128xi32, #tpu.memory_space<hbm>>) dst(%arg7 : memref<40x128xi32, #tpu.memory_space<vmem>>)
      tpu.yield
    }) : () -> ()
    %dma_start3A = arith.constant 0 : i32
    %dma_start3A_1 = arith.constant 0 : i32
    %dma_start3A_2 = tpu.memref_slice %arg7[%dma_start3A, %dma_start3A_1] : memref<40x128xi32, #tpu.memory_space<vmem>> -> memref<1x128xi32, #tpu.memory_space<vmem>>
    %dma_start3A_3 = tpu.memref_squeeze %dma_start3A_2 : memref<1x128xi32, #tpu.memory_space<vmem>> -> memref<128xi32, #tpu.memory_space<vmem>>
    %dma_start3A_4 = arith.constant 0 : i32
    %dma_start3A_5 = arith.constant 0 : i32
    %dma_start3A_6 = tpu.memref_slice %arg2[%dma_start3A_4, %dma_start3A_5] : memref<10240x128xf32, #tpu.memory_space<hbm>> -> memref<10240x128xf32, #tpu.memory_space<hbm>>
    tpu.enqueue_indirect_dma source(%dma_start3A_6 : memref<10240x128xf32, #tpu.memory_space<hbm>>) target(%arg9 : memref<128x128xf32, #tpu.memory_space<vmem>>) offsets(%dma_start3A_3 : memref<128xi32, #tpu.memory_space<vmem>>) semaphore(%arg12 : memref<!tpu.dma_semaphore, #tpu.memory_space<semaphore_mem>>)
    "tpu.region"() ({
      %run_scoped3A = tpu.sem_alloc : memref<!tpu.dma_semaphore, #tpu.memory_space<semaphore_mem>>
      %dma_start3A_36 = arith.constant 0 : i32
      %dma_start3A_37 = arith.constant 0 : i32
      %dma_start3A_38 = tpu.memref_slice %arg4[%add3A, %dma_start3A_36, %dma_start3A_37] : memref<32x80x128xi32, #tpu.memory_space<hbm>> -> memref<1x40x128xi32, #tpu.memory_space<hbm>>
      %dma_start3A_39 = tpu.memref_squeeze %dma_start3A_38 : memref<1x40x128xi32, #tpu.memory_space<hbm>> -> memref<40x128xi32, #tpu.memory_space<hbm>>
      %dma_start3A_40 = arith.constant 0 : i32
      %dma_start3A_41 = arith.constant 0 : i32
      %dma_start3A_42 = tpu.memref_slice %arg4[%add3A, %dma_start3A_40, %dma_start3A_41] : memref<32x80x128xi32, #tpu.memory_space<hbm>> -> memref<1x40x128xi32, #tpu.memory_space<hbm>>
      %dma_start3A_43 = tpu.memref_squeeze %dma_start3A_42 : memref<1x40x128xi32, #tpu.memory_space<hbm>> -> memref<40x128xi32, #tpu.memory_space<hbm>>
      tpu.enqueue_dma source(%dma_start3A_43 : memref<40x128xi32, #tpu.memory_space<hbm>>) target(%arg8 : memref<40x128xi32, #tpu.memory_space<vmem>>) target_semaphore(%run_scoped3A : memref<!tpu.dma_semaphore, #tpu.memory_space<semaphore_mem>>)
      %dma_wait3A = arith.constant 0 : i32
      %dma_wait3A_44 = arith.constant 0 : i32
      %dma_wait3A_45 = tpu.memref_slice %arg4[%add3A, %dma_wait3A, %dma_wait3A_44] : memref<32x80x128xi32, #tpu.memory_space<hbm>> -> memref<1x40x128xi32, #tpu.memory_space<hbm>>
      %dma_wait3A_46 = tpu.memref_squeeze %dma_wait3A_45 : memref<1x40x128xi32, #tpu.memory_space<hbm>> -> memref<40x128xi32, #tpu.memory_space<hbm>>
      %dma_wait3A_47 = arith.constant 0 : i32
      %dma_wait3A_48 = arith.constant 0 : i32
      %dma_wait3A_49 = tpu.memref_slice %arg4[%add3A, %dma_wait3A_47, %dma_wait3A_48] : memref<32x80x128xi32, #tpu.memory_space<hbm>> -> memref<1x40x128xi32, #tpu.memory_space<hbm>>
      %dma_wait3A_50 = tpu.memref_squeeze %dma_wait3A_49 : memref<1x40x128xi32, #tpu.memory_space<hbm>> -> memref<40x128xi32, #tpu.memory_space<hbm>>
      tpu.wait_dma2 semaphore(%run_scoped3A : memref<!tpu.dma_semaphore, #tpu.memory_space<semaphore_mem>>) src(%dma_wait3A_50 : memref<40x128xi32, #tpu.memory_space<hbm>>) dst(%arg8 : memref<40x128xi32, #tpu.memory_space<vmem>>)
      tpu.yield
    }) : () -> ()
    "tpu.region"() ({
      %run_scoped3A = tpu.sem_alloc : memref<!tpu.dma_semaphore, #tpu.memory_space<semaphore_mem>>
      tpu.enqueue_dma source(%arg5 : memref<128x128xf32, #tpu.memory_space<hbm>>) target(%arg10 : memref<128x128xf32, #tpu.memory_space<vmem>>) target_semaphore(%run_scoped3A : memref<!tpu.dma_semaphore, #tpu.memory_space<semaphore_mem>>)
      tpu.wait_dma2 semaphore(%run_scoped3A : memref<!tpu.dma_semaphore, #tpu.memory_space<semaphore_mem>>) src(%arg5 : memref<128x128xf32, #tpu.memory_space<hbm>>) dst(%arg10 : memref<128x128xf32, #tpu.memory_space<vmem>>)
      tpu.yield
    }) : () -> ()
    %scan3A = arith.constant 0 : i32
    %scan3A_7 = arith.constant 0 : i32
    %scan3A_8 = arith.constant 5 : i32
    %scan3A_9 = arith.addi %scan3A_7, %scan3A_8 : i32
    %scan3A_10 = arith.constant 1 : i32
    scf.for %scan3A_36 = %scan3A_7 to %scan3A_9 step %scan3A_10  : i32 {
      %mul3A_37 = arith.constant 16 : i32
      %mul3A_38 = arith.muli %mul3A_37, %scan3A_36 : i32
      %add3A_39 = arith.addi %arg1, %mul3A_38 : i32
      %mul3A_40 = arith.constant 128 : i32
      %mul3A_41 = arith.muli %add3A_39, %mul3A_40 : i32
      "tpu.region"() ({
        %run_scoped3A = tpu.sem_alloc : memref<!tpu.dma_semaphore, #tpu.memory_space<semaphore_mem>>
        %dma_start3A_42 = arith.constant 0 : i32
        %dma_start3A_43 = tpu.memref_slice %arg11[%mul3A_41, %dma_start3A_42] : memref<10240x128xf32, #tpu.memory_space<vmem_shared>> -> memref<128x128xf32, #tpu.memory_space<vmem_shared>>
        %dma_start3A_44 = arith.constant 0 : i32
        %dma_start3A_45 = tpu.memref_slice %arg11[%mul3A_41, %dma_start3A_44] : memref<10240x128xf32, #tpu.memory_space<vmem_shared>> -> memref<128x128xf32, #tpu.memory_space<vmem_shared>>
        tpu.enqueue_dma source(%arg10 : memref<128x128xf32, #tpu.memory_space<vmem>>) target(%dma_start3A_45 : memref<128x128xf32, #tpu.memory_space<vmem_shared>>) target_semaphore(%run_scoped3A : memref<!tpu.dma_semaphore, #tpu.memory_space<semaphore_mem>>)
        %dma_wait3A = arith.constant 0 : i32
        %dma_wait3A_46 = tpu.memref_slice %arg11[%mul3A_41, %dma_wait3A] : memref<10240x128xf32, #tpu.memory_space<vmem_shared>> -> memref<128x128xf32, #tpu.memory_space<vmem_shared>>
        %dma_wait3A_47 = arith.constant 0 : i32
        %dma_wait3A_48 = tpu.memref_slice %arg11[%mul3A_41, %dma_wait3A_47] : memref<10240x128xf32, #tpu.memory_space<vmem_shared>> -> memref<128x128xf32, #tpu.memory_space<vmem_shared>>
        tpu.wait_dma2 semaphore(%run_scoped3A : memref<!tpu.dma_semaphore, #tpu.memory_space<semaphore_mem>>) src(%arg10 : memref<128x128xf32, #tpu.memory_space<vmem>>) dst(%dma_wait3A_48 : memref<128x128xf32, #tpu.memory_space<vmem_shared>>)
        tpu.yield
      }) : () -> ()
    }
    %scan3A_11 = arith.constant 5 : i32
    %barrier3A = arith.constant 0 : index
    tpu.barrier barrier_id(%barrier3A)
    %scan3A_12 = arith.constant 0 : i32
    %scan3A_13 = arith.constant 0 : i32
    %scan3A_14 = arith.constant 20 : i32
    %scan3A_15 = arith.addi %scan3A_13, %scan3A_14 : i32
    %scan3A_16 = arith.constant 1 : i32
    scf.for %scan3A_36 = %scan3A_13 to %scan3A_15 step %scan3A_16  : i32 {
      %mul3A_37 = arith.constant 2 : i32
      %mul3A_38 = arith.muli %mul3A_37, %scan3A_36 : i32
      %dma_wait3A = arith.constant 0 : i32
      %dma_wait3A_39 = tpu.memref_slice %arg7[%mul3A_38, %dma_wait3A] : memref<40x128xi32, #tpu.memory_space<vmem>> -> memref<1x128xi32, #tpu.memory_space<vmem>>
      %dma_wait3A_40 = tpu.memref_squeeze %dma_wait3A_39 : memref<1x128xi32, #tpu.memory_space<vmem>> -> memref<128xi32, #tpu.memory_space<vmem>>
      %dma_wait3A_41 = arith.constant 0 : i32
      %dma_wait3A_42 = arith.constant 0 : i32
      %dma_wait3A_43 = tpu.memref_slice %arg2[%dma_wait3A_41, %dma_wait3A_42] : memref<10240x128xf32, #tpu.memory_space<hbm>> -> memref<10240x128xf32, #tpu.memory_space<hbm>>
      tpu.wait_indirect_dma semaphore(%arg12 : memref<!tpu.dma_semaphore, #tpu.memory_space<semaphore_mem>>) src(%dma_wait3A_43 : memref<10240x128xf32, #tpu.memory_space<hbm>>) dst(%arg9 : memref<128x128xf32, #tpu.memory_space<vmem>>)
      %add3A_44 = arith.constant 1 : i32
      %add3A_45 = arith.addi %mul3A_38, %add3A_44 : i32
      %dma_start3A_46 = arith.constant 0 : i32
      %dma_start3A_47 = tpu.memref_slice %arg7[%add3A_45, %dma_start3A_46] : memref<40x128xi32, #tpu.memory_space<vmem>> -> memref<1x128xi32, #tpu.memory_space<vmem>>
      %dma_start3A_48 = tpu.memref_squeeze %dma_start3A_47 : memref<1x128xi32, #tpu.memory_space<vmem>> -> memref<128xi32, #tpu.memory_space<vmem>>
      %dma_start3A_49 = arith.constant 0 : i32
      %dma_start3A_50 = arith.constant 0 : i32
      %dma_start3A_51 = tpu.memref_slice %arg2[%dma_start3A_49, %dma_start3A_50] : memref<10240x128xf32, #tpu.memory_space<hbm>> -> memref<10240x128xf32, #tpu.memory_space<hbm>>
      tpu.enqueue_indirect_dma source(%dma_start3A_51 : memref<10240x128xf32, #tpu.memory_space<hbm>>) target(%arg10 : memref<128x128xf32, #tpu.memory_space<vmem>>) offsets(%dma_start3A_48 : memref<128xi32, #tpu.memory_space<vmem>>) semaphore(%arg13 : memref<!tpu.dma_semaphore, #tpu.memory_space<semaphore_mem>>)
      "tpu.region"() ({
        %run_scoped3A = tpu.sem_alloc : memref<!tpu.dma_semaphore, #tpu.memory_space<semaphore_mem>>
        %dma_start3A_66 = arith.constant 0 : i32
        %dma_start3A_67 = tpu.memref_slice %arg8[%mul3A_38, %dma_start3A_66] : memref<40x128xi32, #tpu.memory_space<vmem>> -> memref<1x128xi32, #tpu.memory_space<vmem>>
        %dma_start3A_68 = tpu.memref_squeeze %dma_start3A_67 : memref<1x128xi32, #tpu.memory_space<vmem>> -> memref<128xi32, #tpu.memory_space<vmem>>
        %dma_start3A_69 = arith.constant 0 : i32
        %dma_start3A_70 = arith.constant 0 : i32
        %dma_start3A_71 = tpu.memref_slice %arg11[%dma_start3A_69, %dma_start3A_70] : memref<10240x128xf32, #tpu.memory_space<vmem_shared>> -> memref<10240x128xf32, #tpu.memory_space<vmem_shared>>
        tpu.enqueue_indirect_dma source(%arg9 : memref<128x128xf32, #tpu.memory_space<vmem>>) target(%dma_start3A_71 : memref<10240x128xf32, #tpu.memory_space<vmem_shared>>) offsets(%dma_start3A_68 : memref<128xi32, #tpu.memory_space<vmem>>) semaphore(%run_scoped3A : memref<!tpu.dma_semaphore, #tpu.memory_space<semaphore_mem>>) {add = true}
        %dma_wait3A_72 = arith.constant 0 : i32
        %dma_wait3A_73 = tpu.memref_slice %arg8[%mul3A_38, %dma_wait3A_72] : memref<40x128xi32, #tpu.memory_space<vmem>> -> memref<1x128xi32, #tpu.memory_space<vmem>>
        %dma_wait3A_74 = tpu.memref_squeeze %dma_wait3A_73 : memref<1x128xi32, #tpu.memory_space<vmem>> -> memref<128xi32, #tpu.memory_space<vmem>>
        %dma_wait3A_75 = arith.constant 0 : i32
        %dma_wait3A_76 = arith.constant 0 : i32
        %dma_wait3A_77 = tpu.memref_slice %arg11[%dma_wait3A_75, %dma_wait3A_76] : memref<10240x128xf32, #tpu.memory_space<vmem_shared>> -> memref<10240x128xf32, #tpu.memory_space<vmem_shared>>
        tpu.wait_indirect_dma semaphore(%run_scoped3A : memref<!tpu.dma_semaphore, #tpu.memory_space<semaphore_mem>>) src(%arg9 : memref<128x128xf32, #tpu.memory_space<vmem>>) dst(%dma_wait3A_77 : memref<10240x128xf32, #tpu.memory_space<vmem_shared>>)
        tpu.yield
      }) : () -> ()
      %add3A_52 = arith.constant 1 : i32
      %add3A_53 = arith.addi %mul3A_38, %add3A_52 : i32
      %dma_wait3A_54 = arith.constant 0 : i32
      %dma_wait3A_55 = tpu.memref_slice %arg7[%add3A_53, %dma_wait3A_54] : memref<40x128xi32, #tpu.memory_space<vmem>> -> memref<1x128xi32, #tpu.memory_space<vmem>>
      %dma_wait3A_56 = tpu.memref_squeeze %dma_wait3A_55 : memref<1x128xi32, #tpu.memory_space<vmem>> -> memref<128xi32, #tpu.memory_space<vmem>>
      %dma_wait3A_57 = arith.constant 0 : i32
      %dma_wait3A_58 = arith.constant 0 : i32
      %dma_wait3A_59 = tpu.memref_slice %arg2[%dma_wait3A_57, %dma_wait3A_58] : memref<10240x128xf32, #tpu.memory_space<hbm>> -> memref<10240x128xf32, #tpu.memory_space<hbm>>
      tpu.wait_indirect_dma semaphore(%arg13 : memref<!tpu.dma_semaphore, #tpu.memory_space<semaphore_mem>>) src(%dma_wait3A_59 : memref<10240x128xf32, #tpu.memory_space<hbm>>) dst(%arg10 : memref<128x128xf32, #tpu.memory_space<vmem>>)
      %add3A_60 = arith.constant 1 : i32
      %add3A_61 = arith.addi %scan3A_36, %add3A_60 : i32
      %lt3A = arith.constant 20 : i32
      %lt3A_62 = arith.cmpi slt, %add3A_61, %lt3A : i32
      %convert_element_type3A = arith.extui %lt3A_62 : i1 to i32
      %cond3A = arith.constant 0 : i32
      %cond3A_63 = arith.cmpi ne, %convert_element_type3A, %cond3A : i32
      scf.if %cond3A_63 {
        %add3A_66 = arith.constant 2 : i32
        %add3A_67 = arith.addi %mul3A_38, %add3A_66 : i32
        %dma_start3A_68 = arith.constant 0 : i32
        %dma_start3A_69 = tpu.memref_slice %arg7[%add3A_67, %dma_start3A_68] : memref<40x128xi32, #tpu.memory_space<vmem>> -> memref<1x128xi32, #tpu.memory_space<vmem>>
        %dma_start3A_70 = tpu.memref_squeeze %dma_start3A_69 : memref<1x128xi32, #tpu.memory_space<vmem>> -> memref<128xi32, #tpu.memory_space<vmem>>
        %dma_start3A_71 = arith.constant 0 : i32
        %dma_start3A_72 = arith.constant 0 : i32
        %dma_start3A_73 = tpu.memref_slice %arg2[%dma_start3A_71, %dma_start3A_72] : memref<10240x128xf32, #tpu.memory_space<hbm>> -> memref<10240x128xf32, #tpu.memory_space<hbm>>
        tpu.enqueue_indirect_dma source(%dma_start3A_73 : memref<10240x128xf32, #tpu.memory_space<hbm>>) target(%arg9 : memref<128x128xf32, #tpu.memory_space<vmem>>) offsets(%dma_start3A_70 : memref<128xi32, #tpu.memory_space<vmem>>) semaphore(%arg12 : memref<!tpu.dma_semaphore, #tpu.memory_space<semaphore_mem>>)
      } else {
      }
      %add3A_64 = arith.constant 1 : i32
      %add3A_65 = arith.addi %mul3A_38, %add3A_64 : i32
      "tpu.region"() ({
        %run_scoped3A = tpu.sem_alloc : memref<!tpu.dma_semaphore, #tpu.memory_space<semaphore_mem>>
        %dma_start3A_66 = arith.constant 0 : i32
        %dma_start3A_67 = tpu.memref_slice %arg8[%add3A_65, %dma_start3A_66] : memref<40x128xi32, #tpu.memory_space<vmem>> -> memref<1x128xi32, #tpu.memory_space<vmem>>
        %dma_start3A_68 = tpu.memref_squeeze %dma_start3A_67 : memref<1x128xi32, #tpu.memory_space<vmem>> -> memref<128xi32, #tpu.memory_space<vmem>>
        %dma_start3A_69 = arith.constant 0 : i32
        %dma_start3A_70 = arith.constant 0 : i32
        %dma_start3A_71 = tpu.memref_slice %arg11[%dma_start3A_69, %dma_start3A_70] : memref<10240x128xf32, #tpu.memory_space<vmem_shared>> -> memref<10240x128xf32, #tpu.memory_space<vmem_shared>>
        tpu.enqueue_indirect_dma source(%arg10 : memref<128x128xf32, #tpu.memory_space<vmem>>) target(%dma_start3A_71 : memref<10240x128xf32, #tpu.memory_space<vmem_shared>>) offsets(%dma_start3A_68 : memref<128xi32, #tpu.memory_space<vmem>>) semaphore(%run_scoped3A : memref<!tpu.dma_semaphore, #tpu.memory_space<semaphore_mem>>) {add = true}
        %dma_wait3A_72 = arith.constant 0 : i32
        %dma_wait3A_73 = tpu.memref_slice %arg8[%add3A_65, %dma_wait3A_72] : memref<40x128xi32, #tpu.memory_space<vmem>> -> memref<1x128xi32, #tpu.memory_space<vmem>>
        %dma_wait3A_74 = tpu.memref_squeeze %dma_wait3A_73 : memref<1x128xi32, #tpu.memory_space<vmem>> -> memref<128xi32, #tpu.memory_space<vmem>>
        %dma_wait3A_75 = arith.constant 0 : i32
        %dma_wait3A_76 = arith.constant 0 : i32
        %dma_wait3A_77 = tpu.memref_slice %arg11[%dma_wait3A_75, %dma_wait3A_76] : memref<10240x128xf32, #tpu.memory_space<vmem_shared>> -> memref<10240x128xf32, #tpu.memory_space<vmem_shared>>
        tpu.wait_indirect_dma semaphore(%run_scoped3A : memref<!tpu.dma_semaphore, #tpu.memory_space<semaphore_mem>>) src(%arg10 : memref<128x128xf32, #tpu.memory_space<vmem>>) dst(%dma_wait3A_77 : memref<10240x128xf32, #tpu.memory_space<vmem_shared>>)
        tpu.yield
      }) : () -> ()
    }
    %scan3A_17 = arith.constant 20 : i32
    "tpu.region"() ({
      %run_scoped3A = tpu.sem_alloc : memref<!tpu.dma_semaphore, #tpu.memory_space<semaphore_mem>>
      %dma_start3A_36 = arith.constant 40 : i32
      %dma_start3A_37 = arith.constant 0 : i32
      %dma_start3A_38 = tpu.memref_slice %arg3[%add3A, %dma_start3A_36, %dma_start3A_37] : memref<32x80x128xi32, #tpu.memory_space<hbm>> -> memref<1x40x128xi32, #tpu.memory_space<hbm>>
      %dma_start3A_39 = tpu.memref_squeeze %dma_start3A_38 : memref<1x40x128xi32, #tpu.memory_space<hbm>> -> memref<40x128xi32, #tpu.memory_space<hbm>>
      %dma_start3A_40 = arith.constant 40 : i32
      %dma_start3A_41 = arith.constant 0 : i32
      %dma_start3A_42 = tpu.memref_slice %arg3[%add3A, %dma_start3A_40, %dma_start3A_41] : memref<32x80x128xi32, #tpu.memory_space<hbm>> -> memref<1x40x128xi32, #tpu.memory_space<hbm>>
      %dma_start3A_43 = tpu.memref_squeeze %dma_start3A_42 : memref<1x40x128xi32, #tpu.memory_space<hbm>> -> memref<40x128xi32, #tpu.memory_space<hbm>>
      tpu.enqueue_dma source(%dma_start3A_43 : memref<40x128xi32, #tpu.memory_space<hbm>>) target(%arg7 : memref<40x128xi32, #tpu.memory_space<vmem>>) target_semaphore(%run_scoped3A : memref<!tpu.dma_semaphore, #tpu.memory_space<semaphore_mem>>)
      %dma_wait3A = arith.constant 40 : i32
      %dma_wait3A_44 = arith.constant 0 : i32
      %dma_wait3A_45 = tpu.memref_slice %arg3[%add3A, %dma_wait3A, %dma_wait3A_44] : memref<32x80x128xi32, #tpu.memory_space<hbm>> -> memref<1x40x128xi32, #tpu.memory_space<hbm>>
      %dma_wait3A_46 = tpu.memref_squeeze %dma_wait3A_45 : memref<1x40x128xi32, #tpu.memory_space<hbm>> -> memref<40x128xi32, #tpu.memory_space<hbm>>
      %dma_wait3A_47 = arith.constant 40 : i32
      %dma_wait3A_48 = arith.constant 0 : i32
      %dma_wait3A_49 = tpu.memref_slice %arg3[%add3A, %dma_wait3A_47, %dma_wait3A_48] : memref<32x80x128xi32, #tpu.memory_space<hbm>> -> memref<1x40x128xi32, #tpu.memory_space<hbm>>
      %dma_wait3A_50 = tpu.memref_squeeze %dma_wait3A_49 : memref<1x40x128xi32, #tpu.memory_space<hbm>> -> memref<40x128xi32, #tpu.memory_space<hbm>>
      tpu.wait_dma2 semaphore(%run_scoped3A : memref<!tpu.dma_semaphore, #tpu.memory_space<semaphore_mem>>) src(%dma_wait3A_50 : memref<40x128xi32, #tpu.memory_space<hbm>>) dst(%arg7 : memref<40x128xi32, #tpu.memory_space<vmem>>)
      tpu.yield
    }) : () -> ()
    "tpu.region"() ({
      %run_scoped3A = tpu.sem_alloc : memref<!tpu.dma_semaphore, #tpu.memory_space<semaphore_mem>>
      %dma_start3A_36 = arith.constant 40 : i32
      %dma_start3A_37 = arith.constant 0 : i32
      %dma_start3A_38 = tpu.memref_slice %arg4[%add3A, %dma_start3A_36, %dma_start3A_37] : memref<32x80x128xi32, #tpu.memory_space<hbm>> -> memref<1x40x128xi32, #tpu.memory_space<hbm>>
      %dma_start3A_39 = tpu.memref_squeeze %dma_start3A_38 : memref<1x40x128xi32, #tpu.memory_space<hbm>> -> memref<40x128xi32, #tpu.memory_space<hbm>>
      %dma_start3A_40 = arith.constant 40 : i32
      %dma_start3A_41 = arith.constant 0 : i32
      %dma_start3A_42 = tpu.memref_slice %arg4[%add3A, %dma_start3A_40, %dma_start3A_41] : memref<32x80x128xi32, #tpu.memory_space<hbm>> -> memref<1x40x128xi32, #tpu.memory_space<hbm>>
      %dma_start3A_43 = tpu.memref_squeeze %dma_start3A_42 : memref<1x40x128xi32, #tpu.memory_space<hbm>> -> memref<40x128xi32, #tpu.memory_space<hbm>>
      tpu.enqueue_dma source(%dma_start3A_43 : memref<40x128xi32, #tpu.memory_space<hbm>>) target(%arg8 : memref<40x128xi32, #tpu.memory_space<vmem>>) target_semaphore(%run_scoped3A : memref<!tpu.dma_semaphore, #tpu.memory_space<semaphore_mem>>)
      %dma_wait3A = arith.constant 40 : i32
      %dma_wait3A_44 = arith.constant 0 : i32
      %dma_wait3A_45 = tpu.memref_slice %arg4[%add3A, %dma_wait3A, %dma_wait3A_44] : memref<32x80x128xi32, #tpu.memory_space<hbm>> -> memref<1x40x128xi32, #tpu.memory_space<hbm>>
      %dma_wait3A_46 = tpu.memref_squeeze %dma_wait3A_45 : memref<1x40x128xi32, #tpu.memory_space<hbm>> -> memref<40x128xi32, #tpu.memory_space<hbm>>
      %dma_wait3A_47 = arith.constant 40 : i32
      %dma_wait3A_48 = arith.constant 0 : i32
      %dma_wait3A_49 = tpu.memref_slice %arg4[%add3A, %dma_wait3A_47, %dma_wait3A_48] : memref<32x80x128xi32, #tpu.memory_space<hbm>> -> memref<1x40x128xi32, #tpu.memory_space<hbm>>
      %dma_wait3A_50 = tpu.memref_squeeze %dma_wait3A_49 : memref<1x40x128xi32, #tpu.memory_space<hbm>> -> memref<40x128xi32, #tpu.memory_space<hbm>>
      tpu.wait_dma2 semaphore(%run_scoped3A : memref<!tpu.dma_semaphore, #tpu.memory_space<semaphore_mem>>) src(%dma_wait3A_50 : memref<40x128xi32, #tpu.memory_space<hbm>>) dst(%arg8 : memref<40x128xi32, #tpu.memory_space<vmem>>)
      tpu.yield
    }) : () -> ()
    %dma_start3A_18 = arith.constant 0 : i32
    %dma_start3A_19 = arith.constant 0 : i32
    %dma_start3A_20 = tpu.memref_slice %arg7[%dma_start3A_18, %dma_start3A_19] : memref<40x128xi32, #tpu.memory_space<vmem>> -> memref<1x128xi32, #tpu.memory_space<vmem>>
    %dma_start3A_21 = tpu.memref_squeeze %dma_start3A_20 : memref<1x128xi32, #tpu.memory_space<vmem>> -> memref<128xi32, #tpu.memory_space<vmem>>
    %dma_start3A_22 = arith.constant 0 : i32
    %dma_start3A_23 = arith.constant 0 : i32
    %dma_start3A_24 = tpu.memref_slice %arg2[%dma_start3A_22, %dma_start3A_23] : memref<10240x128xf32, #tpu.memory_space<hbm>> -> memref<10240x128xf32, #tpu.memory_space<hbm>>
    tpu.enqueue_indirect_dma source(%dma_start3A_24 : memref<10240x128xf32, #tpu.memory_space<hbm>>) target(%arg9 : memref<128x128xf32, #tpu.memory_space<vmem>>) offsets(%dma_start3A_21 : memref<128xi32, #tpu.memory_space<vmem>>) semaphore(%arg12 : memref<!tpu.dma_semaphore, #tpu.memory_space<semaphore_mem>>)
    %scan3A_25 = arith.constant 0 : i32
    %scan3A_26 = arith.constant 0 : i32
    %scan3A_27 = arith.constant 20 : i32
    %scan3A_28 = arith.addi %scan3A_26, %scan3A_27 : i32
    %scan3A_29 = arith.constant 1 : i32
    scf.for %scan3A_36 = %scan3A_26 to %scan3A_28 step %scan3A_29  : i32 {
      %mul3A_37 = arith.constant 2 : i32
      %mul3A_38 = arith.muli %mul3A_37, %scan3A_36 : i32
      %dma_wait3A = arith.constant 0 : i32
      %dma_wait3A_39 = tpu.memref_slice %arg7[%mul3A_38, %dma_wait3A] : memref<40x128xi32, #tpu.memory_space<vmem>> -> memref<1x128xi32, #tpu.memory_space<vmem>>
      %dma_wait3A_40 = tpu.memref_squeeze %dma_wait3A_39 : memref<1x128xi32, #tpu.memory_space<vmem>> -> memref<128xi32, #tpu.memory_space<vmem>>
      %dma_wait3A_41 = arith.constant 0 : i32
      %dma_wait3A_42 = arith.constant 0 : i32
      %dma_wait3A_43 = tpu.memref_slice %arg2[%dma_wait3A_41, %dma_wait3A_42] : memref<10240x128xf32, #tpu.memory_space<hbm>> -> memref<10240x128xf32, #tpu.memory_space<hbm>>
      tpu.wait_indirect_dma semaphore(%arg12 : memref<!tpu.dma_semaphore, #tpu.memory_space<semaphore_mem>>) src(%dma_wait3A_43 : memref<10240x128xf32, #tpu.memory_space<hbm>>) dst(%arg9 : memref<128x128xf32, #tpu.memory_space<vmem>>)
      %add3A_44 = arith.constant 1 : i32
      %add3A_45 = arith.addi %mul3A_38, %add3A_44 : i32
      %dma_start3A_46 = arith.constant 0 : i32
      %dma_start3A_47 = tpu.memref_slice %arg7[%add3A_45, %dma_start3A_46] : memref<40x128xi32, #tpu.memory_space<vmem>> -> memref<1x128xi32, #tpu.memory_space<vmem>>
      %dma_start3A_48 = tpu.memref_squeeze %dma_start3A_47 : memref<1x128xi32, #tpu.memory_space<vmem>> -> memref<128xi32, #tpu.memory_space<vmem>>
      %dma_start3A_49 = arith.constant 0 : i32
      %dma_start3A_50 = arith.constant 0 : i32
      %dma_start3A_51 = tpu.memref_slice %arg2[%dma_start3A_49, %dma_start3A_50] : memref<10240x128xf32, #tpu.memory_space<hbm>> -> memref<10240x128xf32, #tpu.memory_space<hbm>>
      tpu.enqueue_indirect_dma source(%dma_start3A_51 : memref<10240x128xf32, #tpu.memory_space<hbm>>) target(%arg10 : memref<128x128xf32, #tpu.memory_space<vmem>>) offsets(%dma_start3A_48 : memref<128xi32, #tpu.memory_space<vmem>>) semaphore(%arg13 : memref<!tpu.dma_semaphore, #tpu.memory_space<semaphore_mem>>)
      "tpu.region"() ({
        %run_scoped3A = tpu.sem_alloc : memref<!tpu.dma_semaphore, #tpu.memory_space<semaphore_mem>>
        %dma_start3A_66 = arith.constant 0 : i32
        %dma_start3A_67 = tpu.memref_slice %arg8[%mul3A_38, %dma_start3A_66] : memref<40x128xi32, #tpu.memory_space<vmem>> -> memref<1x128xi32, #tpu.memory_space<vmem>>
        %dma_start3A_68 = tpu.memref_squeeze %dma_start3A_67 : memref<1x128xi32, #tpu.memory_space<vmem>> -> memref<128xi32, #tpu.memory_space<vmem>>
        %dma_start3A_69 = arith.constant 0 : i32
        %dma_start3A_70 = arith.constant 0 : i32
        %dma_start3A_71 = tpu.memref_slice %arg11[%dma_start3A_69, %dma_start3A_70] : memref<10240x128xf32, #tpu.memory_space<vmem_shared>> -> memref<10240x128xf32, #tpu.memory_space<vmem_shared>>
        tpu.enqueue_indirect_dma source(%arg9 : memref<128x128xf32, #tpu.memory_space<vmem>>) target(%dma_start3A_71 : memref<10240x128xf32, #tpu.memory_space<vmem_shared>>) offsets(%dma_start3A_68 : memref<128xi32, #tpu.memory_space<vmem>>) semaphore(%run_scoped3A : memref<!tpu.dma_semaphore, #tpu.memory_space<semaphore_mem>>) {add = true}
        %dma_wait3A_72 = arith.constant 0 : i32
        %dma_wait3A_73 = tpu.memref_slice %arg8[%mul3A_38, %dma_wait3A_72] : memref<40x128xi32, #tpu.memory_space<vmem>> -> memref<1x128xi32, #tpu.memory_space<vmem>>
        %dma_wait3A_74 = tpu.memref_squeeze %dma_wait3A_73 : memref<1x128xi32, #tpu.memory_space<vmem>> -> memref<128xi32, #tpu.memory_space<vmem>>
        %dma_wait3A_75 = arith.constant 0 : i32
        %dma_wait3A_76 = arith.constant 0 : i32
        %dma_wait3A_77 = tpu.memref_slice %arg11[%dma_wait3A_75, %dma_wait3A_76] : memref<10240x128xf32, #tpu.memory_space<vmem_shared>> -> memref<10240x128xf32, #tpu.memory_space<vmem_shared>>
        tpu.wait_indirect_dma semaphore(%run_scoped3A : memref<!tpu.dma_semaphore, #tpu.memory_space<semaphore_mem>>) src(%arg9 : memref<128x128xf32, #tpu.memory_space<vmem>>) dst(%dma_wait3A_77 : memref<10240x128xf32, #tpu.memory_space<vmem_shared>>)
        tpu.yield
      }) : () -> ()
      %add3A_52 = arith.constant 1 : i32
      %add3A_53 = arith.addi %mul3A_38, %add3A_52 : i32
      %dma_wait3A_54 = arith.constant 0 : i32
      %dma_wait3A_55 = tpu.memref_slice %arg7[%add3A_53, %dma_wait3A_54] : memref<40x128xi32, #tpu.memory_space<vmem>> -> memref<1x128xi32, #tpu.memory_space<vmem>>
      %dma_wait3A_56 = tpu.memref_squeeze %dma_wait3A_55 : memref<1x128xi32, #tpu.memory_space<vmem>> -> memref<128xi32, #tpu.memory_space<vmem>>
      %dma_wait3A_57 = arith.constant 0 : i32
      %dma_wait3A_58 = arith.constant 0 : i32
      %dma_wait3A_59 = tpu.memref_slice %arg2[%dma_wait3A_57, %dma_wait3A_58] : memref<10240x128xf32, #tpu.memory_space<hbm>> -> memref<10240x128xf32, #tpu.memory_space<hbm>>
      tpu.wait_indirect_dma semaphore(%arg13 : memref<!tpu.dma_semaphore, #tpu.memory_space<semaphore_mem>>) src(%dma_wait3A_59 : memref<10240x128xf32, #tpu.memory_space<hbm>>) dst(%arg10 : memref<128x128xf32, #tpu.memory_space<vmem>>)
      %add3A_60 = arith.constant 1 : i32
      %add3A_61 = arith.addi %scan3A_36, %add3A_60 : i32
      %lt3A = arith.constant 20 : i32
      %lt3A_62 = arith.cmpi slt, %add3A_61, %lt3A : i32
      %convert_element_type3A = arith.extui %lt3A_62 : i1 to i32
      %cond3A = arith.constant 0 : i32
      %cond3A_63 = arith.cmpi ne, %convert_element_type3A, %cond3A : i32
      scf.if %cond3A_63 {
        %add3A_66 = arith.constant 2 : i32
        %add3A_67 = arith.addi %mul3A_38, %add3A_66 : i32
        %dma_start3A_68 = arith.constant 0 : i32
        %dma_start3A_69 = tpu.memref_slice %arg7[%add3A_67, %dma_start3A_68] : memref<40x128xi32, #tpu.memory_space<vmem>> -> memref<1x128xi32, #tpu.memory_space<vmem>>
        %dma_start3A_70 = tpu.memref_squeeze %dma_start3A_69 : memref<1x128xi32, #tpu.memory_space<vmem>> -> memref<128xi32, #tpu.memory_space<vmem>>
        %dma_start3A_71 = arith.constant 0 : i32
        %dma_start3A_72 = arith.constant 0 : i32
        %dma_start3A_73 = tpu.memref_slice %arg2[%dma_start3A_71, %dma_start3A_72] : memref<10240x128xf32, #tpu.memory_space<hbm>> -> memref<10240x128xf32, #tpu.memory_space<hbm>>
        tpu.enqueue_indirect_dma source(%dma_start3A_73 : memref<10240x128xf32, #tpu.memory_space<hbm>>) target(%arg9 : memref<128x128xf32, #tpu.memory_space<vmem>>) offsets(%dma_start3A_70 : memref<128xi32, #tpu.memory_space<vmem>>) semaphore(%arg12 : memref<!tpu.dma_semaphore, #tpu.memory_space<semaphore_mem>>)
      } else {
      }
      %add3A_64 = arith.constant 1 : i32
      %add3A_65 = arith.addi %mul3A_38, %add3A_64 : i32
      "tpu.region"() ({
        %run_scoped3A = tpu.sem_alloc : memref<!tpu.dma_semaphore, #tpu.memory_space<semaphore_mem>>
        %dma_start3A_66 = arith.constant 0 : i32
        %dma_start3A_67 = tpu.memref_slice %arg8[%add3A_65, %dma_start3A_66] : memref<40x128xi32, #tpu.memory_space<vmem>> -> memref<1x128xi32, #tpu.memory_space<vmem>>
        %dma_start3A_68 = tpu.memref_squeeze %dma_start3A_67 : memref<1x128xi32, #tpu.memory_space<vmem>> -> memref<128xi32, #tpu.memory_space<vmem>>
        %dma_start3A_69 = arith.constant 0 : i32
        %dma_start3A_70 = arith.constant 0 : i32
        %dma_start3A_71 = tpu.memref_slice %arg11[%dma_start3A_69, %dma_start3A_70] : memref<10240x128xf32, #tpu.memory_space<vmem_shared>> -> memref<10240x128xf32, #tpu.memory_space<vmem_shared>>
        tpu.enqueue_indirect_dma source(%arg10 : memref<128x128xf32, #tpu.memory_space<vmem>>) target(%dma_start3A_71 : memref<10240x128xf32, #tpu.memory_space<vmem_shared>>) offsets(%dma_start3A_68 : memref<128xi32, #tpu.memory_space<vmem>>) semaphore(%run_scoped3A : memref<!tpu.dma_semaphore, #tpu.memory_space<semaphore_mem>>) {add = true}
        %dma_wait3A_72 = arith.constant 0 : i32
        %dma_wait3A_73 = tpu.memref_slice %arg8[%add3A_65, %dma_wait3A_72] : memref<40x128xi32, #tpu.memory_space<vmem>> -> memref<1x128xi32, #tpu.memory_space<vmem>>
        %dma_wait3A_74 = tpu.memref_squeeze %dma_wait3A_73 : memref<1x128xi32, #tpu.memory_space<vmem>> -> memref<128xi32, #tpu.memory_space<vmem>>
        %dma_wait3A_75 = arith.constant 0 : i32
        %dma_wait3A_76 = arith.constant 0 : i32
        %dma_wait3A_77 = tpu.memref_slice %arg11[%dma_wait3A_75, %dma_wait3A_76] : memref<10240x128xf32, #tpu.memory_space<vmem_shared>> -> memref<10240x128xf32, #tpu.memory_space<vmem_shared>>
        tpu.wait_indirect_dma semaphore(%run_scoped3A : memref<!tpu.dma_semaphore, #tpu.memory_space<semaphore_mem>>) src(%arg10 : memref<128x128xf32, #tpu.memory_space<vmem>>) dst(%dma_wait3A_77 : memref<10240x128xf32, #tpu.memory_space<vmem_shared>>)
        tpu.yield
      }) : () -> ()
    }
    %scan3A_30 = arith.constant 20 : i32
    %barrier3A_31 = arith.constant 0 : index
    tpu.barrier barrier_id(%barrier3A_31)
    %mul3A_32 = arith.constant 640 : i32
    %mul3A_33 = arith.muli %arg1, %mul3A_32 : i32
    %mul3A_34 = arith.constant 640 : i32
    %mul3A_35 = arith.muli %arg1, %mul3A_34 : i32
    "tpu.region"() ({
      %run_scoped3A = tpu.sem_alloc : memref<!tpu.dma_semaphore, #tpu.memory_space<semaphore_mem>>
      %dma_start3A_36 = arith.constant 0 : i32
      %dma_start3A_37 = tpu.memref_slice %arg6[%arg0, %mul3A_35, %dma_start3A_36] : memref<2x10240x128xf32, #tpu.memory_space<hbm>> -> memref<1x640x128xf32, #tpu.memory_space<hbm>>
      %dma_start3A_38 = tpu.memref_squeeze %dma_start3A_37 : memref<1x640x128xf32, #tpu.memory_space<hbm>> -> memref<640x128xf32, #tpu.memory_space<hbm>>
      %dma_start3A_39 = arith.constant 0 : i32
      %dma_start3A_40 = tpu.memref_slice %arg11[%mul3A_33, %dma_start3A_39] : memref<10240x128xf32, #tpu.memory_space<vmem_shared>> -> memref<640x128xf32, #tpu.memory_space<vmem_shared>>
      tpu.enqueue_dma source(%dma_start3A_40 : memref<640x128xf32, #tpu.memory_space<vmem_shared>>) target(%dma_start3A_38 : memref<640x128xf32, #tpu.memory_space<hbm>>) target_semaphore(%run_scoped3A : memref<!tpu.dma_semaphore, #tpu.memory_space<semaphore_mem>>)
      %dma_wait3A = arith.constant 0 : i32
      %dma_wait3A_41 = tpu.memref_slice %arg6[%arg0, %mul3A_35, %dma_wait3A] : memref<2x10240x128xf32, #tpu.memory_space<hbm>> -> memref<1x640x128xf32, #tpu.memory_space<hbm>>
      %dma_wait3A_42 = tpu.memref_squeeze %dma_wait3A_41 : memref<1x640x128xf32, #tpu.memory_space<hbm>> -> memref<640x128xf32, #tpu.memory_space<hbm>>
      %dma_wait3A_43 = arith.constant 0 : i32
      %dma_wait3A_44 = tpu.memref_slice %arg11[%mul3A_33, %dma_wait3A_43] : memref<10240x128xf32, #tpu.memory_space<vmem_shared>> -> memref<640x128xf32, #tpu.memory_space<vmem_shared>>
      tpu.wait_dma2 semaphore(%run_scoped3A : memref<!tpu.dma_semaphore, #tpu.memory_space<semaphore_mem>>) src(%dma_wait3A_44 : memref<640x128xf32, #tpu.memory_space<vmem_shared>>) dst(%dma_wait3A_42 : memref<640x128xf32, #tpu.memory_space<hbm>>)
      tpu.yield
    }) : () -> ()
    return
  }
}

#map = affine_map<(d0, d1) -> (0, 0, 0)>
#map1 = affine_map<(d0, d1) -> (0, 0)>
module attributes {stable_mosaic.version = 14 : i64} {
  func.func @_deg_body(%arg0: i32, %arg1: i32, %arg2: memref<32x80x128xi32, #tpu.memory_space<hbm>>, %arg3: memref<128x128xf32, #tpu.memory_space<hbm>>, %arg4: memref<128x128xf32, #tpu.memory_space<hbm>>, %arg5: memref<2x10240x128xf32, #tpu.memory_space<hbm>>, %arg6: memref<80x128xi32, #tpu.memory_space<vmem>>, %arg7: memref<128x128xf32, #tpu.memory_space<vmem>>, %arg8: memref<128x128xf32, #tpu.memory_space<vmem>>, %arg9: memref<10240x128xf32, #tpu.memory_space<vmem_shared>>) attributes {dimension_semantics = [#tpu.dimension_semantics<core_parallel>, #tpu.dimension_semantics<subcore_parallel>], iteration_bounds = array<i64: 2, 16>, scalar_prefetch = 0 : i64, scratch_operands = 4 : i64, tpu.core_type = #tpu.core_type<sc_vector_subcore>, window_params = [{transform_indices = #map}, {transform_indices = #map1}, {transform_indices = #map1}, {transform_indices = #map}]} {
    %mul3A = arith.constant 2 : i32
    %mul3A_0 = arith.muli %arg1, %mul3A : i32
    %add3A = arith.addi %mul3A_0, %arg0 : i32
    "tpu.region"() ({
      %run_scoped3A = tpu.sem_alloc : memref<!tpu.dma_semaphore, #tpu.memory_space<semaphore_mem>>
      %dma_start3A = arith.constant 0 : i32
      %dma_start3A_17 = arith.constant 0 : i32
      %dma_start3A_18 = tpu.memref_slice %arg2[%add3A, %dma_start3A, %dma_start3A_17] : memref<32x80x128xi32, #tpu.memory_space<hbm>> -> memref<1x80x128xi32, #tpu.memory_space<hbm>>
      %dma_start3A_19 = tpu.memref_squeeze %dma_start3A_18 : memref<1x80x128xi32, #tpu.memory_space<hbm>> -> memref<80x128xi32, #tpu.memory_space<hbm>>
      %dma_start3A_20 = arith.constant 0 : i32
      %dma_start3A_21 = arith.constant 0 : i32
      %dma_start3A_22 = tpu.memref_slice %arg2[%add3A, %dma_start3A_20, %dma_start3A_21] : memref<32x80x128xi32, #tpu.memory_space<hbm>> -> memref<1x80x128xi32, #tpu.memory_space<hbm>>
      %dma_start3A_23 = tpu.memref_squeeze %dma_start3A_22 : memref<1x80x128xi32, #tpu.memory_space<hbm>> -> memref<80x128xi32, #tpu.memory_space<hbm>>
      tpu.enqueue_dma source(%dma_start3A_23 : memref<80x128xi32, #tpu.memory_space<hbm>>) target(%arg6 : memref<80x128xi32, #tpu.memory_space<vmem>>) target_semaphore(%run_scoped3A : memref<!tpu.dma_semaphore, #tpu.memory_space<semaphore_mem>>)
      %dma_wait3A = arith.constant 0 : i32
      %dma_wait3A_24 = arith.constant 0 : i32
      %dma_wait3A_25 = tpu.memref_slice %arg2[%add3A, %dma_wait3A, %dma_wait3A_24] : memref<32x80x128xi32, #tpu.memory_space<hbm>> -> memref<1x80x128xi32, #tpu.memory_space<hbm>>
      %dma_wait3A_26 = tpu.memref_squeeze %dma_wait3A_25 : memref<1x80x128xi32, #tpu.memory_space<hbm>> -> memref<80x128xi32, #tpu.memory_space<hbm>>
      %dma_wait3A_27 = arith.constant 0 : i32
      %dma_wait3A_28 = arith.constant 0 : i32
      %dma_wait3A_29 = tpu.memref_slice %arg2[%add3A, %dma_wait3A_27, %dma_wait3A_28] : memref<32x80x128xi32, #tpu.memory_space<hbm>> -> memref<1x80x128xi32, #tpu.memory_space<hbm>>
      %dma_wait3A_30 = tpu.memref_squeeze %dma_wait3A_29 : memref<1x80x128xi32, #tpu.memory_space<hbm>> -> memref<80x128xi32, #tpu.memory_space<hbm>>
      tpu.wait_dma2 semaphore(%run_scoped3A : memref<!tpu.dma_semaphore, #tpu.memory_space<semaphore_mem>>) src(%dma_wait3A_30 : memref<80x128xi32, #tpu.memory_space<hbm>>) dst(%arg6 : memref<80x128xi32, #tpu.memory_space<vmem>>)
      tpu.yield
    }) : () -> ()
    "tpu.region"() ({
      %run_scoped3A = tpu.sem_alloc : memref<!tpu.dma_semaphore, #tpu.memory_space<semaphore_mem>>
      tpu.enqueue_dma source(%arg4 : memref<128x128xf32, #tpu.memory_space<hbm>>) target(%arg8 : memref<128x128xf32, #tpu.memory_space<vmem>>) target_semaphore(%run_scoped3A : memref<!tpu.dma_semaphore, #tpu.memory_space<semaphore_mem>>)
      tpu.wait_dma2 semaphore(%run_scoped3A : memref<!tpu.dma_semaphore, #tpu.memory_space<semaphore_mem>>) src(%arg4 : memref<128x128xf32, #tpu.memory_space<hbm>>) dst(%arg8 : memref<128x128xf32, #tpu.memory_space<vmem>>)
      tpu.yield
    }) : () -> ()
    "tpu.region"() ({
      %run_scoped3A = tpu.sem_alloc : memref<!tpu.dma_semaphore, #tpu.memory_space<semaphore_mem>>
      tpu.enqueue_dma source(%arg3 : memref<128x128xf32, #tpu.memory_space<hbm>>) target(%arg7 : memref<128x128xf32, #tpu.memory_space<vmem>>) target_semaphore(%run_scoped3A : memref<!tpu.dma_semaphore, #tpu.memory_space<semaphore_mem>>)
      tpu.wait_dma2 semaphore(%run_scoped3A : memref<!tpu.dma_semaphore, #tpu.memory_space<semaphore_mem>>) src(%arg3 : memref<128x128xf32, #tpu.memory_space<hbm>>) dst(%arg7 : memref<128x128xf32, #tpu.memory_space<vmem>>)
      tpu.yield
    }) : () -> ()
    %scan3A = arith.constant 0 : i32
    %scan3A_1 = arith.constant 0 : i32
    %scan3A_2 = arith.constant 5 : i32
    %scan3A_3 = arith.addi %scan3A_1, %scan3A_2 : i32
    %scan3A_4 = arith.constant 1 : i32
    scf.for %scan3A_17 = %scan3A_1 to %scan3A_3 step %scan3A_4  : i32 {
      %mul3A_18 = arith.constant 16 : i32
      %mul3A_19 = arith.muli %mul3A_18, %scan3A_17 : i32
      %add3A_20 = arith.addi %arg1, %mul3A_19 : i32
      %mul3A_21 = arith.constant 128 : i32
      %mul3A_22 = arith.muli %add3A_20, %mul3A_21 : i32
      "tpu.region"() ({
        %run_scoped3A = tpu.sem_alloc : memref<!tpu.dma_semaphore, #tpu.memory_space<semaphore_mem>>
        %dma_start3A = arith.constant 0 : i32
        %dma_start3A_23 = tpu.memref_slice %arg9[%mul3A_22, %dma_start3A] : memref<10240x128xf32, #tpu.memory_space<vmem_shared>> -> memref<128x128xf32, #tpu.memory_space<vmem_shared>>
        %dma_start3A_24 = arith.constant 0 : i32
        %dma_start3A_25 = tpu.memref_slice %arg9[%mul3A_22, %dma_start3A_24] : memref<10240x128xf32, #tpu.memory_space<vmem_shared>> -> memref<128x128xf32, #tpu.memory_space<vmem_shared>>
        tpu.enqueue_dma source(%arg7 : memref<128x128xf32, #tpu.memory_space<vmem>>) target(%dma_start3A_25 : memref<128x128xf32, #tpu.memory_space<vmem_shared>>) target_semaphore(%run_scoped3A : memref<!tpu.dma_semaphore, #tpu.memory_space<semaphore_mem>>)
        %dma_wait3A = arith.constant 0 : i32
        %dma_wait3A_26 = tpu.memref_slice %arg9[%mul3A_22, %dma_wait3A] : memref<10240x128xf32, #tpu.memory_space<vmem_shared>> -> memref<128x128xf32, #tpu.memory_space<vmem_shared>>
        %dma_wait3A_27 = arith.constant 0 : i32
        %dma_wait3A_28 = tpu.memref_slice %arg9[%mul3A_22, %dma_wait3A_27] : memref<10240x128xf32, #tpu.memory_space<vmem_shared>> -> memref<128x128xf32, #tpu.memory_space<vmem_shared>>
        tpu.wait_dma2 semaphore(%run_scoped3A : memref<!tpu.dma_semaphore, #tpu.memory_space<semaphore_mem>>) src(%arg7 : memref<128x128xf32, #tpu.memory_space<vmem>>) dst(%dma_wait3A_28 : memref<128x128xf32, #tpu.memory_space<vmem_shared>>)
        tpu.yield
      }) : () -> ()
    }
    %scan3A_5 = arith.constant 5 : i32
    %barrier3A = arith.constant 0 : index
    tpu.barrier barrier_id(%barrier3A)
    %scan3A_6 = arith.constant 0 : i32
    %scan3A_7 = arith.constant 0 : i32
    %scan3A_8 = arith.constant 80 : i32
    %scan3A_9 = arith.addi %scan3A_7, %scan3A_8 : i32
    %scan3A_10 = arith.constant 1 : i32
    scf.for %scan3A_17 = %scan3A_7 to %scan3A_9 step %scan3A_10  : i32 {
      "tpu.region"() ({
        %run_scoped3A = tpu.sem_alloc : memref<!tpu.dma_semaphore, #tpu.memory_space<semaphore_mem>>
        %dma_start3A = arith.constant 0 : i32
        %dma_start3A_18 = tpu.memref_slice %arg6[%scan3A_17, %dma_start3A] : memref<80x128xi32, #tpu.memory_space<vmem>> -> memref<1x128xi32, #tpu.memory_space<vmem>>
        %dma_start3A_19 = tpu.memref_squeeze %dma_start3A_18 : memref<1x128xi32, #tpu.memory_space<vmem>> -> memref<128xi32, #tpu.memory_space<vmem>>
        %dma_start3A_20 = arith.constant 0 : i32
        %dma_start3A_21 = arith.constant 0 : i32
        %dma_start3A_22 = tpu.memref_slice %arg9[%dma_start3A_20, %dma_start3A_21] : memref<10240x128xf32, #tpu.memory_space<vmem_shared>> -> memref<10240x128xf32, #tpu.memory_space<vmem_shared>>
        tpu.enqueue_indirect_dma source(%arg8 : memref<128x128xf32, #tpu.memory_space<vmem>>) target(%dma_start3A_22 : memref<10240x128xf32, #tpu.memory_space<vmem_shared>>) offsets(%dma_start3A_19 : memref<128xi32, #tpu.memory_space<vmem>>) semaphore(%run_scoped3A : memref<!tpu.dma_semaphore, #tpu.memory_space<semaphore_mem>>) {add = true}
        %dma_wait3A = arith.constant 0 : i32
        %dma_wait3A_23 = tpu.memref_slice %arg6[%scan3A_17, %dma_wait3A] : memref<80x128xi32, #tpu.memory_space<vmem>> -> memref<1x128xi32, #tpu.memory_space<vmem>>
        %dma_wait3A_24 = tpu.memref_squeeze %dma_wait3A_23 : memref<1x128xi32, #tpu.memory_space<vmem>> -> memref<128xi32, #tpu.memory_space<vmem>>
        %dma_wait3A_25 = arith.constant 0 : i32
        %dma_wait3A_26 = arith.constant 0 : i32
        %dma_wait3A_27 = tpu.memref_slice %arg9[%dma_wait3A_25, %dma_wait3A_26] : memref<10240x128xf32, #tpu.memory_space<vmem_shared>> -> memref<10240x128xf32, #tpu.memory_space<vmem_shared>>
        tpu.wait_indirect_dma semaphore(%run_scoped3A : memref<!tpu.dma_semaphore, #tpu.memory_space<semaphore_mem>>) src(%arg8 : memref<128x128xf32, #tpu.memory_space<vmem>>) dst(%dma_wait3A_27 : memref<10240x128xf32, #tpu.memory_space<vmem_shared>>)
        tpu.yield
      }) : () -> ()
    }
    %scan3A_11 = arith.constant 80 : i32
    %barrier3A_12 = arith.constant 0 : index
    tpu.barrier barrier_id(%barrier3A_12)
    %mul3A_13 = arith.constant 640 : i32
    %mul3A_14 = arith.muli %arg1, %mul3A_13 : i32
    %mul3A_15 = arith.constant 640 : i32
    %mul3A_16 = arith.muli %arg1, %mul3A_15 : i32
    "tpu.region"() ({
      %run_scoped3A = tpu.sem_alloc : memref<!tpu.dma_semaphore, #tpu.memory_space<semaphore_mem>>
      %dma_start3A = arith.constant 0 : i32
      %dma_start3A_17 = tpu.memref_slice %arg5[%arg0, %mul3A_16, %dma_start3A] : memref<2x10240x128xf32, #tpu.memory_space<hbm>> -> memref<1x640x128xf32, #tpu.memory_space<hbm>>
      %dma_start3A_18 = tpu.memref_squeeze %dma_start3A_17 : memref<1x640x128xf32, #tpu.memory_space<hbm>> -> memref<640x128xf32, #tpu.memory_space<hbm>>
      %dma_start3A_19 = arith.constant 0 : i32
      %dma_start3A_20 = tpu.memref_slice %arg9[%mul3A_14, %dma_start3A_19] : memref<10240x128xf32, #tpu.memory_space<vmem_shared>> -> memref<640x128xf32, #tpu.memory_space<vmem_shared>>
      tpu.enqueue_dma source(%dma_start3A_20 : memref<640x128xf32, #tpu.memory_space<vmem_shared>>) target(%dma_start3A_18 : memref<640x128xf32, #tpu.memory_space<hbm>>) target_semaphore(%run_scoped3A : memref<!tpu.dma_semaphore, #tpu.memory_space<semaphore_mem>>)
      %dma_wait3A = arith.constant 0 : i32
      %dma_wait3A_21 = tpu.memref_slice %arg5[%arg0, %mul3A_16, %dma_wait3A] : memref<2x10240x128xf32, #tpu.memory_space<hbm>> -> memref<1x640x128xf32, #tpu.memory_space<hbm>>
      %dma_wait3A_22 = tpu.memref_squeeze %dma_wait3A_21 : memref<1x640x128xf32, #tpu.memory_space<hbm>> -> memref<640x128xf32, #tpu.memory_space<hbm>>
      %dma_wait3A_23 = arith.constant 0 : i32
      %dma_wait3A_24 = tpu.memref_slice %arg9[%mul3A_14, %dma_wait3A_23] : memref<10240x128xf32, #tpu.memory_space<vmem_shared>> -> memref<640x128xf32, #tpu.memory_space<vmem_shared>>
      tpu.wait_dma2 semaphore(%run_scoped3A : memref<!tpu.dma_semaphore, #tpu.memory_space<semaphore_mem>>) src(%dma_wait3A_24 : memref<640x128xf32, #tpu.memory_space<vmem_shared>>) dst(%dma_wait3A_22 : memref<640x128xf32, #tpu.memory_space<hbm>>)
      tpu.yield
    }) : () -> ()
    return
  }
}

#map = affine_map<(d0, d1) -> (0, 0)>
#map1 = affine_map<(d0, d1) -> (0, 0, 0)>
module attributes {stable_mosaic.version = 14 : i64} {
  func.func @_agg_body(%arg0: i32, %arg1: i32, %arg2: memref<10240x128xf32, #tpu.memory_space<hbm>>, %arg3: memref<32x80x128xi32, #tpu.memory_space<hbm>>, %arg4: memref<32x80x128xi32, #tpu.memory_space<hbm>>, %arg5: memref<128x128xf32, #tpu.memory_space<hbm>>, %arg6: memref<2x10240x128xf32, #tpu.memory_space<hbm>>, %arg7: memref<40x128xi32, #tpu.memory_space<vmem>>, %arg8: memref<40x128xi32, #tpu.memory_space<vmem>>, %arg9: memref<128x128xf32, #tpu.memory_space<vmem>>, %arg10: memref<128x128xf32, #tpu.memory_space<vmem>>, %arg11: memref<10240x128xf32, #tpu.memory_space<vmem_shared>>, %arg12: memref<!tpu.dma_semaphore, #tpu.memory_space<semaphore_mem>>, %arg13: memref<!tpu.dma_semaphore, #tpu.memory_space<semaphore_mem>>) attributes {dimension_semantics = [#tpu.dimension_semantics<core_parallel>, #tpu.dimension_semantics<subcore_parallel>], iteration_bounds = array<i64: 2, 16>, scalar_prefetch = 0 : i64, scratch_operands = 7 : i64, tpu.core_type = #tpu.core_type<sc_vector_subcore>, window_params = [{transform_indices = #map}, {transform_indices = #map1}, {transform_indices = #map1}, {transform_indices = #map}, {transform_indices = #map1}]} {
    %mul3A = arith.constant 2 : i32
    %mul3A_0 = arith.muli %arg1, %mul3A : i32
    %add3A = arith.addi %mul3A_0, %arg0 : i32
    "tpu.region"() ({
      %run_scoped3A = tpu.sem_alloc : memref<!tpu.dma_semaphore, #tpu.memory_space<semaphore_mem>>
      %dma_start3A_36 = arith.constant 0 : i32
      %dma_start3A_37 = arith.constant 0 : i32
      %dma_start3A_38 = tpu.memref_slice %arg3[%add3A, %dma_start3A_36, %dma_start3A_37] : memref<32x80x128xi32, #tpu.memory_space<hbm>> -> memref<1x40x128xi32, #tpu.memory_space<hbm>>
      %dma_start3A_39 = tpu.memref_squeeze %dma_start3A_38 : memref<1x40x128xi32, #tpu.memory_space<hbm>> -> memref<40x128xi32, #tpu.memory_space<hbm>>
      %dma_start3A_40 = arith.constant 0 : i32
      %dma_start3A_41 = arith.constant 0 : i32
      %dma_start3A_42 = tpu.memref_slice %arg3[%add3A, %dma_start3A_40, %dma_start3A_41] : memref<32x80x128xi32, #tpu.memory_space<hbm>> -> memref<1x40x128xi32, #tpu.memory_space<hbm>>
      %dma_start3A_43 = tpu.memref_squeeze %dma_start3A_42 : memref<1x40x128xi32, #tpu.memory_space<hbm>> -> memref<40x128xi32, #tpu.memory_space<hbm>>
      tpu.enqueue_dma source(%dma_start3A_43 : memref<40x128xi32, #tpu.memory_space<hbm>>) target(%arg7 : memref<40x128xi32, #tpu.memory_space<vmem>>) target_semaphore(%run_scoped3A : memref<!tpu.dma_semaphore, #tpu.memory_space<semaphore_mem>>)
      %dma_wait3A = arith.constant 0 : i32
      %dma_wait3A_44 = arith.constant 0 : i32
      %dma_wait3A_45 = tpu.memref_slice %arg3[%add3A, %dma_wait3A, %dma_wait3A_44] : memref<32x80x128xi32, #tpu.memory_space<hbm>> -> memref<1x40x128xi32, #tpu.memory_space<hbm>>
      %dma_wait3A_46 = tpu.memref_squeeze %dma_wait3A_45 : memref<1x40x128xi32, #tpu.memory_space<hbm>> -> memref<40x128xi32, #tpu.memory_space<hbm>>
      %dma_wait3A_47 = arith.constant 0 : i32
      %dma_wait3A_48 = arith.constant 0 : i32
      %dma_wait3A_49 = tpu.memref_slice %arg3[%add3A, %dma_wait3A_47, %dma_wait3A_48] : memref<32x80x128xi32, #tpu.memory_space<hbm>> -> memref<1x40x128xi32, #tpu.memory_space<hbm>>
      %dma_wait3A_50 = tpu.memref_squeeze %dma_wait3A_49 : memref<1x40x128xi32, #tpu.memory_space<hbm>> -> memref<40x128xi32, #tpu.memory_space<hbm>>
      tpu.wait_dma2 semaphore(%run_scoped3A : memref<!tpu.dma_semaphore, #tpu.memory_space<semaphore_mem>>) src(%dma_wait3A_50 : memref<40x128xi32, #tpu.memory_space<hbm>>) dst(%arg7 : memref<40x128xi32, #tpu.memory_space<vmem>>)
      tpu.yield
    }) : () -> ()
    %dma_start3A = arith.constant 0 : i32
    %dma_start3A_1 = arith.constant 0 : i32
    %dma_start3A_2 = tpu.memref_slice %arg7[%dma_start3A, %dma_start3A_1] : memref<40x128xi32, #tpu.memory_space<vmem>> -> memref<1x128xi32, #tpu.memory_space<vmem>>
    %dma_start3A_3 = tpu.memref_squeeze %dma_start3A_2 : memref<1x128xi32, #tpu.memory_space<vmem>> -> memref<128xi32, #tpu.memory_space<vmem>>
    %dma_start3A_4 = arith.constant 0 : i32
    %dma_start3A_5 = arith.constant 0 : i32
    %dma_start3A_6 = tpu.memref_slice %arg2[%dma_start3A_4, %dma_start3A_5] : memref<10240x128xf32, #tpu.memory_space<hbm>> -> memref<10240x128xf32, #tpu.memory_space<hbm>>
    tpu.enqueue_indirect_dma source(%dma_start3A_6 : memref<10240x128xf32, #tpu.memory_space<hbm>>) target(%arg9 : memref<128x128xf32, #tpu.memory_space<vmem>>) offsets(%dma_start3A_3 : memref<128xi32, #tpu.memory_space<vmem>>) semaphore(%arg12 : memref<!tpu.dma_semaphore, #tpu.memory_space<semaphore_mem>>)
    "tpu.region"() ({
      %run_scoped3A = tpu.sem_alloc : memref<!tpu.dma_semaphore, #tpu.memory_space<semaphore_mem>>
      %dma_start3A_36 = arith.constant 0 : i32
      %dma_start3A_37 = arith.constant 0 : i32
      %dma_start3A_38 = tpu.memref_slice %arg4[%add3A, %dma_start3A_36, %dma_start3A_37] : memref<32x80x128xi32, #tpu.memory_space<hbm>> -> memref<1x40x128xi32, #tpu.memory_space<hbm>>
      %dma_start3A_39 = tpu.memref_squeeze %dma_start3A_38 : memref<1x40x128xi32, #tpu.memory_space<hbm>> -> memref<40x128xi32, #tpu.memory_space<hbm>>
      %dma_start3A_40 = arith.constant 0 : i32
      %dma_start3A_41 = arith.constant 0 : i32
      %dma_start3A_42 = tpu.memref_slice %arg4[%add3A, %dma_start3A_40, %dma_start3A_41] : memref<32x80x128xi32, #tpu.memory_space<hbm>> -> memref<1x40x128xi32, #tpu.memory_space<hbm>>
      %dma_start3A_43 = tpu.memref_squeeze %dma_start3A_42 : memref<1x40x128xi32, #tpu.memory_space<hbm>> -> memref<40x128xi32, #tpu.memory_space<hbm>>
      tpu.enqueue_dma source(%dma_start3A_43 : memref<40x128xi32, #tpu.memory_space<hbm>>) target(%arg8 : memref<40x128xi32, #tpu.memory_space<vmem>>) target_semaphore(%run_scoped3A : memref<!tpu.dma_semaphore, #tpu.memory_space<semaphore_mem>>)
      %dma_wait3A = arith.constant 0 : i32
      %dma_wait3A_44 = arith.constant 0 : i32
      %dma_wait3A_45 = tpu.memref_slice %arg4[%add3A, %dma_wait3A, %dma_wait3A_44] : memref<32x80x128xi32, #tpu.memory_space<hbm>> -> memref<1x40x128xi32, #tpu.memory_space<hbm>>
      %dma_wait3A_46 = tpu.memref_squeeze %dma_wait3A_45 : memref<1x40x128xi32, #tpu.memory_space<hbm>> -> memref<40x128xi32, #tpu.memory_space<hbm>>
      %dma_wait3A_47 = arith.constant 0 : i32
      %dma_wait3A_48 = arith.constant 0 : i32
      %dma_wait3A_49 = tpu.memref_slice %arg4[%add3A, %dma_wait3A_47, %dma_wait3A_48] : memref<32x80x128xi32, #tpu.memory_space<hbm>> -> memref<1x40x128xi32, #tpu.memory_space<hbm>>
      %dma_wait3A_50 = tpu.memref_squeeze %dma_wait3A_49 : memref<1x40x128xi32, #tpu.memory_space<hbm>> -> memref<40x128xi32, #tpu.memory_space<hbm>>
      tpu.wait_dma2 semaphore(%run_scoped3A : memref<!tpu.dma_semaphore, #tpu.memory_space<semaphore_mem>>) src(%dma_wait3A_50 : memref<40x128xi32, #tpu.memory_space<hbm>>) dst(%arg8 : memref<40x128xi32, #tpu.memory_space<vmem>>)
      tpu.yield
    }) : () -> ()
    "tpu.region"() ({
      %run_scoped3A = tpu.sem_alloc : memref<!tpu.dma_semaphore, #tpu.memory_space<semaphore_mem>>
      tpu.enqueue_dma source(%arg5 : memref<128x128xf32, #tpu.memory_space<hbm>>) target(%arg10 : memref<128x128xf32, #tpu.memory_space<vmem>>) target_semaphore(%run_scoped3A : memref<!tpu.dma_semaphore, #tpu.memory_space<semaphore_mem>>)
      tpu.wait_dma2 semaphore(%run_scoped3A : memref<!tpu.dma_semaphore, #tpu.memory_space<semaphore_mem>>) src(%arg5 : memref<128x128xf32, #tpu.memory_space<hbm>>) dst(%arg10 : memref<128x128xf32, #tpu.memory_space<vmem>>)
      tpu.yield
    }) : () -> ()
    %scan3A = arith.constant 0 : i32
    %scan3A_7 = arith.constant 0 : i32
    %scan3A_8 = arith.constant 5 : i32
    %scan3A_9 = arith.addi %scan3A_7, %scan3A_8 : i32
    %scan3A_10 = arith.constant 1 : i32
    scf.for %scan3A_36 = %scan3A_7 to %scan3A_9 step %scan3A_10  : i32 {
      %mul3A_37 = arith.constant 16 : i32
      %mul3A_38 = arith.muli %mul3A_37, %scan3A_36 : i32
      %add3A_39 = arith.addi %arg1, %mul3A_38 : i32
      %mul3A_40 = arith.constant 128 : i32
      %mul3A_41 = arith.muli %add3A_39, %mul3A_40 : i32
      "tpu.region"() ({
        %run_scoped3A = tpu.sem_alloc : memref<!tpu.dma_semaphore, #tpu.memory_space<semaphore_mem>>
        %dma_start3A_42 = arith.constant 0 : i32
        %dma_start3A_43 = tpu.memref_slice %arg11[%mul3A_41, %dma_start3A_42] : memref<10240x128xf32, #tpu.memory_space<vmem_shared>> -> memref<128x128xf32, #tpu.memory_space<vmem_shared>>
        %dma_start3A_44 = arith.constant 0 : i32
        %dma_start3A_45 = tpu.memref_slice %arg11[%mul3A_41, %dma_start3A_44] : memref<10240x128xf32, #tpu.memory_space<vmem_shared>> -> memref<128x128xf32, #tpu.memory_space<vmem_shared>>
        tpu.enqueue_dma source(%arg10 : memref<128x128xf32, #tpu.memory_space<vmem>>) target(%dma_start3A_45 : memref<128x128xf32, #tpu.memory_space<vmem_shared>>) target_semaphore(%run_scoped3A : memref<!tpu.dma_semaphore, #tpu.memory_space<semaphore_mem>>)
        %dma_wait3A = arith.constant 0 : i32
        %dma_wait3A_46 = tpu.memref_slice %arg11[%mul3A_41, %dma_wait3A] : memref<10240x128xf32, #tpu.memory_space<vmem_shared>> -> memref<128x128xf32, #tpu.memory_space<vmem_shared>>
        %dma_wait3A_47 = arith.constant 0 : i32
        %dma_wait3A_48 = tpu.memref_slice %arg11[%mul3A_41, %dma_wait3A_47] : memref<10240x128xf32, #tpu.memory_space<vmem_shared>> -> memref<128x128xf32, #tpu.memory_space<vmem_shared>>
        tpu.wait_dma2 semaphore(%run_scoped3A : memref<!tpu.dma_semaphore, #tpu.memory_space<semaphore_mem>>) src(%arg10 : memref<128x128xf32, #tpu.memory_space<vmem>>) dst(%dma_wait3A_48 : memref<128x128xf32, #tpu.memory_space<vmem_shared>>)
        tpu.yield
      }) : () -> ()
    }
    %scan3A_11 = arith.constant 5 : i32
    %barrier3A = arith.constant 0 : index
    tpu.barrier barrier_id(%barrier3A)
    %scan3A_12 = arith.constant 0 : i32
    %scan3A_13 = arith.constant 0 : i32
    %scan3A_14 = arith.constant 20 : i32
    %scan3A_15 = arith.addi %scan3A_13, %scan3A_14 : i32
    %scan3A_16 = arith.constant 1 : i32
    scf.for %scan3A_36 = %scan3A_13 to %scan3A_15 step %scan3A_16  : i32 {
      %mul3A_37 = arith.constant 2 : i32
      %mul3A_38 = arith.muli %mul3A_37, %scan3A_36 : i32
      %dma_wait3A = arith.constant 0 : i32
      %dma_wait3A_39 = tpu.memref_slice %arg7[%mul3A_38, %dma_wait3A] : memref<40x128xi32, #tpu.memory_space<vmem>> -> memref<1x128xi32, #tpu.memory_space<vmem>>
      %dma_wait3A_40 = tpu.memref_squeeze %dma_wait3A_39 : memref<1x128xi32, #tpu.memory_space<vmem>> -> memref<128xi32, #tpu.memory_space<vmem>>
      %dma_wait3A_41 = arith.constant 0 : i32
      %dma_wait3A_42 = arith.constant 0 : i32
      %dma_wait3A_43 = tpu.memref_slice %arg2[%dma_wait3A_41, %dma_wait3A_42] : memref<10240x128xf32, #tpu.memory_space<hbm>> -> memref<10240x128xf32, #tpu.memory_space<hbm>>
      tpu.wait_indirect_dma semaphore(%arg12 : memref<!tpu.dma_semaphore, #tpu.memory_space<semaphore_mem>>) src(%dma_wait3A_43 : memref<10240x128xf32, #tpu.memory_space<hbm>>) dst(%arg9 : memref<128x128xf32, #tpu.memory_space<vmem>>)
      %add3A_44 = arith.constant 1 : i32
      %add3A_45 = arith.addi %mul3A_38, %add3A_44 : i32
      %dma_start3A_46 = arith.constant 0 : i32
      %dma_start3A_47 = tpu.memref_slice %arg7[%add3A_45, %dma_start3A_46] : memref<40x128xi32, #tpu.memory_space<vmem>> -> memref<1x128xi32, #tpu.memory_space<vmem>>
      %dma_start3A_48 = tpu.memref_squeeze %dma_start3A_47 : memref<1x128xi32, #tpu.memory_space<vmem>> -> memref<128xi32, #tpu.memory_space<vmem>>
      %dma_start3A_49 = arith.constant 0 : i32
      %dma_start3A_50 = arith.constant 0 : i32
      %dma_start3A_51 = tpu.memref_slice %arg2[%dma_start3A_49, %dma_start3A_50] : memref<10240x128xf32, #tpu.memory_space<hbm>> -> memref<10240x128xf32, #tpu.memory_space<hbm>>
      tpu.enqueue_indirect_dma source(%dma_start3A_51 : memref<10240x128xf32, #tpu.memory_space<hbm>>) target(%arg10 : memref<128x128xf32, #tpu.memory_space<vmem>>) offsets(%dma_start3A_48 : memref<128xi32, #tpu.memory_space<vmem>>) semaphore(%arg13 : memref<!tpu.dma_semaphore, #tpu.memory_space<semaphore_mem>>)
      "tpu.region"() ({
        %run_scoped3A = tpu.sem_alloc : memref<!tpu.dma_semaphore, #tpu.memory_space<semaphore_mem>>
        %dma_start3A_66 = arith.constant 0 : i32
        %dma_start3A_67 = tpu.memref_slice %arg8[%mul3A_38, %dma_start3A_66] : memref<40x128xi32, #tpu.memory_space<vmem>> -> memref<1x128xi32, #tpu.memory_space<vmem>>
        %dma_start3A_68 = tpu.memref_squeeze %dma_start3A_67 : memref<1x128xi32, #tpu.memory_space<vmem>> -> memref<128xi32, #tpu.memory_space<vmem>>
        %dma_start3A_69 = arith.constant 0 : i32
        %dma_start3A_70 = arith.constant 0 : i32
        %dma_start3A_71 = tpu.memref_slice %arg11[%dma_start3A_69, %dma_start3A_70] : memref<10240x128xf32, #tpu.memory_space<vmem_shared>> -> memref<10240x128xf32, #tpu.memory_space<vmem_shared>>
        tpu.enqueue_indirect_dma source(%arg9 : memref<128x128xf32, #tpu.memory_space<vmem>>) target(%dma_start3A_71 : memref<10240x128xf32, #tpu.memory_space<vmem_shared>>) offsets(%dma_start3A_68 : memref<128xi32, #tpu.memory_space<vmem>>) semaphore(%run_scoped3A : memref<!tpu.dma_semaphore, #tpu.memory_space<semaphore_mem>>) {add = true}
        %dma_wait3A_72 = arith.constant 0 : i32
        %dma_wait3A_73 = tpu.memref_slice %arg8[%mul3A_38, %dma_wait3A_72] : memref<40x128xi32, #tpu.memory_space<vmem>> -> memref<1x128xi32, #tpu.memory_space<vmem>>
        %dma_wait3A_74 = tpu.memref_squeeze %dma_wait3A_73 : memref<1x128xi32, #tpu.memory_space<vmem>> -> memref<128xi32, #tpu.memory_space<vmem>>
        %dma_wait3A_75 = arith.constant 0 : i32
        %dma_wait3A_76 = arith.constant 0 : i32
        %dma_wait3A_77 = tpu.memref_slice %arg11[%dma_wait3A_75, %dma_wait3A_76] : memref<10240x128xf32, #tpu.memory_space<vmem_shared>> -> memref<10240x128xf32, #tpu.memory_space<vmem_shared>>
        tpu.wait_indirect_dma semaphore(%run_scoped3A : memref<!tpu.dma_semaphore, #tpu.memory_space<semaphore_mem>>) src(%arg9 : memref<128x128xf32, #tpu.memory_space<vmem>>) dst(%dma_wait3A_77 : memref<10240x128xf32, #tpu.memory_space<vmem_shared>>)
        tpu.yield
      }) : () -> ()
      %add3A_52 = arith.constant 1 : i32
      %add3A_53 = arith.addi %mul3A_38, %add3A_52 : i32
      %dma_wait3A_54 = arith.constant 0 : i32
      %dma_wait3A_55 = tpu.memref_slice %arg7[%add3A_53, %dma_wait3A_54] : memref<40x128xi32, #tpu.memory_space<vmem>> -> memref<1x128xi32, #tpu.memory_space<vmem>>
      %dma_wait3A_56 = tpu.memref_squeeze %dma_wait3A_55 : memref<1x128xi32, #tpu.memory_space<vmem>> -> memref<128xi32, #tpu.memory_space<vmem>>
      %dma_wait3A_57 = arith.constant 0 : i32
      %dma_wait3A_58 = arith.constant 0 : i32
      %dma_wait3A_59 = tpu.memref_slice %arg2[%dma_wait3A_57, %dma_wait3A_58] : memref<10240x128xf32, #tpu.memory_space<hbm>> -> memref<10240x128xf32, #tpu.memory_space<hbm>>
      tpu.wait_indirect_dma semaphore(%arg13 : memref<!tpu.dma_semaphore, #tpu.memory_space<semaphore_mem>>) src(%dma_wait3A_59 : memref<10240x128xf32, #tpu.memory_space<hbm>>) dst(%arg10 : memref<128x128xf32, #tpu.memory_space<vmem>>)
      %add3A_60 = arith.constant 1 : i32
      %add3A_61 = arith.addi %scan3A_36, %add3A_60 : i32
      %lt3A = arith.constant 20 : i32
      %lt3A_62 = arith.cmpi slt, %add3A_61, %lt3A : i32
      %convert_element_type3A = arith.extui %lt3A_62 : i1 to i32
      %cond3A = arith.constant 0 : i32
      %cond3A_63 = arith.cmpi ne, %convert_element_type3A, %cond3A : i32
      scf.if %cond3A_63 {
        %add3A_66 = arith.constant 2 : i32
        %add3A_67 = arith.addi %mul3A_38, %add3A_66 : i32
        %dma_start3A_68 = arith.constant 0 : i32
        %dma_start3A_69 = tpu.memref_slice %arg7[%add3A_67, %dma_start3A_68] : memref<40x128xi32, #tpu.memory_space<vmem>> -> memref<1x128xi32, #tpu.memory_space<vmem>>
        %dma_start3A_70 = tpu.memref_squeeze %dma_start3A_69 : memref<1x128xi32, #tpu.memory_space<vmem>> -> memref<128xi32, #tpu.memory_space<vmem>>
        %dma_start3A_71 = arith.constant 0 : i32
        %dma_start3A_72 = arith.constant 0 : i32
        %dma_start3A_73 = tpu.memref_slice %arg2[%dma_start3A_71, %dma_start3A_72] : memref<10240x128xf32, #tpu.memory_space<hbm>> -> memref<10240x128xf32, #tpu.memory_space<hbm>>
        tpu.enqueue_indirect_dma source(%dma_start3A_73 : memref<10240x128xf32, #tpu.memory_space<hbm>>) target(%arg9 : memref<128x128xf32, #tpu.memory_space<vmem>>) offsets(%dma_start3A_70 : memref<128xi32, #tpu.memory_space<vmem>>) semaphore(%arg12 : memref<!tpu.dma_semaphore, #tpu.memory_space<semaphore_mem>>)
      } else {
      }
      %add3A_64 = arith.constant 1 : i32
      %add3A_65 = arith.addi %mul3A_38, %add3A_64 : i32
      "tpu.region"() ({
        %run_scoped3A = tpu.sem_alloc : memref<!tpu.dma_semaphore, #tpu.memory_space<semaphore_mem>>
        %dma_start3A_66 = arith.constant 0 : i32
        %dma_start3A_67 = tpu.memref_slice %arg8[%add3A_65, %dma_start3A_66] : memref<40x128xi32, #tpu.memory_space<vmem>> -> memref<1x128xi32, #tpu.memory_space<vmem>>
        %dma_start3A_68 = tpu.memref_squeeze %dma_start3A_67 : memref<1x128xi32, #tpu.memory_space<vmem>> -> memref<128xi32, #tpu.memory_space<vmem>>
        %dma_start3A_69 = arith.constant 0 : i32
        %dma_start3A_70 = arith.constant 0 : i32
        %dma_start3A_71 = tpu.memref_slice %arg11[%dma_start3A_69, %dma_start3A_70] : memref<10240x128xf32, #tpu.memory_space<vmem_shared>> -> memref<10240x128xf32, #tpu.memory_space<vmem_shared>>
        tpu.enqueue_indirect_dma source(%arg10 : memref<128x128xf32, #tpu.memory_space<vmem>>) target(%dma_start3A_71 : memref<10240x128xf32, #tpu.memory_space<vmem_shared>>) offsets(%dma_start3A_68 : memref<128xi32, #tpu.memory_space<vmem>>) semaphore(%run_scoped3A : memref<!tpu.dma_semaphore, #tpu.memory_space<semaphore_mem>>) {add = true}
        %dma_wait3A_72 = arith.constant 0 : i32
        %dma_wait3A_73 = tpu.memref_slice %arg8[%add3A_65, %dma_wait3A_72] : memref<40x128xi32, #tpu.memory_space<vmem>> -> memref<1x128xi32, #tpu.memory_space<vmem>>
        %dma_wait3A_74 = tpu.memref_squeeze %dma_wait3A_73 : memref<1x128xi32, #tpu.memory_space<vmem>> -> memref<128xi32, #tpu.memory_space<vmem>>
        %dma_wait3A_75 = arith.constant 0 : i32
        %dma_wait3A_76 = arith.constant 0 : i32
        %dma_wait3A_77 = tpu.memref_slice %arg11[%dma_wait3A_75, %dma_wait3A_76] : memref<10240x128xf32, #tpu.memory_space<vmem_shared>> -> memref<10240x128xf32, #tpu.memory_space<vmem_shared>>
        tpu.wait_indirect_dma semaphore(%run_scoped3A : memref<!tpu.dma_semaphore, #tpu.memory_space<semaphore_mem>>) src(%arg10 : memref<128x128xf32, #tpu.memory_space<vmem>>) dst(%dma_wait3A_77 : memref<10240x128xf32, #tpu.memory_space<vmem_shared>>)
        tpu.yield
      }) : () -> ()
    }
    %scan3A_17 = arith.constant 20 : i32
    "tpu.region"() ({
      %run_scoped3A = tpu.sem_alloc : memref<!tpu.dma_semaphore, #tpu.memory_space<semaphore_mem>>
      %dma_start3A_36 = arith.constant 40 : i32
      %dma_start3A_37 = arith.constant 0 : i32
      %dma_start3A_38 = tpu.memref_slice %arg3[%add3A, %dma_start3A_36, %dma_start3A_37] : memref<32x80x128xi32, #tpu.memory_space<hbm>> -> memref<1x40x128xi32, #tpu.memory_space<hbm>>
      %dma_start3A_39 = tpu.memref_squeeze %dma_start3A_38 : memref<1x40x128xi32, #tpu.memory_space<hbm>> -> memref<40x128xi32, #tpu.memory_space<hbm>>
      %dma_start3A_40 = arith.constant 40 : i32
      %dma_start3A_41 = arith.constant 0 : i32
      %dma_start3A_42 = tpu.memref_slice %arg3[%add3A, %dma_start3A_40, %dma_start3A_41] : memref<32x80x128xi32, #tpu.memory_space<hbm>> -> memref<1x40x128xi32, #tpu.memory_space<hbm>>
      %dma_start3A_43 = tpu.memref_squeeze %dma_start3A_42 : memref<1x40x128xi32, #tpu.memory_space<hbm>> -> memref<40x128xi32, #tpu.memory_space<hbm>>
      tpu.enqueue_dma source(%dma_start3A_43 : memref<40x128xi32, #tpu.memory_space<hbm>>) target(%arg7 : memref<40x128xi32, #tpu.memory_space<vmem>>) target_semaphore(%run_scoped3A : memref<!tpu.dma_semaphore, #tpu.memory_space<semaphore_mem>>)
      %dma_wait3A = arith.constant 40 : i32
      %dma_wait3A_44 = arith.constant 0 : i32
      %dma_wait3A_45 = tpu.memref_slice %arg3[%add3A, %dma_wait3A, %dma_wait3A_44] : memref<32x80x128xi32, #tpu.memory_space<hbm>> -> memref<1x40x128xi32, #tpu.memory_space<hbm>>
      %dma_wait3A_46 = tpu.memref_squeeze %dma_wait3A_45 : memref<1x40x128xi32, #tpu.memory_space<hbm>> -> memref<40x128xi32, #tpu.memory_space<hbm>>
      %dma_wait3A_47 = arith.constant 40 : i32
      %dma_wait3A_48 = arith.constant 0 : i32
      %dma_wait3A_49 = tpu.memref_slice %arg3[%add3A, %dma_wait3A_47, %dma_wait3A_48] : memref<32x80x128xi32, #tpu.memory_space<hbm>> -> memref<1x40x128xi32, #tpu.memory_space<hbm>>
      %dma_wait3A_50 = tpu.memref_squeeze %dma_wait3A_49 : memref<1x40x128xi32, #tpu.memory_space<hbm>> -> memref<40x128xi32, #tpu.memory_space<hbm>>
      tpu.wait_dma2 semaphore(%run_scoped3A : memref<!tpu.dma_semaphore, #tpu.memory_space<semaphore_mem>>) src(%dma_wait3A_50 : memref<40x128xi32, #tpu.memory_space<hbm>>) dst(%arg7 : memref<40x128xi32, #tpu.memory_space<vmem>>)
      tpu.yield
    }) : () -> ()
    "tpu.region"() ({
      %run_scoped3A = tpu.sem_alloc : memref<!tpu.dma_semaphore, #tpu.memory_space<semaphore_mem>>
      %dma_start3A_36 = arith.constant 40 : i32
      %dma_start3A_37 = arith.constant 0 : i32
      %dma_start3A_38 = tpu.memref_slice %arg4[%add3A, %dma_start3A_36, %dma_start3A_37] : memref<32x80x128xi32, #tpu.memory_space<hbm>> -> memref<1x40x128xi32, #tpu.memory_space<hbm>>
      %dma_start3A_39 = tpu.memref_squeeze %dma_start3A_38 : memref<1x40x128xi32, #tpu.memory_space<hbm>> -> memref<40x128xi32, #tpu.memory_space<hbm>>
      %dma_start3A_40 = arith.constant 40 : i32
      %dma_start3A_41 = arith.constant 0 : i32
      %dma_start3A_42 = tpu.memref_slice %arg4[%add3A, %dma_start3A_40, %dma_start3A_41] : memref<32x80x128xi32, #tpu.memory_space<hbm>> -> memref<1x40x128xi32, #tpu.memory_space<hbm>>
      %dma_start3A_43 = tpu.memref_squeeze %dma_start3A_42 : memref<1x40x128xi32, #tpu.memory_space<hbm>> -> memref<40x128xi32, #tpu.memory_space<hbm>>
      tpu.enqueue_dma source(%dma_start3A_43 : memref<40x128xi32, #tpu.memory_space<hbm>>) target(%arg8 : memref<40x128xi32, #tpu.memory_space<vmem>>) target_semaphore(%run_scoped3A : memref<!tpu.dma_semaphore, #tpu.memory_space<semaphore_mem>>)
      %dma_wait3A = arith.constant 40 : i32
      %dma_wait3A_44 = arith.constant 0 : i32
      %dma_wait3A_45 = tpu.memref_slice %arg4[%add3A, %dma_wait3A, %dma_wait3A_44] : memref<32x80x128xi32, #tpu.memory_space<hbm>> -> memref<1x40x128xi32, #tpu.memory_space<hbm>>
      %dma_wait3A_46 = tpu.memref_squeeze %dma_wait3A_45 : memref<1x40x128xi32, #tpu.memory_space<hbm>> -> memref<40x128xi32, #tpu.memory_space<hbm>>
      %dma_wait3A_47 = arith.constant 40 : i32
      %dma_wait3A_48 = arith.constant 0 : i32
      %dma_wait3A_49 = tpu.memref_slice %arg4[%add3A, %dma_wait3A_47, %dma_wait3A_48] : memref<32x80x128xi32, #tpu.memory_space<hbm>> -> memref<1x40x128xi32, #tpu.memory_space<hbm>>
      %dma_wait3A_50 = tpu.memref_squeeze %dma_wait3A_49 : memref<1x40x128xi32, #tpu.memory_space<hbm>> -> memref<40x128xi32, #tpu.memory_space<hbm>>
      tpu.wait_dma2 semaphore(%run_scoped3A : memref<!tpu.dma_semaphore, #tpu.memory_space<semaphore_mem>>) src(%dma_wait3A_50 : memref<40x128xi32, #tpu.memory_space<hbm>>) dst(%arg8 : memref<40x128xi32, #tpu.memory_space<vmem>>)
      tpu.yield
    }) : () -> ()
    %dma_start3A_18 = arith.constant 0 : i32
    %dma_start3A_19 = arith.constant 0 : i32
    %dma_start3A_20 = tpu.memref_slice %arg7[%dma_start3A_18, %dma_start3A_19] : memref<40x128xi32, #tpu.memory_space<vmem>> -> memref<1x128xi32, #tpu.memory_space<vmem>>
    %dma_start3A_21 = tpu.memref_squeeze %dma_start3A_20 : memref<1x128xi32, #tpu.memory_space<vmem>> -> memref<128xi32, #tpu.memory_space<vmem>>
    %dma_start3A_22 = arith.constant 0 : i32
    %dma_start3A_23 = arith.constant 0 : i32
    %dma_start3A_24 = tpu.memref_slice %arg2[%dma_start3A_22, %dma_start3A_23] : memref<10240x128xf32, #tpu.memory_space<hbm>> -> memref<10240x128xf32, #tpu.memory_space<hbm>>
    tpu.enqueue_indirect_dma source(%dma_start3A_24 : memref<10240x128xf32, #tpu.memory_space<hbm>>) target(%arg9 : memref<128x128xf32, #tpu.memory_space<vmem>>) offsets(%dma_start3A_21 : memref<128xi32, #tpu.memory_space<vmem>>) semaphore(%arg12 : memref<!tpu.dma_semaphore, #tpu.memory_space<semaphore_mem>>)
    %scan3A_25 = arith.constant 0 : i32
    %scan3A_26 = arith.constant 0 : i32
    %scan3A_27 = arith.constant 20 : i32
    %scan3A_28 = arith.addi %scan3A_26, %scan3A_27 : i32
    %scan3A_29 = arith.constant 1 : i32
    scf.for %scan3A_36 = %scan3A_26 to %scan3A_28 step %scan3A_29  : i32 {
      %mul3A_37 = arith.constant 2 : i32
      %mul3A_38 = arith.muli %mul3A_37, %scan3A_36 : i32
      %dma_wait3A = arith.constant 0 : i32
      %dma_wait3A_39 = tpu.memref_slice %arg7[%mul3A_38, %dma_wait3A] : memref<40x128xi32, #tpu.memory_space<vmem>> -> memref<1x128xi32, #tpu.memory_space<vmem>>
      %dma_wait3A_40 = tpu.memref_squeeze %dma_wait3A_39 : memref<1x128xi32, #tpu.memory_space<vmem>> -> memref<128xi32, #tpu.memory_space<vmem>>
      %dma_wait3A_41 = arith.constant 0 : i32
      %dma_wait3A_42 = arith.constant 0 : i32
      %dma_wait3A_43 = tpu.memref_slice %arg2[%dma_wait3A_41, %dma_wait3A_42] : memref<10240x128xf32, #tpu.memory_space<hbm>> -> memref<10240x128xf32, #tpu.memory_space<hbm>>
      tpu.wait_indirect_dma semaphore(%arg12 : memref<!tpu.dma_semaphore, #tpu.memory_space<semaphore_mem>>) src(%dma_wait3A_43 : memref<10240x128xf32, #tpu.memory_space<hbm>>) dst(%arg9 : memref<128x128xf32, #tpu.memory_space<vmem>>)
      %add3A_44 = arith.constant 1 : i32
      %add3A_45 = arith.addi %mul3A_38, %add3A_44 : i32
      %dma_start3A_46 = arith.constant 0 : i32
      %dma_start3A_47 = tpu.memref_slice %arg7[%add3A_45, %dma_start3A_46] : memref<40x128xi32, #tpu.memory_space<vmem>> -> memref<1x128xi32, #tpu.memory_space<vmem>>
      %dma_start3A_48 = tpu.memref_squeeze %dma_start3A_47 : memref<1x128xi32, #tpu.memory_space<vmem>> -> memref<128xi32, #tpu.memory_space<vmem>>
      %dma_start3A_49 = arith.constant 0 : i32
      %dma_start3A_50 = arith.constant 0 : i32
      %dma_start3A_51 = tpu.memref_slice %arg2[%dma_start3A_49, %dma_start3A_50] : memref<10240x128xf32, #tpu.memory_space<hbm>> -> memref<10240x128xf32, #tpu.memory_space<hbm>>
      tpu.enqueue_indirect_dma source(%dma_start3A_51 : memref<10240x128xf32, #tpu.memory_space<hbm>>) target(%arg10 : memref<128x128xf32, #tpu.memory_space<vmem>>) offsets(%dma_start3A_48 : memref<128xi32, #tpu.memory_space<vmem>>) semaphore(%arg13 : memref<!tpu.dma_semaphore, #tpu.memory_space<semaphore_mem>>)
      "tpu.region"() ({
        %run_scoped3A = tpu.sem_alloc : memref<!tpu.dma_semaphore, #tpu.memory_space<semaphore_mem>>
        %dma_start3A_66 = arith.constant 0 : i32
        %dma_start3A_67 = tpu.memref_slice %arg8[%mul3A_38, %dma_start3A_66] : memref<40x128xi32, #tpu.memory_space<vmem>> -> memref<1x128xi32, #tpu.memory_space<vmem>>
        %dma_start3A_68 = tpu.memref_squeeze %dma_start3A_67 : memref<1x128xi32, #tpu.memory_space<vmem>> -> memref<128xi32, #tpu.memory_space<vmem>>
        %dma_start3A_69 = arith.constant 0 : i32
        %dma_start3A_70 = arith.constant 0 : i32
        %dma_start3A_71 = tpu.memref_slice %arg11[%dma_start3A_69, %dma_start3A_70] : memref<10240x128xf32, #tpu.memory_space<vmem_shared>> -> memref<10240x128xf32, #tpu.memory_space<vmem_shared>>
        tpu.enqueue_indirect_dma source(%arg9 : memref<128x128xf32, #tpu.memory_space<vmem>>) target(%dma_start3A_71 : memref<10240x128xf32, #tpu.memory_space<vmem_shared>>) offsets(%dma_start3A_68 : memref<128xi32, #tpu.memory_space<vmem>>) semaphore(%run_scoped3A : memref<!tpu.dma_semaphore, #tpu.memory_space<semaphore_mem>>) {add = true}
        %dma_wait3A_72 = arith.constant 0 : i32
        %dma_wait3A_73 = tpu.memref_slice %arg8[%mul3A_38, %dma_wait3A_72] : memref<40x128xi32, #tpu.memory_space<vmem>> -> memref<1x128xi32, #tpu.memory_space<vmem>>
        %dma_wait3A_74 = tpu.memref_squeeze %dma_wait3A_73 : memref<1x128xi32, #tpu.memory_space<vmem>> -> memref<128xi32, #tpu.memory_space<vmem>>
        %dma_wait3A_75 = arith.constant 0 : i32
        %dma_wait3A_76 = arith.constant 0 : i32
        %dma_wait3A_77 = tpu.memref_slice %arg11[%dma_wait3A_75, %dma_wait3A_76] : memref<10240x128xf32, #tpu.memory_space<vmem_shared>> -> memref<10240x128xf32, #tpu.memory_space<vmem_shared>>
        tpu.wait_indirect_dma semaphore(%run_scoped3A : memref<!tpu.dma_semaphore, #tpu.memory_space<semaphore_mem>>) src(%arg9 : memref<128x128xf32, #tpu.memory_space<vmem>>) dst(%dma_wait3A_77 : memref<10240x128xf32, #tpu.memory_space<vmem_shared>>)
        tpu.yield
      }) : () -> ()
      %add3A_52 = arith.constant 1 : i32
      %add3A_53 = arith.addi %mul3A_38, %add3A_52 : i32
      %dma_wait3A_54 = arith.constant 0 : i32
      %dma_wait3A_55 = tpu.memref_slice %arg7[%add3A_53, %dma_wait3A_54] : memref<40x128xi32, #tpu.memory_space<vmem>> -> memref<1x128xi32, #tpu.memory_space<vmem>>
      %dma_wait3A_56 = tpu.memref_squeeze %dma_wait3A_55 : memref<1x128xi32, #tpu.memory_space<vmem>> -> memref<128xi32, #tpu.memory_space<vmem>>
      %dma_wait3A_57 = arith.constant 0 : i32
      %dma_wait3A_58 = arith.constant 0 : i32
      %dma_wait3A_59 = tpu.memref_slice %arg2[%dma_wait3A_57, %dma_wait3A_58] : memref<10240x128xf32, #tpu.memory_space<hbm>> -> memref<10240x128xf32, #tpu.memory_space<hbm>>
      tpu.wait_indirect_dma semaphore(%arg13 : memref<!tpu.dma_semaphore, #tpu.memory_space<semaphore_mem>>) src(%dma_wait3A_59 : memref<10240x128xf32, #tpu.memory_space<hbm>>) dst(%arg10 : memref<128x128xf32, #tpu.memory_space<vmem>>)
      %add3A_60 = arith.constant 1 : i32
      %add3A_61 = arith.addi %scan3A_36, %add3A_60 : i32
      %lt3A = arith.constant 20 : i32
      %lt3A_62 = arith.cmpi slt, %add3A_61, %lt3A : i32
      %convert_element_type3A = arith.extui %lt3A_62 : i1 to i32
      %cond3A = arith.constant 0 : i32
      %cond3A_63 = arith.cmpi ne, %convert_element_type3A, %cond3A : i32
      scf.if %cond3A_63 {
        %add3A_66 = arith.constant 2 : i32
        %add3A_67 = arith.addi %mul3A_38, %add3A_66 : i32
        %dma_start3A_68 = arith.constant 0 : i32
        %dma_start3A_69 = tpu.memref_slice %arg7[%add3A_67, %dma_start3A_68] : memref<40x128xi32, #tpu.memory_space<vmem>> -> memref<1x128xi32, #tpu.memory_space<vmem>>
        %dma_start3A_70 = tpu.memref_squeeze %dma_start3A_69 : memref<1x128xi32, #tpu.memory_space<vmem>> -> memref<128xi32, #tpu.memory_space<vmem>>
        %dma_start3A_71 = arith.constant 0 : i32
        %dma_start3A_72 = arith.constant 0 : i32
        %dma_start3A_73 = tpu.memref_slice %arg2[%dma_start3A_71, %dma_start3A_72] : memref<10240x128xf32, #tpu.memory_space<hbm>> -> memref<10240x128xf32, #tpu.memory_space<hbm>>
        tpu.enqueue_indirect_dma source(%dma_start3A_73 : memref<10240x128xf32, #tpu.memory_space<hbm>>) target(%arg9 : memref<128x128xf32, #tpu.memory_space<vmem>>) offsets(%dma_start3A_70 : memref<128xi32, #tpu.memory_space<vmem>>) semaphore(%arg12 : memref<!tpu.dma_semaphore, #tpu.memory_space<semaphore_mem>>)
      } else {
      }
      %add3A_64 = arith.constant 1 : i32
      %add3A_65 = arith.addi %mul3A_38, %add3A_64 : i32
      "tpu.region"() ({
        %run_scoped3A = tpu.sem_alloc : memref<!tpu.dma_semaphore, #tpu.memory_space<semaphore_mem>>
        %dma_start3A_66 = arith.constant 0 : i32
        %dma_start3A_67 = tpu.memref_slice %arg8[%add3A_65, %dma_start3A_66] : memref<40x128xi32, #tpu.memory_space<vmem>> -> memref<1x128xi32, #tpu.memory_space<vmem>>
        %dma_start3A_68 = tpu.memref_squeeze %dma_start3A_67 : memref<1x128xi32, #tpu.memory_space<vmem>> -> memref<128xi32, #tpu.memory_space<vmem>>
        %dma_start3A_69 = arith.constant 0 : i32
        %dma_start3A_70 = arith.constant 0 : i32
        %dma_start3A_71 = tpu.memref_slice %arg11[%dma_start3A_69, %dma_start3A_70] : memref<10240x128xf32, #tpu.memory_space<vmem_shared>> -> memref<10240x128xf32, #tpu.memory_space<vmem_shared>>
        tpu.enqueue_indirect_dma source(%arg10 : memref<128x128xf32, #tpu.memory_space<vmem>>) target(%dma_start3A_71 : memref<10240x128xf32, #tpu.memory_space<vmem_shared>>) offsets(%dma_start3A_68 : memref<128xi32, #tpu.memory_space<vmem>>) semaphore(%run_scoped3A : memref<!tpu.dma_semaphore, #tpu.memory_space<semaphore_mem>>) {add = true}
        %dma_wait3A_72 = arith.constant 0 : i32
        %dma_wait3A_73 = tpu.memref_slice %arg8[%add3A_65, %dma_wait3A_72] : memref<40x128xi32, #tpu.memory_space<vmem>> -> memref<1x128xi32, #tpu.memory_space<vmem>>
        %dma_wait3A_74 = tpu.memref_squeeze %dma_wait3A_73 : memref<1x128xi32, #tpu.memory_space<vmem>> -> memref<128xi32, #tpu.memory_space<vmem>>
        %dma_wait3A_75 = arith.constant 0 : i32
        %dma_wait3A_76 = arith.constant 0 : i32
        %dma_wait3A_77 = tpu.memref_slice %arg11[%dma_wait3A_75, %dma_wait3A_76] : memref<10240x128xf32, #tpu.memory_space<vmem_shared>> -> memref<10240x128xf32, #tpu.memory_space<vmem_shared>>
        tpu.wait_indirect_dma semaphore(%run_scoped3A : memref<!tpu.dma_semaphore, #tpu.memory_space<semaphore_mem>>) src(%arg10 : memref<128x128xf32, #tpu.memory_space<vmem>>) dst(%dma_wait3A_77 : memref<10240x128xf32, #tpu.memory_space<vmem_shared>>)
        tpu.yield
      }) : () -> ()
    }
    %scan3A_30 = arith.constant 20 : i32
    %barrier3A_31 = arith.constant 0 : index
    tpu.barrier barrier_id(%barrier3A_31)
    %mul3A_32 = arith.constant 640 : i32
    %mul3A_33 = arith.muli %arg1, %mul3A_32 : i32
    %mul3A_34 = arith.constant 640 : i32
    %mul3A_35 = arith.muli %arg1, %mul3A_34 : i32
    "tpu.region"() ({
      %run_scoped3A = tpu.sem_alloc : memref<!tpu.dma_semaphore, #tpu.memory_space<semaphore_mem>>
      %dma_start3A_36 = arith.constant 0 : i32
      %dma_start3A_37 = tpu.memref_slice %arg6[%arg0, %mul3A_35, %dma_start3A_36] : memref<2x10240x128xf32, #tpu.memory_space<hbm>> -> memref<1x640x128xf32, #tpu.memory_space<hbm>>
      %dma_start3A_38 = tpu.memref_squeeze %dma_start3A_37 : memref<1x640x128xf32, #tpu.memory_space<hbm>> -> memref<640x128xf32, #tpu.memory_space<hbm>>
      %dma_start3A_39 = arith.constant 0 : i32
      %dma_start3A_40 = tpu.memref_slice %arg11[%mul3A_33, %dma_start3A_39] : memref<10240x128xf32, #tpu.memory_space<vmem_shared>> -> memref<640x128xf32, #tpu.memory_space<vmem_shared>>
      tpu.enqueue_dma source(%dma_start3A_40 : memref<640x128xf32, #tpu.memory_space<vmem_shared>>) target(%dma_start3A_38 : memref<640x128xf32, #tpu.memory_space<hbm>>) target_semaphore(%run_scoped3A : memref<!tpu.dma_semaphore, #tpu.memory_space<semaphore_mem>>)
      %dma_wait3A = arith.constant 0 : i32
      %dma_wait3A_41 = tpu.memref_slice %arg6[%arg0, %mul3A_35, %dma_wait3A] : memref<2x10240x128xf32, #tpu.memory_space<hbm>> -> memref<1x640x128xf32, #tpu.memory_space<hbm>>
      %dma_wait3A_42 = tpu.memref_squeeze %dma_wait3A_41 : memref<1x640x128xf32, #tpu.memory_space<hbm>> -> memref<640x128xf32, #tpu.memory_space<hbm>>
      %dma_wait3A_43 = arith.constant 0 : i32
      %dma_wait3A_44 = tpu.memref_slice %arg11[%mul3A_33, %dma_wait3A_43] : memref<10240x128xf32, #tpu.memory_space<vmem_shared>> -> memref<640x128xf32, #tpu.memory_space<vmem_shared>>
      tpu.wait_dma2 semaphore(%run_scoped3A : memref<!tpu.dma_semaphore, #tpu.memory_space<semaphore_mem>>) src(%dma_wait3A_44 : memref<640x128xf32, #tpu.memory_space<vmem_shared>>) dst(%dma_wait3A_42 : memref<640x128xf32, #tpu.memory_space<hbm>>)
      tpu.yield
    }) : () -> ()
    return
  }
}

#map = affine_map<(d0, d1) -> (0, 0)>
#map1 = affine_map<(d0, d1) -> (0, 0, 0)>
module attributes {stable_mosaic.version = 14 : i64} {
  func.func @_agg_body(%arg0: i32, %arg1: i32, %arg2: memref<10240x128xf32, #tpu.memory_space<hbm>>, %arg3: memref<32x80x128xi32, #tpu.memory_space<hbm>>, %arg4: memref<32x80x128xi32, #tpu.memory_space<hbm>>, %arg5: memref<128x128xf32, #tpu.memory_space<hbm>>, %arg6: memref<2x10240x128xf32, #tpu.memory_space<hbm>>, %arg7: memref<40x128xi32, #tpu.memory_space<vmem>>, %arg8: memref<40x128xi32, #tpu.memory_space<vmem>>, %arg9: memref<128x128xf32, #tpu.memory_space<vmem>>, %arg10: memref<128x128xf32, #tpu.memory_space<vmem>>, %arg11: memref<10240x128xf32, #tpu.memory_space<vmem_shared>>, %arg12: memref<!tpu.dma_semaphore, #tpu.memory_space<semaphore_mem>>, %arg13: memref<!tpu.dma_semaphore, #tpu.memory_space<semaphore_mem>>) attributes {dimension_semantics = [#tpu.dimension_semantics<core_parallel>, #tpu.dimension_semantics<subcore_parallel>], iteration_bounds = array<i64: 2, 16>, scalar_prefetch = 0 : i64, scratch_operands = 7 : i64, tpu.core_type = #tpu.core_type<sc_vector_subcore>, window_params = [{transform_indices = #map}, {transform_indices = #map1}, {transform_indices = #map1}, {transform_indices = #map}, {transform_indices = #map1}]} {
    %mul3A = arith.constant 2 : i32
    %mul3A_0 = arith.muli %arg1, %mul3A : i32
    %add3A = arith.addi %mul3A_0, %arg0 : i32
    "tpu.region"() ({
      %run_scoped3A = tpu.sem_alloc : memref<!tpu.dma_semaphore, #tpu.memory_space<semaphore_mem>>
      %dma_start3A_36 = arith.constant 0 : i32
      %dma_start3A_37 = arith.constant 0 : i32
      %dma_start3A_38 = tpu.memref_slice %arg3[%add3A, %dma_start3A_36, %dma_start3A_37] : memref<32x80x128xi32, #tpu.memory_space<hbm>> -> memref<1x40x128xi32, #tpu.memory_space<hbm>>
      %dma_start3A_39 = tpu.memref_squeeze %dma_start3A_38 : memref<1x40x128xi32, #tpu.memory_space<hbm>> -> memref<40x128xi32, #tpu.memory_space<hbm>>
      %dma_start3A_40 = arith.constant 0 : i32
      %dma_start3A_41 = arith.constant 0 : i32
      %dma_start3A_42 = tpu.memref_slice %arg3[%add3A, %dma_start3A_40, %dma_start3A_41] : memref<32x80x128xi32, #tpu.memory_space<hbm>> -> memref<1x40x128xi32, #tpu.memory_space<hbm>>
      %dma_start3A_43 = tpu.memref_squeeze %dma_start3A_42 : memref<1x40x128xi32, #tpu.memory_space<hbm>> -> memref<40x128xi32, #tpu.memory_space<hbm>>
      tpu.enqueue_dma source(%dma_start3A_43 : memref<40x128xi32, #tpu.memory_space<hbm>>) target(%arg7 : memref<40x128xi32, #tpu.memory_space<vmem>>) target_semaphore(%run_scoped3A : memref<!tpu.dma_semaphore, #tpu.memory_space<semaphore_mem>>)
      %dma_wait3A = arith.constant 0 : i32
      %dma_wait3A_44 = arith.constant 0 : i32
      %dma_wait3A_45 = tpu.memref_slice %arg3[%add3A, %dma_wait3A, %dma_wait3A_44] : memref<32x80x128xi32, #tpu.memory_space<hbm>> -> memref<1x40x128xi32, #tpu.memory_space<hbm>>
      %dma_wait3A_46 = tpu.memref_squeeze %dma_wait3A_45 : memref<1x40x128xi32, #tpu.memory_space<hbm>> -> memref<40x128xi32, #tpu.memory_space<hbm>>
      %dma_wait3A_47 = arith.constant 0 : i32
      %dma_wait3A_48 = arith.constant 0 : i32
      %dma_wait3A_49 = tpu.memref_slice %arg3[%add3A, %dma_wait3A_47, %dma_wait3A_48] : memref<32x80x128xi32, #tpu.memory_space<hbm>> -> memref<1x40x128xi32, #tpu.memory_space<hbm>>
      %dma_wait3A_50 = tpu.memref_squeeze %dma_wait3A_49 : memref<1x40x128xi32, #tpu.memory_space<hbm>> -> memref<40x128xi32, #tpu.memory_space<hbm>>
      tpu.wait_dma2 semaphore(%run_scoped3A : memref<!tpu.dma_semaphore, #tpu.memory_space<semaphore_mem>>) src(%dma_wait3A_50 : memref<40x128xi32, #tpu.memory_space<hbm>>) dst(%arg7 : memref<40x128xi32, #tpu.memory_space<vmem>>)
      tpu.yield
    }) : () -> ()
    %dma_start3A = arith.constant 0 : i32
    %dma_start3A_1 = arith.constant 0 : i32
    %dma_start3A_2 = tpu.memref_slice %arg7[%dma_start3A, %dma_start3A_1] : memref<40x128xi32, #tpu.memory_space<vmem>> -> memref<1x128xi32, #tpu.memory_space<vmem>>
    %dma_start3A_3 = tpu.memref_squeeze %dma_start3A_2 : memref<1x128xi32, #tpu.memory_space<vmem>> -> memref<128xi32, #tpu.memory_space<vmem>>
    %dma_start3A_4 = arith.constant 0 : i32
    %dma_start3A_5 = arith.constant 0 : i32
    %dma_start3A_6 = tpu.memref_slice %arg2[%dma_start3A_4, %dma_start3A_5] : memref<10240x128xf32, #tpu.memory_space<hbm>> -> memref<10240x128xf32, #tpu.memory_space<hbm>>
    tpu.enqueue_indirect_dma source(%dma_start3A_6 : memref<10240x128xf32, #tpu.memory_space<hbm>>) target(%arg9 : memref<128x128xf32, #tpu.memory_space<vmem>>) offsets(%dma_start3A_3 : memref<128xi32, #tpu.memory_space<vmem>>) semaphore(%arg12 : memref<!tpu.dma_semaphore, #tpu.memory_space<semaphore_mem>>)
    "tpu.region"() ({
      %run_scoped3A = tpu.sem_alloc : memref<!tpu.dma_semaphore, #tpu.memory_space<semaphore_mem>>
      %dma_start3A_36 = arith.constant 0 : i32
      %dma_start3A_37 = arith.constant 0 : i32
      %dma_start3A_38 = tpu.memref_slice %arg4[%add3A, %dma_start3A_36, %dma_start3A_37] : memref<32x80x128xi32, #tpu.memory_space<hbm>> -> memref<1x40x128xi32, #tpu.memory_space<hbm>>
      %dma_start3A_39 = tpu.memref_squeeze %dma_start3A_38 : memref<1x40x128xi32, #tpu.memory_space<hbm>> -> memref<40x128xi32, #tpu.memory_space<hbm>>
      %dma_start3A_40 = arith.constant 0 : i32
      %dma_start3A_41 = arith.constant 0 : i32
      %dma_start3A_42 = tpu.memref_slice %arg4[%add3A, %dma_start3A_40, %dma_start3A_41] : memref<32x80x128xi32, #tpu.memory_space<hbm>> -> memref<1x40x128xi32, #tpu.memory_space<hbm>>
      %dma_start3A_43 = tpu.memref_squeeze %dma_start3A_42 : memref<1x40x128xi32, #tpu.memory_space<hbm>> -> memref<40x128xi32, #tpu.memory_space<hbm>>
      tpu.enqueue_dma source(%dma_start3A_43 : memref<40x128xi32, #tpu.memory_space<hbm>>) target(%arg8 : memref<40x128xi32, #tpu.memory_space<vmem>>) target_semaphore(%run_scoped3A : memref<!tpu.dma_semaphore, #tpu.memory_space<semaphore_mem>>)
      %dma_wait3A = arith.constant 0 : i32
      %dma_wait3A_44 = arith.constant 0 : i32
      %dma_wait3A_45 = tpu.memref_slice %arg4[%add3A, %dma_wait3A, %dma_wait3A_44] : memref<32x80x128xi32, #tpu.memory_space<hbm>> -> memref<1x40x128xi32, #tpu.memory_space<hbm>>
      %dma_wait3A_46 = tpu.memref_squeeze %dma_wait3A_45 : memref<1x40x128xi32, #tpu.memory_space<hbm>> -> memref<40x128xi32, #tpu.memory_space<hbm>>
      %dma_wait3A_47 = arith.constant 0 : i32
      %dma_wait3A_48 = arith.constant 0 : i32
      %dma_wait3A_49 = tpu.memref_slice %arg4[%add3A, %dma_wait3A_47, %dma_wait3A_48] : memref<32x80x128xi32, #tpu.memory_space<hbm>> -> memref<1x40x128xi32, #tpu.memory_space<hbm>>
      %dma_wait3A_50 = tpu.memref_squeeze %dma_wait3A_49 : memref<1x40x128xi32, #tpu.memory_space<hbm>> -> memref<40x128xi32, #tpu.memory_space<hbm>>
      tpu.wait_dma2 semaphore(%run_scoped3A : memref<!tpu.dma_semaphore, #tpu.memory_space<semaphore_mem>>) src(%dma_wait3A_50 : memref<40x128xi32, #tpu.memory_space<hbm>>) dst(%arg8 : memref<40x128xi32, #tpu.memory_space<vmem>>)
      tpu.yield
    }) : () -> ()
    "tpu.region"() ({
      %run_scoped3A = tpu.sem_alloc : memref<!tpu.dma_semaphore, #tpu.memory_space<semaphore_mem>>
      tpu.enqueue_dma source(%arg5 : memref<128x128xf32, #tpu.memory_space<hbm>>) target(%arg10 : memref<128x128xf32, #tpu.memory_space<vmem>>) target_semaphore(%run_scoped3A : memref<!tpu.dma_semaphore, #tpu.memory_space<semaphore_mem>>)
      tpu.wait_dma2 semaphore(%run_scoped3A : memref<!tpu.dma_semaphore, #tpu.memory_space<semaphore_mem>>) src(%arg5 : memref<128x128xf32, #tpu.memory_space<hbm>>) dst(%arg10 : memref<128x128xf32, #tpu.memory_space<vmem>>)
      tpu.yield
    }) : () -> ()
    %scan3A = arith.constant 0 : i32
    %scan3A_7 = arith.constant 0 : i32
    %scan3A_8 = arith.constant 5 : i32
    %scan3A_9 = arith.addi %scan3A_7, %scan3A_8 : i32
    %scan3A_10 = arith.constant 1 : i32
    scf.for %scan3A_36 = %scan3A_7 to %scan3A_9 step %scan3A_10  : i32 {
      %mul3A_37 = arith.constant 16 : i32
      %mul3A_38 = arith.muli %mul3A_37, %scan3A_36 : i32
      %add3A_39 = arith.addi %arg1, %mul3A_38 : i32
      %mul3A_40 = arith.constant 128 : i32
      %mul3A_41 = arith.muli %add3A_39, %mul3A_40 : i32
      "tpu.region"() ({
        %run_scoped3A = tpu.sem_alloc : memref<!tpu.dma_semaphore, #tpu.memory_space<semaphore_mem>>
        %dma_start3A_42 = arith.constant 0 : i32
        %dma_start3A_43 = tpu.memref_slice %arg11[%mul3A_41, %dma_start3A_42] : memref<10240x128xf32, #tpu.memory_space<vmem_shared>> -> memref<128x128xf32, #tpu.memory_space<vmem_shared>>
        %dma_start3A_44 = arith.constant 0 : i32
        %dma_start3A_45 = tpu.memref_slice %arg11[%mul3A_41, %dma_start3A_44] : memref<10240x128xf32, #tpu.memory_space<vmem_shared>> -> memref<128x128xf32, #tpu.memory_space<vmem_shared>>
        tpu.enqueue_dma source(%arg10 : memref<128x128xf32, #tpu.memory_space<vmem>>) target(%dma_start3A_45 : memref<128x128xf32, #tpu.memory_space<vmem_shared>>) target_semaphore(%run_scoped3A : memref<!tpu.dma_semaphore, #tpu.memory_space<semaphore_mem>>)
        %dma_wait3A = arith.constant 0 : i32
        %dma_wait3A_46 = tpu.memref_slice %arg11[%mul3A_41, %dma_wait3A] : memref<10240x128xf32, #tpu.memory_space<vmem_shared>> -> memref<128x128xf32, #tpu.memory_space<vmem_shared>>
        %dma_wait3A_47 = arith.constant 0 : i32
        %dma_wait3A_48 = tpu.memref_slice %arg11[%mul3A_41, %dma_wait3A_47] : memref<10240x128xf32, #tpu.memory_space<vmem_shared>> -> memref<128x128xf32, #tpu.memory_space<vmem_shared>>
        tpu.wait_dma2 semaphore(%run_scoped3A : memref<!tpu.dma_semaphore, #tpu.memory_space<semaphore_mem>>) src(%arg10 : memref<128x128xf32, #tpu.memory_space<vmem>>) dst(%dma_wait3A_48 : memref<128x128xf32, #tpu.memory_space<vmem_shared>>)
        tpu.yield
      }) : () -> ()
    }
    %scan3A_11 = arith.constant 5 : i32
    %barrier3A = arith.constant 0 : index
    tpu.barrier barrier_id(%barrier3A)
    %scan3A_12 = arith.constant 0 : i32
    %scan3A_13 = arith.constant 0 : i32
    %scan3A_14 = arith.constant 20 : i32
    %scan3A_15 = arith.addi %scan3A_13, %scan3A_14 : i32
    %scan3A_16 = arith.constant 1 : i32
    scf.for %scan3A_36 = %scan3A_13 to %scan3A_15 step %scan3A_16  : i32 {
      %mul3A_37 = arith.constant 2 : i32
      %mul3A_38 = arith.muli %mul3A_37, %scan3A_36 : i32
      %dma_wait3A = arith.constant 0 : i32
      %dma_wait3A_39 = tpu.memref_slice %arg7[%mul3A_38, %dma_wait3A] : memref<40x128xi32, #tpu.memory_space<vmem>> -> memref<1x128xi32, #tpu.memory_space<vmem>>
      %dma_wait3A_40 = tpu.memref_squeeze %dma_wait3A_39 : memref<1x128xi32, #tpu.memory_space<vmem>> -> memref<128xi32, #tpu.memory_space<vmem>>
      %dma_wait3A_41 = arith.constant 0 : i32
      %dma_wait3A_42 = arith.constant 0 : i32
      %dma_wait3A_43 = tpu.memref_slice %arg2[%dma_wait3A_41, %dma_wait3A_42] : memref<10240x128xf32, #tpu.memory_space<hbm>> -> memref<10240x128xf32, #tpu.memory_space<hbm>>
      tpu.wait_indirect_dma semaphore(%arg12 : memref<!tpu.dma_semaphore, #tpu.memory_space<semaphore_mem>>) src(%dma_wait3A_43 : memref<10240x128xf32, #tpu.memory_space<hbm>>) dst(%arg9 : memref<128x128xf32, #tpu.memory_space<vmem>>)
      %add3A_44 = arith.constant 1 : i32
      %add3A_45 = arith.addi %mul3A_38, %add3A_44 : i32
      %dma_start3A_46 = arith.constant 0 : i32
      %dma_start3A_47 = tpu.memref_slice %arg7[%add3A_45, %dma_start3A_46] : memref<40x128xi32, #tpu.memory_space<vmem>> -> memref<1x128xi32, #tpu.memory_space<vmem>>
      %dma_start3A_48 = tpu.memref_squeeze %dma_start3A_47 : memref<1x128xi32, #tpu.memory_space<vmem>> -> memref<128xi32, #tpu.memory_space<vmem>>
      %dma_start3A_49 = arith.constant 0 : i32
      %dma_start3A_50 = arith.constant 0 : i32
      %dma_start3A_51 = tpu.memref_slice %arg2[%dma_start3A_49, %dma_start3A_50] : memref<10240x128xf32, #tpu.memory_space<hbm>> -> memref<10240x128xf32, #tpu.memory_space<hbm>>
      tpu.enqueue_indirect_dma source(%dma_start3A_51 : memref<10240x128xf32, #tpu.memory_space<hbm>>) target(%arg10 : memref<128x128xf32, #tpu.memory_space<vmem>>) offsets(%dma_start3A_48 : memref<128xi32, #tpu.memory_space<vmem>>) semaphore(%arg13 : memref<!tpu.dma_semaphore, #tpu.memory_space<semaphore_mem>>)
      "tpu.region"() ({
        %run_scoped3A = tpu.sem_alloc : memref<!tpu.dma_semaphore, #tpu.memory_space<semaphore_mem>>
        %dma_start3A_66 = arith.constant 0 : i32
        %dma_start3A_67 = tpu.memref_slice %arg8[%mul3A_38, %dma_start3A_66] : memref<40x128xi32, #tpu.memory_space<vmem>> -> memref<1x128xi32, #tpu.memory_space<vmem>>
        %dma_start3A_68 = tpu.memref_squeeze %dma_start3A_67 : memref<1x128xi32, #tpu.memory_space<vmem>> -> memref<128xi32, #tpu.memory_space<vmem>>
        %dma_start3A_69 = arith.constant 0 : i32
        %dma_start3A_70 = arith.constant 0 : i32
        %dma_start3A_71 = tpu.memref_slice %arg11[%dma_start3A_69, %dma_start3A_70] : memref<10240x128xf32, #tpu.memory_space<vmem_shared>> -> memref<10240x128xf32, #tpu.memory_space<vmem_shared>>
        tpu.enqueue_indirect_dma source(%arg9 : memref<128x128xf32, #tpu.memory_space<vmem>>) target(%dma_start3A_71 : memref<10240x128xf32, #tpu.memory_space<vmem_shared>>) offsets(%dma_start3A_68 : memref<128xi32, #tpu.memory_space<vmem>>) semaphore(%run_scoped3A : memref<!tpu.dma_semaphore, #tpu.memory_space<semaphore_mem>>) {add = true}
        %dma_wait3A_72 = arith.constant 0 : i32
        %dma_wait3A_73 = tpu.memref_slice %arg8[%mul3A_38, %dma_wait3A_72] : memref<40x128xi32, #tpu.memory_space<vmem>> -> memref<1x128xi32, #tpu.memory_space<vmem>>
        %dma_wait3A_74 = tpu.memref_squeeze %dma_wait3A_73 : memref<1x128xi32, #tpu.memory_space<vmem>> -> memref<128xi32, #tpu.memory_space<vmem>>
        %dma_wait3A_75 = arith.constant 0 : i32
        %dma_wait3A_76 = arith.constant 0 : i32
        %dma_wait3A_77 = tpu.memref_slice %arg11[%dma_wait3A_75, %dma_wait3A_76] : memref<10240x128xf32, #tpu.memory_space<vmem_shared>> -> memref<10240x128xf32, #tpu.memory_space<vmem_shared>>
        tpu.wait_indirect_dma semaphore(%run_scoped3A : memref<!tpu.dma_semaphore, #tpu.memory_space<semaphore_mem>>) src(%arg9 : memref<128x128xf32, #tpu.memory_space<vmem>>) dst(%dma_wait3A_77 : memref<10240x128xf32, #tpu.memory_space<vmem_shared>>)
        tpu.yield
      }) : () -> ()
      %add3A_52 = arith.constant 1 : i32
      %add3A_53 = arith.addi %mul3A_38, %add3A_52 : i32
      %dma_wait3A_54 = arith.constant 0 : i32
      %dma_wait3A_55 = tpu.memref_slice %arg7[%add3A_53, %dma_wait3A_54] : memref<40x128xi32, #tpu.memory_space<vmem>> -> memref<1x128xi32, #tpu.memory_space<vmem>>
      %dma_wait3A_56 = tpu.memref_squeeze %dma_wait3A_55 : memref<1x128xi32, #tpu.memory_space<vmem>> -> memref<128xi32, #tpu.memory_space<vmem>>
      %dma_wait3A_57 = arith.constant 0 : i32
      %dma_wait3A_58 = arith.constant 0 : i32
      %dma_wait3A_59 = tpu.memref_slice %arg2[%dma_wait3A_57, %dma_wait3A_58] : memref<10240x128xf32, #tpu.memory_space<hbm>> -> memref<10240x128xf32, #tpu.memory_space<hbm>>
      tpu.wait_indirect_dma semaphore(%arg13 : memref<!tpu.dma_semaphore, #tpu.memory_space<semaphore_mem>>) src(%dma_wait3A_59 : memref<10240x128xf32, #tpu.memory_space<hbm>>) dst(%arg10 : memref<128x128xf32, #tpu.memory_space<vmem>>)
      %add3A_60 = arith.constant 1 : i32
      %add3A_61 = arith.addi %scan3A_36, %add3A_60 : i32
      %lt3A = arith.constant 20 : i32
      %lt3A_62 = arith.cmpi slt, %add3A_61, %lt3A : i32
      %convert_element_type3A = arith.extui %lt3A_62 : i1 to i32
      %cond3A = arith.constant 0 : i32
      %cond3A_63 = arith.cmpi ne, %convert_element_type3A, %cond3A : i32
      scf.if %cond3A_63 {
        %add3A_66 = arith.constant 2 : i32
        %add3A_67 = arith.addi %mul3A_38, %add3A_66 : i32
        %dma_start3A_68 = arith.constant 0 : i32
        %dma_start3A_69 = tpu.memref_slice %arg7[%add3A_67, %dma_start3A_68] : memref<40x128xi32, #tpu.memory_space<vmem>> -> memref<1x128xi32, #tpu.memory_space<vmem>>
        %dma_start3A_70 = tpu.memref_squeeze %dma_start3A_69 : memref<1x128xi32, #tpu.memory_space<vmem>> -> memref<128xi32, #tpu.memory_space<vmem>>
        %dma_start3A_71 = arith.constant 0 : i32
        %dma_start3A_72 = arith.constant 0 : i32
        %dma_start3A_73 = tpu.memref_slice %arg2[%dma_start3A_71, %dma_start3A_72] : memref<10240x128xf32, #tpu.memory_space<hbm>> -> memref<10240x128xf32, #tpu.memory_space<hbm>>
        tpu.enqueue_indirect_dma source(%dma_start3A_73 : memref<10240x128xf32, #tpu.memory_space<hbm>>) target(%arg9 : memref<128x128xf32, #tpu.memory_space<vmem>>) offsets(%dma_start3A_70 : memref<128xi32, #tpu.memory_space<vmem>>) semaphore(%arg12 : memref<!tpu.dma_semaphore, #tpu.memory_space<semaphore_mem>>)
      } else {
      }
      %add3A_64 = arith.constant 1 : i32
      %add3A_65 = arith.addi %mul3A_38, %add3A_64 : i32
      "tpu.region"() ({
        %run_scoped3A = tpu.sem_alloc : memref<!tpu.dma_semaphore, #tpu.memory_space<semaphore_mem>>
        %dma_start3A_66 = arith.constant 0 : i32
        %dma_start3A_67 = tpu.memref_slice %arg8[%add3A_65, %dma_start3A_66] : memref<40x128xi32, #tpu.memory_space<vmem>> -> memref<1x128xi32, #tpu.memory_space<vmem>>
        %dma_start3A_68 = tpu.memref_squeeze %dma_start3A_67 : memref<1x128xi32, #tpu.memory_space<vmem>> -> memref<128xi32, #tpu.memory_space<vmem>>
        %dma_start3A_69 = arith.constant 0 : i32
        %dma_start3A_70 = arith.constant 0 : i32
        %dma_start3A_71 = tpu.memref_slice %arg11[%dma_start3A_69, %dma_start3A_70] : memref<10240x128xf32, #tpu.memory_space<vmem_shared>> -> memref<10240x128xf32, #tpu.memory_space<vmem_shared>>
        tpu.enqueue_indirect_dma source(%arg10 : memref<128x128xf32, #tpu.memory_space<vmem>>) target(%dma_start3A_71 : memref<10240x128xf32, #tpu.memory_space<vmem_shared>>) offsets(%dma_start3A_68 : memref<128xi32, #tpu.memory_space<vmem>>) semaphore(%run_scoped3A : memref<!tpu.dma_semaphore, #tpu.memory_space<semaphore_mem>>) {add = true}
        %dma_wait3A_72 = arith.constant 0 : i32
        %dma_wait3A_73 = tpu.memref_slice %arg8[%add3A_65, %dma_wait3A_72] : memref<40x128xi32, #tpu.memory_space<vmem>> -> memref<1x128xi32, #tpu.memory_space<vmem>>
        %dma_wait3A_74 = tpu.memref_squeeze %dma_wait3A_73 : memref<1x128xi32, #tpu.memory_space<vmem>> -> memref<128xi32, #tpu.memory_space<vmem>>
        %dma_wait3A_75 = arith.constant 0 : i32
        %dma_wait3A_76 = arith.constant 0 : i32
        %dma_wait3A_77 = tpu.memref_slice %arg11[%dma_wait3A_75, %dma_wait3A_76] : memref<10240x128xf32, #tpu.memory_space<vmem_shared>> -> memref<10240x128xf32, #tpu.memory_space<vmem_shared>>
        tpu.wait_indirect_dma semaphore(%run_scoped3A : memref<!tpu.dma_semaphore, #tpu.memory_space<semaphore_mem>>) src(%arg10 : memref<128x128xf32, #tpu.memory_space<vmem>>) dst(%dma_wait3A_77 : memref<10240x128xf32, #tpu.memory_space<vmem_shared>>)
        tpu.yield
      }) : () -> ()
    }
    %scan3A_17 = arith.constant 20 : i32
    "tpu.region"() ({
      %run_scoped3A = tpu.sem_alloc : memref<!tpu.dma_semaphore, #tpu.memory_space<semaphore_mem>>
      %dma_start3A_36 = arith.constant 40 : i32
      %dma_start3A_37 = arith.constant 0 : i32
      %dma_start3A_38 = tpu.memref_slice %arg3[%add3A, %dma_start3A_36, %dma_start3A_37] : memref<32x80x128xi32, #tpu.memory_space<hbm>> -> memref<1x40x128xi32, #tpu.memory_space<hbm>>
      %dma_start3A_39 = tpu.memref_squeeze %dma_start3A_38 : memref<1x40x128xi32, #tpu.memory_space<hbm>> -> memref<40x128xi32, #tpu.memory_space<hbm>>
      %dma_start3A_40 = arith.constant 40 : i32
      %dma_start3A_41 = arith.constant 0 : i32
      %dma_start3A_42 = tpu.memref_slice %arg3[%add3A, %dma_start3A_40, %dma_start3A_41] : memref<32x80x128xi32, #tpu.memory_space<hbm>> -> memref<1x40x128xi32, #tpu.memory_space<hbm>>
      %dma_start3A_43 = tpu.memref_squeeze %dma_start3A_42 : memref<1x40x128xi32, #tpu.memory_space<hbm>> -> memref<40x128xi32, #tpu.memory_space<hbm>>
      tpu.enqueue_dma source(%dma_start3A_43 : memref<40x128xi32, #tpu.memory_space<hbm>>) target(%arg7 : memref<40x128xi32, #tpu.memory_space<vmem>>) target_semaphore(%run_scoped3A : memref<!tpu.dma_semaphore, #tpu.memory_space<semaphore_mem>>)
      %dma_wait3A = arith.constant 40 : i32
      %dma_wait3A_44 = arith.constant 0 : i32
      %dma_wait3A_45 = tpu.memref_slice %arg3[%add3A, %dma_wait3A, %dma_wait3A_44] : memref<32x80x128xi32, #tpu.memory_space<hbm>> -> memref<1x40x128xi32, #tpu.memory_space<hbm>>
      %dma_wait3A_46 = tpu.memref_squeeze %dma_wait3A_45 : memref<1x40x128xi32, #tpu.memory_space<hbm>> -> memref<40x128xi32, #tpu.memory_space<hbm>>
      %dma_wait3A_47 = arith.constant 40 : i32
      %dma_wait3A_48 = arith.constant 0 : i32
      %dma_wait3A_49 = tpu.memref_slice %arg3[%add3A, %dma_wait3A_47, %dma_wait3A_48] : memref<32x80x128xi32, #tpu.memory_space<hbm>> -> memref<1x40x128xi32, #tpu.memory_space<hbm>>
      %dma_wait3A_50 = tpu.memref_squeeze %dma_wait3A_49 : memref<1x40x128xi32, #tpu.memory_space<hbm>> -> memref<40x128xi32, #tpu.memory_space<hbm>>
      tpu.wait_dma2 semaphore(%run_scoped3A : memref<!tpu.dma_semaphore, #tpu.memory_space<semaphore_mem>>) src(%dma_wait3A_50 : memref<40x128xi32, #tpu.memory_space<hbm>>) dst(%arg7 : memref<40x128xi32, #tpu.memory_space<vmem>>)
      tpu.yield
    }) : () -> ()
    "tpu.region"() ({
      %run_scoped3A = tpu.sem_alloc : memref<!tpu.dma_semaphore, #tpu.memory_space<semaphore_mem>>
      %dma_start3A_36 = arith.constant 40 : i32
      %dma_start3A_37 = arith.constant 0 : i32
      %dma_start3A_38 = tpu.memref_slice %arg4[%add3A, %dma_start3A_36, %dma_start3A_37] : memref<32x80x128xi32, #tpu.memory_space<hbm>> -> memref<1x40x128xi32, #tpu.memory_space<hbm>>
      %dma_start3A_39 = tpu.memref_squeeze %dma_start3A_38 : memref<1x40x128xi32, #tpu.memory_space<hbm>> -> memref<40x128xi32, #tpu.memory_space<hbm>>
      %dma_start3A_40 = arith.constant 40 : i32
      %dma_start3A_41 = arith.constant 0 : i32
      %dma_start3A_42 = tpu.memref_slice %arg4[%add3A, %dma_start3A_40, %dma_start3A_41] : memref<32x80x128xi32, #tpu.memory_space<hbm>> -> memref<1x40x128xi32, #tpu.memory_space<hbm>>
      %dma_start3A_43 = tpu.memref_squeeze %dma_start3A_42 : memref<1x40x128xi32, #tpu.memory_space<hbm>> -> memref<40x128xi32, #tpu.memory_space<hbm>>
      tpu.enqueue_dma source(%dma_start3A_43 : memref<40x128xi32, #tpu.memory_space<hbm>>) target(%arg8 : memref<40x128xi32, #tpu.memory_space<vmem>>) target_semaphore(%run_scoped3A : memref<!tpu.dma_semaphore, #tpu.memory_space<semaphore_mem>>)
      %dma_wait3A = arith.constant 40 : i32
      %dma_wait3A_44 = arith.constant 0 : i32
      %dma_wait3A_45 = tpu.memref_slice %arg4[%add3A, %dma_wait3A, %dma_wait3A_44] : memref<32x80x128xi32, #tpu.memory_space<hbm>> -> memref<1x40x128xi32, #tpu.memory_space<hbm>>
      %dma_wait3A_46 = tpu.memref_squeeze %dma_wait3A_45 : memref<1x40x128xi32, #tpu.memory_space<hbm>> -> memref<40x128xi32, #tpu.memory_space<hbm>>
      %dma_wait3A_47 = arith.constant 40 : i32
      %dma_wait3A_48 = arith.constant 0 : i32
      %dma_wait3A_49 = tpu.memref_slice %arg4[%add3A, %dma_wait3A_47, %dma_wait3A_48] : memref<32x80x128xi32, #tpu.memory_space<hbm>> -> memref<1x40x128xi32, #tpu.memory_space<hbm>>
      %dma_wait3A_50 = tpu.memref_squeeze %dma_wait3A_49 : memref<1x40x128xi32, #tpu.memory_space<hbm>> -> memref<40x128xi32, #tpu.memory_space<hbm>>
      tpu.wait_dma2 semaphore(%run_scoped3A : memref<!tpu.dma_semaphore, #tpu.memory_space<semaphore_mem>>) src(%dma_wait3A_50 : memref<40x128xi32, #tpu.memory_space<hbm>>) dst(%arg8 : memref<40x128xi32, #tpu.memory_space<vmem>>)
      tpu.yield
    }) : () -> ()
    %dma_start3A_18 = arith.constant 0 : i32
    %dma_start3A_19 = arith.constant 0 : i32
    %dma_start3A_20 = tpu.memref_slice %arg7[%dma_start3A_18, %dma_start3A_19] : memref<40x128xi32, #tpu.memory_space<vmem>> -> memref<1x128xi32, #tpu.memory_space<vmem>>
    %dma_start3A_21 = tpu.memref_squeeze %dma_start3A_20 : memref<1x128xi32, #tpu.memory_space<vmem>> -> memref<128xi32, #tpu.memory_space<vmem>>
    %dma_start3A_22 = arith.constant 0 : i32
    %dma_start3A_23 = arith.constant 0 : i32
    %dma_start3A_24 = tpu.memref_slice %arg2[%dma_start3A_22, %dma_start3A_23] : memref<10240x128xf32, #tpu.memory_space<hbm>> -> memref<10240x128xf32, #tpu.memory_space<hbm>>
    tpu.enqueue_indirect_dma source(%dma_start3A_24 : memref<10240x128xf32, #tpu.memory_space<hbm>>) target(%arg9 : memref<128x128xf32, #tpu.memory_space<vmem>>) offsets(%dma_start3A_21 : memref<128xi32, #tpu.memory_space<vmem>>) semaphore(%arg12 : memref<!tpu.dma_semaphore, #tpu.memory_space<semaphore_mem>>)
    %scan3A_25 = arith.constant 0 : i32
    %scan3A_26 = arith.constant 0 : i32
    %scan3A_27 = arith.constant 20 : i32
    %scan3A_28 = arith.addi %scan3A_26, %scan3A_27 : i32
    %scan3A_29 = arith.constant 1 : i32
    scf.for %scan3A_36 = %scan3A_26 to %scan3A_28 step %scan3A_29  : i32 {
      %mul3A_37 = arith.constant 2 : i32
      %mul3A_38 = arith.muli %mul3A_37, %scan3A_36 : i32
      %dma_wait3A = arith.constant 0 : i32
      %dma_wait3A_39 = tpu.memref_slice %arg7[%mul3A_38, %dma_wait3A] : memref<40x128xi32, #tpu.memory_space<vmem>> -> memref<1x128xi32, #tpu.memory_space<vmem>>
      %dma_wait3A_40 = tpu.memref_squeeze %dma_wait3A_39 : memref<1x128xi32, #tpu.memory_space<vmem>> -> memref<128xi32, #tpu.memory_space<vmem>>
      %dma_wait3A_41 = arith.constant 0 : i32
      %dma_wait3A_42 = arith.constant 0 : i32
      %dma_wait3A_43 = tpu.memref_slice %arg2[%dma_wait3A_41, %dma_wait3A_42] : memref<10240x128xf32, #tpu.memory_space<hbm>> -> memref<10240x128xf32, #tpu.memory_space<hbm>>
      tpu.wait_indirect_dma semaphore(%arg12 : memref<!tpu.dma_semaphore, #tpu.memory_space<semaphore_mem>>) src(%dma_wait3A_43 : memref<10240x128xf32, #tpu.memory_space<hbm>>) dst(%arg9 : memref<128x128xf32, #tpu.memory_space<vmem>>)
      %add3A_44 = arith.constant 1 : i32
      %add3A_45 = arith.addi %mul3A_38, %add3A_44 : i32
      %dma_start3A_46 = arith.constant 0 : i32
      %dma_start3A_47 = tpu.memref_slice %arg7[%add3A_45, %dma_start3A_46] : memref<40x128xi32, #tpu.memory_space<vmem>> -> memref<1x128xi32, #tpu.memory_space<vmem>>
      %dma_start3A_48 = tpu.memref_squeeze %dma_start3A_47 : memref<1x128xi32, #tpu.memory_space<vmem>> -> memref<128xi32, #tpu.memory_space<vmem>>
      %dma_start3A_49 = arith.constant 0 : i32
      %dma_start3A_50 = arith.constant 0 : i32
      %dma_start3A_51 = tpu.memref_slice %arg2[%dma_start3A_49, %dma_start3A_50] : memref<10240x128xf32, #tpu.memory_space<hbm>> -> memref<10240x128xf32, #tpu.memory_space<hbm>>
      tpu.enqueue_indirect_dma source(%dma_start3A_51 : memref<10240x128xf32, #tpu.memory_space<hbm>>) target(%arg10 : memref<128x128xf32, #tpu.memory_space<vmem>>) offsets(%dma_start3A_48 : memref<128xi32, #tpu.memory_space<vmem>>) semaphore(%arg13 : memref<!tpu.dma_semaphore, #tpu.memory_space<semaphore_mem>>)
      "tpu.region"() ({
        %run_scoped3A = tpu.sem_alloc : memref<!tpu.dma_semaphore, #tpu.memory_space<semaphore_mem>>
        %dma_start3A_66 = arith.constant 0 : i32
        %dma_start3A_67 = tpu.memref_slice %arg8[%mul3A_38, %dma_start3A_66] : memref<40x128xi32, #tpu.memory_space<vmem>> -> memref<1x128xi32, #tpu.memory_space<vmem>>
        %dma_start3A_68 = tpu.memref_squeeze %dma_start3A_67 : memref<1x128xi32, #tpu.memory_space<vmem>> -> memref<128xi32, #tpu.memory_space<vmem>>
        %dma_start3A_69 = arith.constant 0 : i32
        %dma_start3A_70 = arith.constant 0 : i32
        %dma_start3A_71 = tpu.memref_slice %arg11[%dma_start3A_69, %dma_start3A_70] : memref<10240x128xf32, #tpu.memory_space<vmem_shared>> -> memref<10240x128xf32, #tpu.memory_space<vmem_shared>>
        tpu.enqueue_indirect_dma source(%arg9 : memref<128x128xf32, #tpu.memory_space<vmem>>) target(%dma_start3A_71 : memref<10240x128xf32, #tpu.memory_space<vmem_shared>>) offsets(%dma_start3A_68 : memref<128xi32, #tpu.memory_space<vmem>>) semaphore(%run_scoped3A : memref<!tpu.dma_semaphore, #tpu.memory_space<semaphore_mem>>) {add = true}
        %dma_wait3A_72 = arith.constant 0 : i32
        %dma_wait3A_73 = tpu.memref_slice %arg8[%mul3A_38, %dma_wait3A_72] : memref<40x128xi32, #tpu.memory_space<vmem>> -> memref<1x128xi32, #tpu.memory_space<vmem>>
        %dma_wait3A_74 = tpu.memref_squeeze %dma_wait3A_73 : memref<1x128xi32, #tpu.memory_space<vmem>> -> memref<128xi32, #tpu.memory_space<vmem>>
        %dma_wait3A_75 = arith.constant 0 : i32
        %dma_wait3A_76 = arith.constant 0 : i32
        %dma_wait3A_77 = tpu.memref_slice %arg11[%dma_wait3A_75, %dma_wait3A_76] : memref<10240x128xf32, #tpu.memory_space<vmem_shared>> -> memref<10240x128xf32, #tpu.memory_space<vmem_shared>>
        tpu.wait_indirect_dma semaphore(%run_scoped3A : memref<!tpu.dma_semaphore, #tpu.memory_space<semaphore_mem>>) src(%arg9 : memref<128x128xf32, #tpu.memory_space<vmem>>) dst(%dma_wait3A_77 : memref<10240x128xf32, #tpu.memory_space<vmem_shared>>)
        tpu.yield
      }) : () -> ()
      %add3A_52 = arith.constant 1 : i32
      %add3A_53 = arith.addi %mul3A_38, %add3A_52 : i32
      %dma_wait3A_54 = arith.constant 0 : i32
      %dma_wait3A_55 = tpu.memref_slice %arg7[%add3A_53, %dma_wait3A_54] : memref<40x128xi32, #tpu.memory_space<vmem>> -> memref<1x128xi32, #tpu.memory_space<vmem>>
      %dma_wait3A_56 = tpu.memref_squeeze %dma_wait3A_55 : memref<1x128xi32, #tpu.memory_space<vmem>> -> memref<128xi32, #tpu.memory_space<vmem>>
      %dma_wait3A_57 = arith.constant 0 : i32
      %dma_wait3A_58 = arith.constant 0 : i32
      %dma_wait3A_59 = tpu.memref_slice %arg2[%dma_wait3A_57, %dma_wait3A_58] : memref<10240x128xf32, #tpu.memory_space<hbm>> -> memref<10240x128xf32, #tpu.memory_space<hbm>>
      tpu.wait_indirect_dma semaphore(%arg13 : memref<!tpu.dma_semaphore, #tpu.memory_space<semaphore_mem>>) src(%dma_wait3A_59 : memref<10240x128xf32, #tpu.memory_space<hbm>>) dst(%arg10 : memref<128x128xf32, #tpu.memory_space<vmem>>)
      %add3A_60 = arith.constant 1 : i32
      %add3A_61 = arith.addi %scan3A_36, %add3A_60 : i32
      %lt3A = arith.constant 20 : i32
      %lt3A_62 = arith.cmpi slt, %add3A_61, %lt3A : i32
      %convert_element_type3A = arith.extui %lt3A_62 : i1 to i32
      %cond3A = arith.constant 0 : i32
      %cond3A_63 = arith.cmpi ne, %convert_element_type3A, %cond3A : i32
      scf.if %cond3A_63 {
        %add3A_66 = arith.constant 2 : i32
        %add3A_67 = arith.addi %mul3A_38, %add3A_66 : i32
        %dma_start3A_68 = arith.constant 0 : i32
        %dma_start3A_69 = tpu.memref_slice %arg7[%add3A_67, %dma_start3A_68] : memref<40x128xi32, #tpu.memory_space<vmem>> -> memref<1x128xi32, #tpu.memory_space<vmem>>
        %dma_start3A_70 = tpu.memref_squeeze %dma_start3A_69 : memref<1x128xi32, #tpu.memory_space<vmem>> -> memref<128xi32, #tpu.memory_space<vmem>>
        %dma_start3A_71 = arith.constant 0 : i32
        %dma_start3A_72 = arith.constant 0 : i32
        %dma_start3A_73 = tpu.memref_slice %arg2[%dma_start3A_71, %dma_start3A_72] : memref<10240x128xf32, #tpu.memory_space<hbm>> -> memref<10240x128xf32, #tpu.memory_space<hbm>>
        tpu.enqueue_indirect_dma source(%dma_start3A_73 : memref<10240x128xf32, #tpu.memory_space<hbm>>) target(%arg9 : memref<128x128xf32, #tpu.memory_space<vmem>>) offsets(%dma_start3A_70 : memref<128xi32, #tpu.memory_space<vmem>>) semaphore(%arg12 : memref<!tpu.dma_semaphore, #tpu.memory_space<semaphore_mem>>)
      } else {
      }
      %add3A_64 = arith.constant 1 : i32
      %add3A_65 = arith.addi %mul3A_38, %add3A_64 : i32
      "tpu.region"() ({
        %run_scoped3A = tpu.sem_alloc : memref<!tpu.dma_semaphore, #tpu.memory_space<semaphore_mem>>
        %dma_start3A_66 = arith.constant 0 : i32
        %dma_start3A_67 = tpu.memref_slice %arg8[%add3A_65, %dma_start3A_66] : memref<40x128xi32, #tpu.memory_space<vmem>> -> memref<1x128xi32, #tpu.memory_space<vmem>>
        %dma_start3A_68 = tpu.memref_squeeze %dma_start3A_67 : memref<1x128xi32, #tpu.memory_space<vmem>> -> memref<128xi32, #tpu.memory_space<vmem>>
        %dma_start3A_69 = arith.constant 0 : i32
        %dma_start3A_70 = arith.constant 0 : i32
        %dma_start3A_71 = tpu.memref_slice %arg11[%dma_start3A_69, %dma_start3A_70] : memref<10240x128xf32, #tpu.memory_space<vmem_shared>> -> memref<10240x128xf32, #tpu.memory_space<vmem_shared>>
        tpu.enqueue_indirect_dma source(%arg10 : memref<128x128xf32, #tpu.memory_space<vmem>>) target(%dma_start3A_71 : memref<10240x128xf32, #tpu.memory_space<vmem_shared>>) offsets(%dma_start3A_68 : memref<128xi32, #tpu.memory_space<vmem>>) semaphore(%run_scoped3A : memref<!tpu.dma_semaphore, #tpu.memory_space<semaphore_mem>>) {add = true}
        %dma_wait3A_72 = arith.constant 0 : i32
        %dma_wait3A_73 = tpu.memref_slice %arg8[%add3A_65, %dma_wait3A_72] : memref<40x128xi32, #tpu.memory_space<vmem>> -> memref<1x128xi32, #tpu.memory_space<vmem>>
        %dma_wait3A_74 = tpu.memref_squeeze %dma_wait3A_73 : memref<1x128xi32, #tpu.memory_space<vmem>> -> memref<128xi32, #tpu.memory_space<vmem>>
        %dma_wait3A_75 = arith.constant 0 : i32
        %dma_wait3A_76 = arith.constant 0 : i32
        %dma_wait3A_77 = tpu.memref_slice %arg11[%dma_wait3A_75, %dma_wait3A_76] : memref<10240x128xf32, #tpu.memory_space<vmem_shared>> -> memref<10240x128xf32, #tpu.memory_space<vmem_shared>>
        tpu.wait_indirect_dma semaphore(%run_scoped3A : memref<!tpu.dma_semaphore, #tpu.memory_space<semaphore_mem>>) src(%arg10 : memref<128x128xf32, #tpu.memory_space<vmem>>) dst(%dma_wait3A_77 : memref<10240x128xf32, #tpu.memory_space<vmem_shared>>)
        tpu.yield
      }) : () -> ()
    }
    %scan3A_30 = arith.constant 20 : i32
    %barrier3A_31 = arith.constant 0 : index
    tpu.barrier barrier_id(%barrier3A_31)
    %mul3A_32 = arith.constant 640 : i32
    %mul3A_33 = arith.muli %arg1, %mul3A_32 : i32
    %mul3A_34 = arith.constant 640 : i32
    %mul3A_35 = arith.muli %arg1, %mul3A_34 : i32
    "tpu.region"() ({
      %run_scoped3A = tpu.sem_alloc : memref<!tpu.dma_semaphore, #tpu.memory_space<semaphore_mem>>
      %dma_start3A_36 = arith.constant 0 : i32
      %dma_start3A_37 = tpu.memref_slice %arg6[%arg0, %mul3A_35, %dma_start3A_36] : memref<2x10240x128xf32, #tpu.memory_space<hbm>> -> memref<1x640x128xf32, #tpu.memory_space<hbm>>
      %dma_start3A_38 = tpu.memref_squeeze %dma_start3A_37 : memref<1x640x128xf32, #tpu.memory_space<hbm>> -> memref<640x128xf32, #tpu.memory_space<hbm>>
      %dma_start3A_39 = arith.constant 0 : i32
      %dma_start3A_40 = tpu.memref_slice %arg11[%mul3A_33, %dma_start3A_39] : memref<10240x128xf32, #tpu.memory_space<vmem_shared>> -> memref<640x128xf32, #tpu.memory_space<vmem_shared>>
      tpu.enqueue_dma source(%dma_start3A_40 : memref<640x128xf32, #tpu.memory_space<vmem_shared>>) target(%dma_start3A_38 : memref<640x128xf32, #tpu.memory_space<hbm>>) target_semaphore(%run_scoped3A : memref<!tpu.dma_semaphore, #tpu.memory_space<semaphore_mem>>)
      %dma_wait3A = arith.constant 0 : i32
      %dma_wait3A_41 = tpu.memref_slice %arg6[%arg0, %mul3A_35, %dma_wait3A] : memref<2x10240x128xf32, #tpu.memory_space<hbm>> -> memref<1x640x128xf32, #tpu.memory_space<hbm>>
      %dma_wait3A_42 = tpu.memref_squeeze %dma_wait3A_41 : memref<1x640x128xf32, #tpu.memory_space<hbm>> -> memref<640x128xf32, #tpu.memory_space<hbm>>
      %dma_wait3A_43 = arith.constant 0 : i32
      %dma_wait3A_44 = tpu.memref_slice %arg11[%mul3A_33, %dma_wait3A_43] : memref<10240x128xf32, #tpu.memory_space<vmem_shared>> -> memref<640x128xf32, #tpu.memory_space<vmem_shared>>
      tpu.wait_dma2 semaphore(%run_scoped3A : memref<!tpu.dma_semaphore, #tpu.memory_space<semaphore_mem>>) src(%dma_wait3A_44 : memref<640x128xf32, #tpu.memory_space<vmem_shared>>) dst(%dma_wait3A_42 : memref<640x128xf32, #tpu.memory_space<hbm>>)
      tpu.yield
    }) : () -> ()
    return
  }
}

module attributes {stable_mosaic.version = 14 : i64} {
  func.func @_mmu_body(%arg0: i32, %arg1: memref<512x128xf32, #tpu.memory_space<vmem>>, %arg2: memref<128x128xf32, #tpu.memory_space<vmem>>, %arg3: memref<512x128xf32, #tpu.memory_space<vmem>>) attributes {dimension_semantics = [#tpu.dimension_semantics<arbitrary>], iteration_bounds = array<i64: 20>, scalar_prefetch = 0 : i64, scratch_operands = 0 : i64, tpu.core_type = #tpu.core_type<tc>, window_params = [{transform_indices = @transform_0, window_bounds = array<i64: 512, 128>}, {pipeline_mode = #tpu.pipeline_mode<synchronous>, transform_indices = @transform_1, window_bounds = array<i64: 128, 128>}, {transform_indices = @transform_2, window_bounds = array<i64: 512, 128>}]} {
    %get3A = arith.constant 0 : index
    %get3A_0 = arith.constant 0 : index
    %get3A_1 = vector.load %arg1[%get3A, %get3A_0] : memref<512x128xf32, #tpu.memory_space<vmem>>, vector<512x128xf32>
    %get3A_2 = arith.constant 0 : index
    %get3A_3 = arith.constant 0 : index
    %get3A_4 = vector.load %arg2[%get3A_2, %get3A_3] : memref<128x128xf32, #tpu.memory_space<vmem>>, vector<128x128xf32>
    %dot_general3A = arith.constant dense<0.000000e+00> : vector<512x128xf32>
    %dot_general3A_5 = tpu.matmul %get3A_1, %get3A_4, %dot_general3A {dimension_numbers = #tpu.dot_dimension_numbers<[1], [0], [0], [1], [0, 0, 1, 1], [], []>, transpose_lhs_hint = false} : vector<512x128xf32>, vector<128x128xf32>, vector<512x128xf32> -> vector<512x128xf32>
    %swap3A = arith.constant 0 : index
    %swap3A_6 = arith.constant 0 : index
    %swap3A_7 = vector.load %arg3[%swap3A, %swap3A_6] : memref<512x128xf32, #tpu.memory_space<vmem>>, vector<512x128xf32>
    tpu.vector_store %arg3[%swap3A, %swap3A_6], %dot_general3A_5 {strides = array<i32>} : memref<512x128xf32, #tpu.memory_space<vmem>>, vector<512x128xf32>,
    return
  }
  func.func @transform_0(%arg0: i32) -> (i32, i32) {
    %c0_i32 = arith.constant 0 : i32
    %c0_i32_0 = arith.constant 0 : i32
    return %arg0, %c0_i32 : i32, i32
  }
  func.func @transform_1(%arg0: i32) -> (i32, i32) {
    %c0_i32 = arith.constant 0 : i32
    %c0_i32_0 = arith.constant 0 : i32
    %c0_i32_1 = arith.constant 0 : i32
    return %c0_i32, %c0_i32_0 : i32, i32
  }
  func.func @transform_2(%arg0: i32) -> (i32, i32) {
    %c0_i32 = arith.constant 0 : i32
    %c0_i32_0 = arith.constant 0 : i32
    return %arg0, %c0_i32 : i32, i32
  }
}

module attributes {stable_mosaic.version = 14 : i64} {
  func.func @_scale_body(%arg0: i32, %arg1: memref<512x128xf32, #tpu.memory_space<vmem>>, %arg2: memref<512x128xf32, #tpu.memory_space<vmem>>, %arg3: memref<512x128xf32, #tpu.memory_space<vmem>>, %arg4: memref<512x128xf32, #tpu.memory_space<vmem>>) attributes {dimension_semantics = [#tpu.dimension_semantics<arbitrary>], iteration_bounds = array<i64: 20>, scalar_prefetch = 0 : i64, scratch_operands = 0 : i64, tpu.core_type = #tpu.core_type<tc>, window_params = [{transform_indices = @transform_0, window_bounds = array<i64: 512, 128>}, {transform_indices = @transform_1, window_bounds = array<i64: 512, 128>}, {transform_indices = @transform_2, window_bounds = array<i64: 512, 128>}, {transform_indices = @transform_3, window_bounds = array<i64: 512, 128>}]} {
    %get3A = arith.constant 0 : index
    %get3A_0 = arith.constant 0 : index
    %get3A_1 = vector.load %arg1[%get3A, %get3A_0] : memref<512x128xf32, #tpu.memory_space<vmem>>, vector<512x128xf32>
    %get3A_2 = arith.constant 0 : index
    %get3A_3 = arith.constant 0 : index
    %get3A_4 = vector.load %arg2[%get3A_2, %get3A_3] : memref<512x128xf32, #tpu.memory_space<vmem>>, vector<512x1xf32>
    %get3A_5 = arith.constant 0 : index
    %get3A_6 = arith.constant 0 : index
    %get3A_7 = vector.load %arg3[%get3A_5, %get3A_6] : memref<512x128xf32, #tpu.memory_space<vmem>>, vector<512x1xf32>
    %add3A = arith.addf %get3A_4, %get3A_7 : vector<512x1xf32>
    %add3A_8 = arith.constant 1.000000e+00 : f32
    %add3A_9 = vector.broadcast %add3A_8 : f32 to vector<512x1xf32>
    %add3A_10 = arith.addf %add3A, %add3A_9 : vector<512x1xf32>
    %rsqrt3A = math.rsqrt %add3A_10 : vector<512x1xf32>
    %mul3A = vector.broadcast %rsqrt3A : vector<512x1xf32> to vector<512x128xf32>
    %mul3A_11 = arith.mulf %get3A_1, %mul3A : vector<512x128xf32>
    %swap3A = arith.constant 0 : index
    %swap3A_12 = arith.constant 0 : index
    %swap3A_13 = vector.load %arg4[%swap3A, %swap3A_12] : memref<512x128xf32, #tpu.memory_space<vmem>>, vector<512x128xf32>
    tpu.vector_store %arg4[%swap3A, %swap3A_12], %mul3A_11 {strides = array<i32>} : memref<512x128xf32, #tpu.memory_space<vmem>>, vector<512x128xf32>,
    return
  }
  func.func @transform_0(%arg0: i32) -> (i32, i32) {
    %c0_i32 = arith.constant 0 : i32
    %c0_i32_0 = arith.constant 0 : i32
    return %arg0, %c0_i32 : i32, i32
  }
  func.func @transform_1(%arg0: i32) -> (i32, i32) {
    %c0_i32 = arith.constant 0 : i32
    %c0_i32_0 = arith.constant 0 : i32
    return %arg0, %c0_i32 : i32, i32
  }
  func.func @transform_2(%arg0: i32) -> (i32, i32) {
    %c0_i32 = arith.constant 0 : i32
    %c0_i32_0 = arith.constant 0 : i32
    return %arg0, %c0_i32 : i32, i32
  }
  func.func @transform_3(%arg0: i32) -> (i32, i32) {
    %c0_i32 = arith.constant 0 : i32
    %c0_i32_0 = arith.constant 0 : i32
    return %arg0, %c0_i32 : i32, i32
  }
}

module attributes {stable_mosaic.version = 14 : i64} {
  func.func @_mid1_body(%arg0: i32, %arg1: memref<512x128xf32, #tpu.memory_space<vmem>>, %arg2: memref<512x128xf32, #tpu.memory_space<vmem>>, %arg3: memref<512x128xf32, #tpu.memory_space<vmem>>, %arg4: memref<512x128xf32, #tpu.memory_space<vmem>>, %arg5: memref<512x128xf32, #tpu.memory_space<vmem>>, %arg6: memref<1x128xf32, #tpu.memory_space<vmem>>, %arg7: memref<128x128xf32, #tpu.memory_space<vmem>>, %arg8: memref<512x128xf32, #tpu.memory_space<vmem>>, %arg9: memref<512x128xf32, #tpu.memory_space<vmem>>) attributes {dimension_semantics = [#tpu.dimension_semantics<arbitrary>], iteration_bounds = array<i64: 20>, scalar_prefetch = 0 : i64, scratch_operands = 0 : i64, tpu.core_type = #tpu.core_type<tc>, window_params = [{transform_indices = @transform_0, window_bounds = array<i64: 512, 128>}, {transform_indices = @transform_1, window_bounds = array<i64: 512, 128>}, {transform_indices = @transform_2, window_bounds = array<i64: 512, 128>}, {transform_indices = @transform_3, window_bounds = array<i64: 512, 128>}, {transform_indices = @transform_4, window_bounds = array<i64: 512, 128>}, {pipeline_mode = #tpu.pipeline_mode<synchronous>, transform_indices = @transform_5, window_bounds = array<i64: 1, 128>}, {pipeline_mode = #tpu.pipeline_mode<synchronous>, transform_indices = @transform_6, window_bounds = array<i64: 128, 128>}, {transform_indices = @transform_7, window_bounds = array<i64: 512, 128>}, {transform_indices = @transform_8, window_bounds = array<i64: 512, 128>}]} {
    %get3A = arith.constant 0 : index
    %get3A_0 = arith.constant 0 : index
    %get3A_1 = vector.load %arg4[%get3A, %get3A_0] : memref<512x128xf32, #tpu.memory_space<vmem>>, vector<512x1xf32>
    %get3A_2 = arith.constant 0 : index
    %get3A_3 = arith.constant 0 : index
    %get3A_4 = vector.load %arg5[%get3A_2, %get3A_3] : memref<512x128xf32, #tpu.memory_space<vmem>>, vector<512x1xf32>
    %add3A = arith.addf %get3A_1, %get3A_4 : vector<512x1xf32>
    %add3A_5 = arith.constant 1.000000e+00 : f32
    %add3A_6 = vector.broadcast %add3A_5 : f32 to vector<512x1xf32>
    %add3A_7 = arith.addf %add3A, %add3A_6 : vector<512x1xf32>
    %rsqrt3A = math.rsqrt %add3A_7 : vector<512x1xf32>
    %get3A_8 = arith.constant 0 : index
    %get3A_9 = arith.constant 0 : index
    %get3A_10 = vector.load %arg1[%get3A_8, %get3A_9] : memref<512x128xf32, #tpu.memory_space<vmem>>, vector<512x128xf32>
    %get3A_11 = arith.constant 0 : index
    %get3A_12 = arith.constant 0 : index
    %get3A_13 = vector.load %arg2[%get3A_11, %get3A_12] : memref<512x128xf32, #tpu.memory_space<vmem>>, vector<512x128xf32>
    %add3A_14 = arith.addf %get3A_10, %get3A_13 : vector<512x128xf32>
    %get3A_15 = arith.constant 0 : index
    %get3A_16 = arith.constant 0 : index
    %get3A_17 = vector.load %arg3[%get3A_15, %get3A_16] : memref<512x128xf32, #tpu.memory_space<vmem>>, vector<512x128xf32>
    %add3A_18 = arith.addf %add3A_14, %get3A_17 : vector<512x128xf32>
    %mul3A = vector.broadcast %rsqrt3A : vector<512x1xf32> to vector<512x128xf32>
    %mul3A_19 = arith.mulf %add3A_18, %mul3A : vector<512x128xf32>
    %get3A_20 = arith.constant 0 : index
    %get3A_21 = arith.constant 0 : index
    %get3A_22 = vector.load %arg6[%get3A_20, %get3A_21] : memref<1x128xf32, #tpu.memory_space<vmem>>, vector<1x128xf32>
    %add3A_23 = vector.broadcast %get3A_22 : vector<1x128xf32> to vector<512x128xf32>
    %add3A_24 = arith.addf %mul3A_19, %add3A_23 : vector<512x128xf32>
    %max3A = arith.constant 0.000000e+00 : f32
    %max3A_25 = vector.broadcast %max3A : f32 to vector<512x128xf32>
    %max3A_26 = arith.maximumf %add3A_24, %max3A_25 : vector<512x128xf32>
    %swap3A = arith.constant 0 : index
    %swap3A_27 = arith.constant 0 : index
    %swap3A_28 = vector.load %arg9[%swap3A, %swap3A_27] : memref<512x128xf32, #tpu.memory_space<vmem>>, vector<512x128xf32>
    tpu.vector_store %arg9[%swap3A, %swap3A_27], %max3A_26 {strides = array<i32>} : memref<512x128xf32, #tpu.memory_space<vmem>>, vector<512x128xf32>,
    %get3A_29 = arith.constant 0 : index
    %get3A_30 = arith.constant 0 : index
    %get3A_31 = vector.load %arg7[%get3A_29, %get3A_30] : memref<128x128xf32, #tpu.memory_space<vmem>>, vector<128x128xf32>
    %dot_general3A = arith.constant dense<0.000000e+00> : vector<512x128xf32>
    %dot_general3A_32 = tpu.matmul %max3A_26, %get3A_31, %dot_general3A {dimension_numbers = #tpu.dot_dimension_numbers<[1], [0], [0], [1], [0, 0, 1, 1], [], []>, transpose_lhs_hint = false} : vector<512x128xf32>, vector<128x128xf32>, vector<512x128xf32> -> vector<512x128xf32>
    %mul3A_33 = vector.broadcast %rsqrt3A : vector<512x1xf32> to vector<512x128xf32>
    %mul3A_34 = arith.mulf %dot_general3A_32, %mul3A_33 : vector<512x128xf32>
    %swap3A_35 = arith.constant 0 : index
    %swap3A_36 = arith.constant 0 : index
    %swap3A_37 = vector.load %arg8[%swap3A_35, %swap3A_36] : memref<512x128xf32, #tpu.memory_space<vmem>>, vector<512x128xf32>
    tpu.vector_store %arg8[%swap3A_35, %swap3A_36], %mul3A_34 {strides = array<i32>} : memref<512x128xf32, #tpu.memory_space<vmem>>, vector<512x128xf32>,
    return
  }
  func.func @transform_0(%arg0: i32) -> (i32, i32) {
    %c0_i32 = arith.constant 0 : i32
    %c0_i32_0 = arith.constant 0 : i32
    return %arg0, %c0_i32 : i32, i32
  }
  func.func @transform_1(%arg0: i32) -> (i32, i32) {
    %c0_i32 = arith.constant 0 : i32
    %c0_i32_0 = arith.constant 0 : i32
    return %arg0, %c0_i32 : i32, i32
  }
  func.func @transform_2(%arg0: i32) -> (i32, i32) {
    %c0_i32 = arith.constant 0 : i32
    %c0_i32_0 = arith.constant 0 : i32
    return %arg0, %c0_i32 : i32, i32
  }
  func.func @transform_3(%arg0: i32) -> (i32, i32) {
    %c0_i32 = arith.constant 0 : i32
    %c0_i32_0 = arith.constant 0 : i32
    return %arg0, %c0_i32 : i32, i32
  }
  func.func @transform_4(%arg0: i32) -> (i32, i32) {
    %c0_i32 = arith.constant 0 : i32
    %c0_i32_0 = arith.constant 0 : i32
    return %arg0, %c0_i32 : i32, i32
  }
  func.func @transform_5(%arg0: i32) -> (i32, i32) {
    %c0_i32 = arith.constant 0 : i32
    %c0_i32_0 = arith.constant 0 : i32
    %c0_i32_1 = arith.constant 0 : i32
    return %c0_i32, %c0_i32_0 : i32, i32
  }
  func.func @transform_6(%arg0: i32) -> (i32, i32) {
    %c0_i32 = arith.constant 0 : i32
    %c0_i32_0 = arith.constant 0 : i32
    %c0_i32_1 = arith.constant 0 : i32
    return %c0_i32, %c0_i32_0 : i32, i32
  }
  func.func @transform_7(%arg0: i32) -> (i32, i32) {
    %c0_i32 = arith.constant 0 : i32
    %c0_i32_0 = arith.constant 0 : i32
    return %arg0, %c0_i32 : i32, i32
  }
  func.func @transform_8(%arg0: i32) -> (i32, i32) {
    %c0_i32 = arith.constant 0 : i32
    %c0_i32_0 = arith.constant 0 : i32
    return %arg0, %c0_i32 : i32, i32
  }
}

module attributes {stable_mosaic.version = 14 : i64} {
  func.func @_mid2_body(%arg0: i32, %arg1: memref<512x128xf32, #tpu.memory_space<vmem>>, %arg2: memref<512x128xf32, #tpu.memory_space<vmem>>, %arg3: memref<512x128xf32, #tpu.memory_space<vmem>>, %arg4: memref<512x128xf32, #tpu.memory_space<vmem>>, %arg5: memref<512x128xf32, #tpu.memory_space<vmem>>, %arg6: memref<1x128xf32, #tpu.memory_space<vmem>>, %arg7: memref<512x128xf32, #tpu.memory_space<vmem>>, %arg8: memref<128x128xf32, #tpu.memory_space<vmem>>, %arg9: memref<512x128xf32, #tpu.memory_space<vmem>>) attributes {dimension_semantics = [#tpu.dimension_semantics<arbitrary>], iteration_bounds = array<i64: 20>, scalar_prefetch = 0 : i64, scratch_operands = 0 : i64, tpu.core_type = #tpu.core_type<tc>, window_params = [{transform_indices = @transform_0, window_bounds = array<i64: 512, 128>}, {transform_indices = @transform_1, window_bounds = array<i64: 512, 128>}, {transform_indices = @transform_2, window_bounds = array<i64: 512, 128>}, {transform_indices = @transform_3, window_bounds = array<i64: 512, 128>}, {transform_indices = @transform_4, window_bounds = array<i64: 512, 128>}, {pipeline_mode = #tpu.pipeline_mode<synchronous>, transform_indices = @transform_5, window_bounds = array<i64: 1, 128>}, {transform_indices = @transform_6, window_bounds = array<i64: 512, 128>}, {pipeline_mode = #tpu.pipeline_mode<synchronous>, transform_indices = @transform_7, window_bounds = array<i64: 128, 128>}, {transform_indices = @transform_8, window_bounds = array<i64: 512, 128>}]} {
    %get3A = arith.constant 0 : index
    %get3A_0 = arith.constant 0 : index
    %get3A_1 = vector.load %arg4[%get3A, %get3A_0] : memref<512x128xf32, #tpu.memory_space<vmem>>, vector<512x1xf32>
    %get3A_2 = arith.constant 0 : index
    %get3A_3 = arith.constant 0 : index
    %get3A_4 = vector.load %arg5[%get3A_2, %get3A_3] : memref<512x128xf32, #tpu.memory_space<vmem>>, vector<512x1xf32>
    %add3A = arith.addf %get3A_1, %get3A_4 : vector<512x1xf32>
    %add3A_5 = arith.constant 1.000000e+00 : f32
    %add3A_6 = vector.broadcast %add3A_5 : f32 to vector<512x1xf32>
    %add3A_7 = arith.addf %add3A, %add3A_6 : vector<512x1xf32>
    %rsqrt3A = math.rsqrt %add3A_7 : vector<512x1xf32>
    %get3A_8 = arith.constant 0 : index
    %get3A_9 = arith.constant 0 : index
    %get3A_10 = vector.load %arg1[%get3A_8, %get3A_9] : memref<512x128xf32, #tpu.memory_space<vmem>>, vector<512x128xf32>
    %get3A_11 = arith.constant 0 : index
    %get3A_12 = arith.constant 0 : index
    %get3A_13 = vector.load %arg2[%get3A_11, %get3A_12] : memref<512x128xf32, #tpu.memory_space<vmem>>, vector<512x128xf32>
    %add3A_14 = arith.addf %get3A_10, %get3A_13 : vector<512x128xf32>
    %get3A_15 = arith.constant 0 : index
    %get3A_16 = arith.constant 0 : index
    %get3A_17 = vector.load %arg3[%get3A_15, %get3A_16] : memref<512x128xf32, #tpu.memory_space<vmem>>, vector<512x128xf32>
    %add3A_18 = arith.addf %add3A_14, %get3A_17 : vector<512x128xf32>
    %mul3A = vector.broadcast %rsqrt3A : vector<512x1xf32> to vector<512x128xf32>
    %mul3A_19 = arith.mulf %add3A_18, %mul3A : vector<512x128xf32>
    %get3A_20 = arith.constant 0 : index
    %get3A_21 = arith.constant 0 : index
    %get3A_22 = vector.load %arg6[%get3A_20, %get3A_21] : memref<1x128xf32, #tpu.memory_space<vmem>>, vector<1x128xf32>
    %add3A_23 = vector.broadcast %get3A_22 : vector<1x128xf32> to vector<512x128xf32>
    %add3A_24 = arith.addf %mul3A_19, %add3A_23 : vector<512x128xf32>
    %max3A = arith.constant 0.000000e+00 : f32
    %max3A_25 = vector.broadcast %max3A : f32 to vector<512x128xf32>
    %max3A_26 = arith.maximumf %add3A_24, %max3A_25 : vector<512x128xf32>
    %get3A_27 = arith.constant 0 : index
    %get3A_28 = arith.constant 0 : index
    %get3A_29 = vector.load %arg7[%get3A_27, %get3A_28] : memref<512x128xf32, #tpu.memory_space<vmem>>, vector<512x128xf32>
    %add3A_30 = arith.addf %max3A_26, %get3A_29 : vector<512x128xf32>
    %get3A_31 = arith.constant 0 : index
    %get3A_32 = arith.constant 0 : index
    %get3A_33 = vector.load %arg8[%get3A_31, %get3A_32] : memref<128x128xf32, #tpu.memory_space<vmem>>, vector<128x128xf32>
    %dot_general3A = arith.constant dense<0.000000e+00> : vector<512x128xf32>
    %dot_general3A_34 = tpu.matmul %add3A_30, %get3A_33, %dot_general3A {dimension_numbers = #tpu.dot_dimension_numbers<[1], [0], [0], [1], [0, 0, 1, 1], [], []>, transpose_lhs_hint = false} : vector<512x128xf32>, vector<128x128xf32>, vector<512x128xf32> -> vector<512x128xf32>
    %mul3A_35 = vector.broadcast %rsqrt3A : vector<512x1xf32> to vector<512x128xf32>
    %mul3A_36 = arith.mulf %dot_general3A_34, %mul3A_35 : vector<512x128xf32>
    %swap3A = arith.constant 0 : index
    %swap3A_37 = arith.constant 0 : index
    %swap3A_38 = vector.load %arg9[%swap3A, %swap3A_37] : memref<512x128xf32, #tpu.memory_space<vmem>>, vector<512x128xf32>
    tpu.vector_store %arg9[%swap3A, %swap3A_37], %mul3A_36 {strides = array<i32>} : memref<512x128xf32, #tpu.memory_space<vmem>>, vector<512x128xf32>,
    return
  }
  func.func @transform_0(%arg0: i32) -> (i32, i32) {
    %c0_i32 = arith.constant 0 : i32
    %c0_i32_0 = arith.constant 0 : i32
    return %arg0, %c0_i32 : i32, i32
  }
  func.func @transform_1(%arg0: i32) -> (i32, i32) {
    %c0_i32 = arith.constant 0 : i32
    %c0_i32_0 = arith.constant 0 : i32
    return %arg0, %c0_i32 : i32, i32
  }
  func.func @transform_2(%arg0: i32) -> (i32, i32) {
    %c0_i32 = arith.constant 0 : i32
    %c0_i32_0 = arith.constant 0 : i32
    return %arg0, %c0_i32 : i32, i32
  }
  func.func @transform_3(%arg0: i32) -> (i32, i32) {
    %c0_i32 = arith.constant 0 : i32
    %c0_i32_0 = arith.constant 0 : i32
    return %arg0, %c0_i32 : i32, i32
  }
  func.func @transform_4(%arg0: i32) -> (i32, i32) {
    %c0_i32 = arith.constant 0 : i32
    %c0_i32_0 = arith.constant 0 : i32
    return %arg0, %c0_i32 : i32, i32
  }
  func.func @transform_5(%arg0: i32) -> (i32, i32) {
    %c0_i32 = arith.constant 0 : i32
    %c0_i32_0 = arith.constant 0 : i32
    %c0_i32_1 = arith.constant 0 : i32
    return %c0_i32, %c0_i32_0 : i32, i32
  }
  func.func @transform_6(%arg0: i32) -> (i32, i32) {
    %c0_i32 = arith.constant 0 : i32
    %c0_i32_0 = arith.constant 0 : i32
    return %arg0, %c0_i32 : i32, i32
  }
  func.func @transform_7(%arg0: i32) -> (i32, i32) {
    %c0_i32 = arith.constant 0 : i32
    %c0_i32_0 = arith.constant 0 : i32
    %c0_i32_1 = arith.constant 0 : i32
    return %c0_i32, %c0_i32_0 : i32, i32
  }
  func.func @transform_8(%arg0: i32) -> (i32, i32) {
    %c0_i32 = arith.constant 0 : i32
    %c0_i32_0 = arith.constant 0 : i32
    return %arg0, %c0_i32 : i32, i32
  }
}

module attributes {stable_mosaic.version = 14 : i64} {
  func.func @_fin_body(%arg0: i32, %arg1: memref<512x128xf32, #tpu.memory_space<vmem>>, %arg2: memref<512x128xf32, #tpu.memory_space<vmem>>, %arg3: memref<512x128xf32, #tpu.memory_space<vmem>>, %arg4: memref<512x128xf32, #tpu.memory_space<vmem>>, %arg5: memref<512x128xf32, #tpu.memory_space<vmem>>, %arg6: memref<1x128xf32, #tpu.memory_space<vmem>>, %arg7: memref<1x1x512xi32, #tpu.memory_space<vmem>>, %arg8: memref<128x16xf32, #tpu.memory_space<vmem>>, %arg9: memref<1x16xf32, #tpu.memory_space<vmem>>, %arg10: memref<64x16xf32, #tpu.memory_space<vmem>>, %arg11: memref<64x128xf32, #tpu.memory_space<vmem>>, %arg12: memref<64x128xf32, #tpu.memory_space<vmem>>) attributes {dimension_semantics = [#tpu.dimension_semantics<arbitrary>], iteration_bounds = array<i64: 20>, scalar_prefetch = 0 : i64, scratch_operands = 2 : i64, tpu.core_type = #tpu.core_type<tc>, window_params = [{transform_indices = @transform_0, window_bounds = array<i64: 512, 128>}, {transform_indices = @transform_1, window_bounds = array<i64: 512, 128>}, {transform_indices = @transform_2, window_bounds = array<i64: 512, 128>}, {transform_indices = @transform_3, window_bounds = array<i64: 512, 128>}, {transform_indices = @transform_4, window_bounds = array<i64: 512, 128>}, {pipeline_mode = #tpu.pipeline_mode<synchronous>, transform_indices = @transform_5, window_bounds = array<i64: 1, 128>}, {transform_indices = @transform_6, window_bounds = array<i64: 1, 1, 512>}, {pipeline_mode = #tpu.pipeline_mode<synchronous>, transform_indices = @transform_7, window_bounds = array<i64: 128, 16>}, {pipeline_mode = #tpu.pipeline_mode<synchronous>, transform_indices = @transform_8, window_bounds = array<i64: 1, 16>}, {pipeline_mode = #tpu.pipeline_mode<synchronous>, transform_indices = @transform_9, window_bounds = array<i64: 64, 16>}]} {
    %eq3A = arith.constant 0 : i32
    %eq3A_0 = arith.cmpi eq, %arg0, %eq3A : i32
    %convert_element_type3A = arith.extui %eq3A_0 : i1 to i32
    %cond3A = arith.constant 0 : i32
    %cond3A_1 = arith.cmpi ne, %convert_element_type3A, %cond3A : i32
    scf.if %cond3A_1 {
      %broadcast_in_dim3A_61 = arith.constant 0.000000e+00 : f32
      %broadcast_in_dim3A_62 = vector.broadcast %broadcast_in_dim3A_61 : f32 to vector<64x128xf32>
      %swap3A_63 = arith.constant 0 : index
      %swap3A_64 = arith.constant 0 : index
      %swap3A_65 = vector.load %arg11[%swap3A_63, %swap3A_64] : memref<64x128xf32, #tpu.memory_space<vmem>>, vector<64x128xf32>
      tpu.vector_store %arg11[%swap3A_63, %swap3A_64], %broadcast_in_dim3A_62 {strides = array<i32>} : memref<64x128xf32, #tpu.memory_space<vmem>>, vector<64x128xf32>,
      %broadcast_in_dim3A_66 = arith.constant 0.000000e+00 : f32
      %broadcast_in_dim3A_67 = vector.broadcast %broadcast_in_dim3A_66 : f32 to vector<64x128xf32>
      %swap3A_68 = arith.constant 0 : index
      %swap3A_69 = arith.constant 0 : index
      %swap3A_70 = vector.load %arg12[%swap3A_68, %swap3A_69] : memref<64x128xf32, #tpu.memory_space<vmem>>, vector<64x128xf32>
      tpu.vector_store %arg12[%swap3A_68, %swap3A_69], %broadcast_in_dim3A_67 {strides = array<i32>} : memref<64x128xf32, #tpu.memory_space<vmem>>, vector<64x128xf32>,
    } else {
    }
    %get3A = arith.constant 0 : index
    %get3A_2 = arith.constant 0 : index
    %get3A_3 = vector.load %arg4[%get3A, %get3A_2] : memref<512x128xf32, #tpu.memory_space<vmem>>, vector<512x1xf32>
    %get3A_4 = arith.constant 0 : index
    %get3A_5 = arith.constant 0 : index
    %get3A_6 = vector.load %arg5[%get3A_4, %get3A_5] : memref<512x128xf32, #tpu.memory_space<vmem>>, vector<512x1xf32>
    %add3A = arith.addf %get3A_3, %get3A_6 : vector<512x1xf32>
    %add3A_7 = arith.constant 1.000000e+00 : f32
    %add3A_8 = vector.broadcast %add3A_7 : f32 to vector<512x1xf32>
    %add3A_9 = arith.addf %add3A, %add3A_8 : vector<512x1xf32>
    %rsqrt3A = math.rsqrt %add3A_9 : vector<512x1xf32>
    %get3A_10 = arith.constant 0 : index
    %get3A_11 = arith.constant 0 : index
    %get3A_12 = vector.load %arg1[%get3A_10, %get3A_11] : memref<512x128xf32, #tpu.memory_space<vmem>>, vector<512x128xf32>
    %get3A_13 = arith.constant 0 : index
    %get3A_14 = arith.constant 0 : index
    %get3A_15 = vector.load %arg2[%get3A_13, %get3A_14] : memref<512x128xf32, #tpu.memory_space<vmem>>, vector<512x128xf32>
    %add3A_16 = arith.addf %get3A_12, %get3A_15 : vector<512x128xf32>
    %get3A_17 = arith.constant 0 : index
    %get3A_18 = arith.constant 0 : index
    %get3A_19 = vector.load %arg3[%get3A_17, %get3A_18] : memref<512x128xf32, #tpu.memory_space<vmem>>, vector<512x128xf32>
    %add3A_20 = arith.addf %add3A_16, %get3A_19 : vector<512x128xf32>
    %mul3A = vector.broadcast %rsqrt3A : vector<512x1xf32> to vector<512x128xf32>
    %mul3A_21 = arith.mulf %add3A_20, %mul3A : vector<512x128xf32>
    %get3A_22 = arith.constant 0 : index
    %get3A_23 = arith.constant 0 : index
    %get3A_24 = vector.load %arg6[%get3A_22, %get3A_23] : memref<1x128xf32, #tpu.memory_space<vmem>>, vector<1x128xf32>
    %add3A_25 = vector.broadcast %get3A_24 : vector<1x128xf32> to vector<512x128xf32>
    %add3A_26 = arith.addf %mul3A_21, %add3A_25 : vector<512x128xf32>
    %max3A = arith.constant 0.000000e+00 : f32
    %max3A_27 = vector.broadcast %max3A : f32 to vector<512x128xf32>
    %max3A_28 = arith.maximumf %add3A_26, %max3A_27 : vector<512x128xf32>
    %get3A_29 = arith.constant 0 : index
    %get3A_30 = arith.constant 0 : index
    %get3A_31 = arith.constant 0 : index
    %get3A_32 = vector.load %arg7[%get3A_29, %get3A_30, %get3A_31] : memref<1x1x512xi32, #tpu.memory_space<vmem>>, vector<1x1x512xi32>
    %get3A_33 = vector.shape_cast %get3A_32 : vector<1x1x512xi32> to vector<512xi32>
    %iota3A = tpu.iota {dimensions = array<i32: 0>} : vector<64x512xi32>
    %broadcast_in_dim3A = vector.shape_cast %get3A_33 : vector<512xi32> to vector<1x512xi32>
    %eq3A_34 = vector.broadcast %broadcast_in_dim3A : vector<1x512xi32> to vector<64x512xi32>
    %eq3A_35 = arith.cmpi eq, %eq3A_34, %iota3A : vector<64x512xi32>
    %convert_element_type3A_36 = arith.extui %eq3A_35 : vector<64x512xi1> to vector<64x512xi32>
    %convert_element_type3A_37 = arith.sitofp %convert_element_type3A_36 : vector<64x512xi32> to vector<64x512xf32>
    %get3A_38 = arith.constant 0 : index
    %get3A_39 = arith.constant 0 : index
    %get3A_40 = vector.load %arg11[%get3A_38, %get3A_39] : memref<64x128xf32, #tpu.memory_space<vmem>>, vector<64x128xf32>
    %dot_general3A = arith.constant dense<0.000000e+00> : vector<64x128xf32>
    %dot_general3A_41 = tpu.matmul %convert_element_type3A_37, %max3A_28, %dot_general3A {dimension_numbers = #tpu.dot_dimension_numbers<[1], [0], [0], [1], [0, 0, 1, 1], [], []>, transpose_lhs_hint = false} : vector<64x512xf32>, vector<512x128xf32>, vector<64x128xf32> -> vector<64x128xf32>
    %add3A_42 = arith.addf %get3A_40, %dot_general3A_41 : vector<64x128xf32>
    %swap3A = arith.constant 0 : index
    %swap3A_43 = arith.constant 0 : index
    %swap3A_44 = vector.load %arg11[%swap3A, %swap3A_43] : memref<64x128xf32, #tpu.memory_space<vmem>>, vector<64x128xf32>
    tpu.vector_store %arg11[%swap3A, %swap3A_43], %add3A_42 {strides = array<i32>} : memref<64x128xf32, #tpu.memory_space<vmem>>, vector<64x128xf32>,
    %get3A_45 = arith.constant 0 : index
    %get3A_46 = arith.constant 0 : index
    %get3A_47 = vector.load %arg12[%get3A_45, %get3A_46] : memref<64x128xf32, #tpu.memory_space<vmem>>, vector<64x128xf32>
    %reduce_sum3A = arith.constant dense<0.000000e+00> : vector<64xf32>
    %reduce_sum3A_48 = vector.multi_reduction <add>, %convert_element_type3A_37, %reduce_sum3A [1] : vector<64x512xf32> to vector<64xf32>
    %broadcast_in_dim3A_49 = vector.shape_cast %reduce_sum3A_48 : vector<64xf32> to vector<64x1xf32>
    %broadcast_in_dim3A_50 = vector.shape_cast %broadcast_in_dim3A_49 : vector<64x1xf32> to vector<64x1xf32>
    %broadcast_in_dim3A_51 = vector.broadcast %broadcast_in_dim3A_50 : vector<64x1xf32> to vector<64x128xf32>
    %add3A_52 = arith.addf %get3A_47, %broadcast_in_dim3A_51 : vector<64x128xf32>
    %swap3A_53 = arith.constant 0 : index
    %swap3A_54 = arith.constant 0 : index
    %swap3A_55 = vector.load %arg12[%swap3A_53, %swap3A_54] : memref<64x128xf32, #tpu.memory_space<vmem>>, vector<64x128xf32>
    tpu.vector_store %arg12[%swap3A_53, %swap3A_54], %add3A_52 {strides = array<i32>} : memref<64x128xf32, #tpu.memory_space<vmem>>, vector<64x128xf32>,
    %eq3A_56 = arith.constant 19 : i32
    %eq3A_57 = arith.cmpi eq, %arg0, %eq3A_56 : i32
    %convert_element_type3A_58 = arith.extui %eq3A_57 : i1 to i32
    %cond3A_59 = arith.constant 0 : i32
    %cond3A_60 = arith.cmpi ne, %convert_element_type3A_58, %cond3A_59 : i32
    scf.if %cond3A_60 {
      %get3A_61 = arith.constant 0 : index
      %get3A_62 = arith.constant 0 : index
      %get3A_63 = vector.load %arg11[%get3A_61, %get3A_62] : memref<64x128xf32, #tpu.memory_space<vmem>>, vector<64x128xf32>
      %get3A_64 = arith.constant 0 : index
      %get3A_65 = arith.constant 0 : index
      %get3A_66 = vector.load %arg12[%get3A_64, %get3A_65] : memref<64x128xf32, #tpu.memory_space<vmem>>, vector<64x128xf32>
      %max3A_67 = arith.constant 1.000000e+00 : f32
      %max3A_68 = vector.broadcast %max3A_67 : f32 to vector<64x128xf32>
      %max3A_69 = arith.maximumf %get3A_66, %max3A_68 : vector<64x128xf32>
      %div3A = arith.divf %get3A_63, %max3A_69 : vector<64x128xf32>
      %get3A_70 = arith.constant 0 : index
      %get3A_71 = arith.constant 0 : index
      %get3A_72 = vector.load %arg8[%get3A_70, %get3A_71] : memref<128x16xf32, #tpu.memory_space<vmem>>, vector<128x16xf32>
      %dot_general3A_73 = arith.constant dense<0.000000e+00> : vector<64x16xf32>
      %dot_general3A_74 = tpu.matmul %div3A, %get3A_72, %dot_general3A_73 {dimension_numbers = #tpu.dot_dimension_numbers<[1], [0], [0], [1], [0, 0, 1, 1], [], []>, transpose_lhs_hint = false} : vector<64x128xf32>, vector<128x16xf32>, vector<64x16xf32> -> vector<64x16xf32>
      %get3A_75 = arith.constant 0 : index
      %get3A_76 = arith.constant 0 : index
      %get3A_77 = vector.load %arg9[%get3A_75, %get3A_76] : memref<1x16xf32, #tpu.memory_space<vmem>>, vector<1x16xf32>
      %add3A_78 = vector.broadcast %get3A_77 : vector<1x16xf32> to vector<64x16xf32>
      %add3A_79 = arith.addf %dot_general3A_74, %add3A_78 : vector<64x16xf32>
      %swap3A_80 = arith.constant 0 : index
      %swap3A_81 = arith.constant 0 : index
      %swap3A_82 = vector.load %arg10[%swap3A_80, %swap3A_81] : memref<64x16xf32, #tpu.memory_space<vmem>>, vector<64x16xf32>
      tpu.vector_store %arg10[%swap3A_80, %swap3A_81], %add3A_79 {strides = array<i32>} : memref<64x16xf32, #tpu.memory_space<vmem>>, vector<64x16xf32>,
    } else {
    }
    return
  }
  func.func @transform_0(%arg0: i32) -> (i32, i32) {
    %c0_i32 = arith.constant 0 : i32
    %c0_i32_0 = arith.constant 0 : i32
    return %arg0, %c0_i32 : i32, i32
  }
  func.func @transform_1(%arg0: i32) -> (i32, i32) {
    %c0_i32 = arith.constant 0 : i32
    %c0_i32_0 = arith.constant 0 : i32
    return %arg0, %c0_i32 : i32, i32
  }
  func.func @transform_2(%arg0: i32) -> (i32, i32) {
    %c0_i32 = arith.constant 0 : i32
    %c0_i32_0 = arith.constant 0 : i32
    return %arg0, %c0_i32 : i32, i32
  }
  func.func @transform_3(%arg0: i32) -> (i32, i32) {
    %c0_i32 = arith.constant 0 : i32
    %c0_i32_0 = arith.constant 0 : i32
    return %arg0, %c0_i32 : i32, i32
  }
  func.func @transform_4(%arg0: i32) -> (i32, i32) {
    %c0_i32 = arith.constant 0 : i32
    %c0_i32_0 = arith.constant 0 : i32
    return %arg0, %c0_i32 : i32, i32
  }
  func.func @transform_5(%arg0: i32) -> (i32, i32) {
    %c0_i32 = arith.constant 0 : i32
    %c0_i32_0 = arith.constant 0 : i32
    %c0_i32_1 = arith.constant 0 : i32
    return %c0_i32, %c0_i32_0 : i32, i32
  }
  func.func @transform_6(%arg0: i32) -> (i32, i32, i32) {
    %c0_i32 = arith.constant 0 : i32
    %c0_i32_0 = arith.constant 0 : i32
    %c0_i32_1 = arith.constant 0 : i32
    return %arg0, %c0_i32, %c0_i32_0 : i32, i32, i32
  }
  func.func @transform_7(%arg0: i32) -> (i32, i32) {
    %c0_i32 = arith.constant 0 : i32
    %c0_i32_0 = arith.constant 0 : i32
    %c0_i32_1 = arith.constant 0 : i32
    return %c0_i32, %c0_i32_0 : i32, i32
  }
  func.func @transform_8(%arg0: i32) -> (i32, i32) {
    %c0_i32 = arith.constant 0 : i32
    %c0_i32_0 = arith.constant 0 : i32
    %c0_i32_1 = arith.constant 0 : i32
    return %c0_i32, %c0_i32_0 : i32, i32
  }
  func.func @transform_9(%arg0: i32) -> (i32, i32) {
    %c0_i32 = arith.constant 0 : i32
    %c0_i32_0 = arith.constant 0 : i32
    %c0_i32_1 = arith.constant 0 : i32
    return %c0_i32, %c0_i32_0 : i32, i32
  }
}

</mosaic_0001>

<sc_bundles>
// kernel: kernel.11.cloned.1.call-start
scs
__scs_entry_jumppad:
0x0: {  	(pc) =	sbr.rel $0x88, $3  }
0x1: {  	(tag) =	ssettag $0x0;
	lr =	simm.s32 $0x1  }
0x2: {  	[smem:$0x3F96] =	sst lr;
	_ =	strace $0xD0000000  }
0x3: {  	_ = 	snop  }
0x4: {  	_ = 	snop  }
0x5: {  	_ = 	snop  }
0x6: {  	_ = 	snop  }
0x7: {  	_ = 	snop  }
__scs_overlays_trampoline_lowered:
0x8: {  	[smem:$0x3FA5] =	sst s0  }
0x9: {  	[smem:$0x3FA6] =	sst s1  }
0xa: {  	[smem:$0x3FA7] =	sst s2  }
0xb: {  	[smem:$0x3FA8] =	sst s3  }
0xc: {  	[smem:$0x3FA9] =	sst s4  }
0xd: {  	[smem:$0x3FAA] =	sst s5  }
0xe: {  	[smem:$0x3FAB] =	sst s6  }
0xf: {  	[smem:$0x3FAC] =	sst s7  }
0x10: {  	[smem:$0x3FAD] =	sst s8  }
0x11: {  	[smem:$0x3FAE] =	sst s9;
	s0 =	simm.s32 @!p0 $0x0  }
0x12: {  	s1 =	sld [smem:$0x3F94];
	s0 =	simm.s32 @p0 $0x1  }
0x13: {  	[smem:$0x3FAF] =	sst s0;
	s0 =	simm.s32 @!p1 $0x0  }
0x14: {  	s2 =	sld [smem:$0x3F93];
	s0 =	simm.s32 @p1 $0x1  }
0x15: {  	[smem:$0x3FB0] =	sst s0;
	s0 =	simm.s32 @!p2 $0x0  }
0x16: {  	s3 =	sld [smem:$0x3FDB];
	s0 =	simm.s32 @p2 $0x1  }
0x17: {  	s4 =	simm.s32 $0x1BF5;
	[smem:$0x3FB2] =	sst s0  }
0x18: {  	s0 =	sld [smem:$0x3F95];
	_ =	swait.ge [sflag:s4], $0x0  }
0x19: {  	s7 =	sld [smem:$0x3F96]  }
0x1a: {  	s8 =	sadd.s32 $0xFFFFE003, lr  }
0x1b: {  	s9 =	sadd.s32 $0xFFFFFEF7, lr;
	s5 =	simm.s32 $0xFFFFFFFF;
	p2 =	slt.u32 s8, $0xFFFFF086  }
0x1c: {  	p1 =	slt.u32 s9, $0xF7A;
	s5 =	simm.s32 @!p2 $0x0  }
0x1d: {  	s5 =	simm.s32 @p1 $0x1;
	p0 =	seq.s32 s7, s2  }
0x1e: {  	s7 =	smul.u32 @!p0 $0xF7A, s2;
	p2 =	seq.s32 @!p0 s5, $0x0  }
0x1f: {  	s9 =	smul.u32 $0xF7A, s1;
	s8 =	simm.s32 @!p0 $0x1BF5;
	p2 =	por !p2, p0  }
0x20: {  	[sflag:s8] =	ssyncset.s32 @!p0 $0xFFFFF086;
	s6 =	sadd.s32 @!p0 s3, s7;
	s7 =	simm.s32 @!p0 $0x108  }
0x21: {  	s3 =	sadd.s32 s3, s9;
	s6 =	sadd.s32 @!p0 $0x88, s6;
	s7 =	simm.s32 @p2 $0x1082  }
0x22: {  	[simem:s7], [sflag:s8] =	dma.local @!p0 [hbm:s6], $0xF7A  }
0x23: {  	s9 =	sor.u32 $0xD0000000, s2;
	s6 =	simm.s32 $0x108;
	_ =	swait.ge @!p0 [sflag:s8], $0x0  }
0x24: {  	s3 =	sadd.s32 $0x88, s3;
	s6 =	simm.s32 @!p1 $0x1082;
	[sflag:s4] =	ssyncset.s32 $0xFFFFF086  }
0x25: {  	[simem:s6], [sflag:s4] =	dma.local [hbm:s3], $0xF7A  }
0x26: {  	[smem:$0x3F96] =	sst s1;
	(tag) =	ssettag s2;
	_ =	strace s9  }
0x27: {  	s1 =	sld [smem:$0x3FA6]  }
0x28: {  	s2 =	sld [smem:$0x3FA7]  }
0x29: {  	s4 =	sld [smem:$0x3FA9]  }
0x2a: {  	p0 =	seq.s32 s5, $0x0;
	s5 =	sld [smem:$0x3FAA]  }
0x2b: {  	s6 =	sld [smem:$0x3FAB]  }
0x2c: {  	s7 =	sld [smem:$0x3FAC]  }
0x2d: {  	s3 =	simm.s32 $0x108;
	s8 =	sld [smem:$0x3FAD]  }
0x2e: {  	s3 =	simm.s32 @!p0 $0x1082;
	s9 =	sld [smem:$0x3FAE]  }
0x2f: {  	lr =	sadd.s32 s0, s3;
	s0 =	sld [smem:$0x3FA5]  }
0x30: {  	s3 =	sld [smem:$0x3FA8]  }
0x31: {  	[smem:$0x3FB1] =	sst s10  }
0x32: {  	s10 =	sld [smem:$0x3FAF];
	_ =	sdelay $0x3  }
0x33: {  	p0 =	seq.s32 s10, $0x1;
	s10 =	sld [smem:$0x3FB1];
	_ =	sdelay $0x3  }
0x34: {  	[smem:$0x3FB1] =	sst s10  }
0x35: {  	s10 =	sld [smem:$0x3FB0];
	_ =	sdelay $0x3  }
0x36: {  	p1 =	seq.s32 s10, $0x1;
	s10 =	sld [smem:$0x3FB1];
	_ =	sdelay $0x3  }
0x37: {  	[smem:$0x3FB1] =	sst s10  }
0x38: {  	s10 =	sld [smem:$0x3FB2]  }
0x39: {  	_ = 	snop;
	(pc) =	sbr.ind lr, $3  }
0x3a: {  	_ = 	snop  }
0x3b: {  	_ = 	snop  }
0x3c: {  	p2 =	seq.s32 s10, $0x1;
	s10 =	sld [smem:$0x3FB1]  }
0x3d: {  	_ =	shalt  }
0x3e: {  	_ =	shalt  }
0x3f: {  	_ =	shalt  }
0x40: {  	_ =	shalt  }
0x41: {  	_ =	shalt  }
0x42: {  	_ =	shalt  }
0x43: {  	_ =	shalt  }
0x44: {  	_ =	shalt  }
0x45: {  	_ =	shalt  }
0x46: {  	_ =	shalt  }
0x47: {  	_ =	shalt  }
0x48: {  	_ =	shalt  }
0x49: {  	_ =	shalt  }
0x4a: {  	_ =	shalt  }
0x4b: {  	_ =	shalt  }
0x4c: {  	_ =	shalt  }
0x4d: {  	_ =	shalt  }
0x4e: {  	_ =	shalt  }
0x4f: {  	_ =	shalt  }
0x50: {  	_ =	shalt  }
0x51: {  	_ =	shalt  }
0x52: {  	_ =	shalt  }
0x53: {  	_ =	shalt  }
0x54: {  	_ =	shalt  }
0x55: {  	_ =	shalt  }
0x56: {  	_ =	shalt  }
0x57: {  	_ =	shalt  }
0x58: {  	_ =	shalt  }
0x59: {  	_ =	shalt  }
0x5a: {  	_ =	shalt  }
0x5b: {  	_ =	shalt  }
0x5c: {  	_ =	shalt  }
0x5d: {  	_ =	shalt  }
0x5e: {  	_ =	shalt  }
0x5f: {  	_ =	shalt  }
0x60: {  	_ =	shalt  }
0x61: {  	_ =	shalt  }
0x62: {  	_ =	shalt  }
0x63: {  	_ =	shalt  }
0x64: {  	_ =	shalt  }
0x65: {  	_ =	shalt  }
0x66: {  	_ =	shalt  }
0x67: {  	_ =	shalt  }
0x68: {  	_ =	shalt  }
0x69: {  	_ =	shalt  }
0x6a: {  	_ =	shalt  }
0x6b: {  	_ =	shalt  }
0x6c: {  	_ =	shalt  }
0x6d: {  	_ =	shalt  }
0x6e: {  	_ =	shalt  }
0x6f: {  	_ =	shalt  }
0x70: {  	_ =	shalt  }
0x71: {  	_ =	shalt  }
0x72: {  	_ =	shalt  }
0x73: {  	_ =	shalt  }
0x74: {  	_ =	shalt  }
0x75: {  	_ =	shalt  }
0x76: {  	_ =	shalt  }
0x77: {  	_ =	shalt  }
0x78: {  	_ =	shalt  }
0x79: {  	_ =	shalt  }
0x7a: {  	_ =	shalt  }
0x7b: {  	_ =	shalt  }
0x7c: {  	_ =	shalt  }
0x7d: {  	_ =	shalt  }
0x7e: {  	_ =	shalt  }
0x7f: {  	_ =	shalt  }
0x80: {  	_ =	shalt  }
0x81: {  	_ =	shalt  }
0x82: {  	_ =	shalt  }
0x83: {  	_ =	shalt  }
0x84: {  	_ =	shalt  }
0x85: {  	_ =	shalt  }
0x86: {  	_ =	shalt  }
0x87: {  	_ =	shalt  }
.Lfunc_end0:
.L_simem_size_0:
called_computation_lowered:
.L_overlay_start_0:
0x88: {  	s2 =	sld [smem:$0x3FD9]  }
0x89: {  	s3 =	sld [smem:$0x3FFE];
	_ =	sdelay $0x1  }
0x8a: {  	s1 =	srdreg.scid  }
0x8b: {  	s0 =	sand.u32 $0x1, s1  }
0x8c: {  	s16 =	sshll.u32 s0, $0xA;
	s2 =	sadd.s32 s3, s2  }
0x8d: {  	s2 =	sadd.s32 s2, s16  }
0x8e: {  	[smem:$0x3FBD] =	sst s2  }
0x8f: {  	_ = 	snop  }
0x90: {  	(tm) =	ssettm $0x1  }
0x91: {  	s17 =	sld [smem:$0x3FFB];
	_ =	sdelay $0x3  }
0x92: {  	_ =	strace s17  }
0x93: {  	s2 =	sld [smem:$0x3FFC];
	_ =	sdelay $0x3  }
0x94: {  	_ =	strace s2  }
0x95: {  	s2 =	sld [smem:$0x3FFD];
	_ =	sdelay $0x3  }
0x96: {  	_ =	strace s2  }
0x97: {  	_ =	strace $0x8FFFFFFF  }
0x98: {  	s18 =	sld [smem:$0x3FDB];
	_ =	sdelay $0x1  }
0x99: {  	s19 =	simm.s32 $_scs_section_size  }
0x9a: {  	s4 =	simm.s32 $_size__tile_overlayer_lowered;
	s5 =	simm.s32 $_tile_overlayer_lowered  }
0x9b: {  	s22 =	simm.s32 $0x1BFF;
	s21 =	sshll.u32 s5, $0x1;
	s2 =	sadd.s32 s19, s18  }
0x9c: {  	s6 =	simm.s32 $0x0;
	s20 =	sshll.u32 s4, $0x1;
	s4 =	sadd.s32 s21, s2  }
0x9d: {  	[timem:s6], [sflag:s22] =	dma.local [hbm:s4], s20  }
0x9e: {  	_ =	swait.ge [sflag:s22], s20  }
0x9f: {  	s3 =	ssub.s32 $0x0, s20;
	[sflag:s22] =	ssyncset.done $0x0  }
0xa0: {  	[sflag:s22] =	ssyncadd.s32 s3;
	_ =	sdelay $0x1  }
0xa1: {  	s23 =	simm.s32 $0x1B8B  }
0xa2: {  	_ =	swait.ge [sflag:s23], $0x1  }
0xa3: {  	[sflag:s23] =	ssyncset.done $0x0  }
0xa4: {  	s25 =	simm.s32 $0x1B8E;
	s24 =	sld [smem:$0x3FFE];
	[sflag:s23] =	ssyncadd.s32 $0xFFFFFFFF  }
0xa5: {  	s26 =	simm.s32 $execute0_lowered;
	[smem:$0x3FD2] =	sst s25  }
0xa6: {  	s4 =	sshll.u32 s26, $0x1;
	_ =	strace $0x80000046;
	[dreg:$0x1] =	wrdreg $0xFFFFFFFF  }
0xa7: {  	s28 =	simm.s32 $_size_execute0_lowered;
	s2 =	sadd.s32 s2, s4;
	[dreg:$0x0] =	wrdreg $0x0  }
0xa8: {  	s4 =	sshll.u32 s28, $0x1;
	[dreg:$0x2] =	wrdreg s2  }
0xa9: {  	[dreg:$0x3] =	wrdreg s4  }
0xaa: {  	[dreg:$0x4] =	wrdreg $0xC0  }
0xab: {  	_ =	task [dreg:s6], $0x5FFFF  }
0xac: {  	[dreg:$0x1] =	wrdreg $0xFFFFFFFF  }
0xad: {  	[dreg:$0x0] =	wrdreg $0x60  }
0xae: {  	[dreg:$0x2] =	wrdreg s24  }
0xaf: {  	[dreg:$0x3] =	wrdreg $0xA8000  }
0xb0: {  	[dreg:$0x4] =	wrdreg $0x9  }
0xb1: {  	_ =	task.clear_ibuf [dreg:s6], $0x5FFFF;
	_ =	strace $0x90000046  }
0xb2: {  	s29 =	simm.s32 $0x9;
	_ =	strace $0x80000048  }
0xb3: {  	_ =	swait.ge [sflag:s29], $0x1  }
0xb4: {  	[sflag:s29] =	ssyncadd.s32 $0xFFFFFFFF  }
0xb5: {  	_ =	strace $0x90000048  }
0xb6: {  	_ =	sfence  }
0xb7: {  	s30 =	sld [smem:$0x0];
	_ =	sdelay $0x2  }
0xb8: {  	s31 =	sshll.u32 s1, $0xD;
	s1 =	sshrl.u32 s1, $0x2  }
0xb9: {  	s3 =	sand.u32 $0x4000, s31;
	s1 =	sadd.s32 s1, s30  }
0xba: {  	s0 =	sor.u32 s3, s0;
	s1 =	sshll.u32 s1, $0x11  }
0xbb: {  	s0 =	sor.u32 s1, s0  }
0xbc: {  	s0 =	sadd.s32 $0x8F2B, s0  }
0xbd: {  	[sflag:s0] =	ssyncadd.remote.s32 $0x1  }
0xbe: {  	_ =	sfence.sel $0xFFFF  }
0xbf: {  	[dreg:$0x0] =	wrdreg $0xFFFFFFFF;
	(pc) =	sbr.abs _section_cstart, $3  }
0xc0: {  	[dreg:$0x1] =	wrdreg $0xFFFFFFFF  }
0xc1: {  	_ =	task.clear_ibuf [dreg:s6], $0x2FFFF;
	_ =	strace $0x9FFFFFFF  }
0xc2: {  	(tm) =	ssettm $0x7FFFFFFF  }
0xc3: {  	_ =	shalt  }
tec
execute0_lowered:
.L_overlay_start_1:
0x0: {  	(tag) =	ssettag $0x1  }
0x1: {  	s1 =	srdreg.scid;
	s7 =	rddreg [dreg:$0x0]  }
0x2: {  	s0 =	stileid.u32;
	s2 =	rddreg [dreg:$0x1]  }
0x3: {  	s3 =	simm.s32 $0x0;
	s14 =	simm.s32 $0x1;
	s15 =	simm.s32 $0x6800  }
0x4: {  	s16 =	simm.s32 $0x2800;
	s17 =	simm.s32 $0x80;
	s20 =	simm.s32 $0x0  }
0x5: {  	s6 =	sand.u32 $0x1, s1;
	s28 =	sshll.u32 s0, $0x1;
	s9 =	smul.u32 $0x14000, s0  }
0x6: {  	[smem:$0x7FF] =	sst s3;
	s5 =	sadd.s32 $0x1A200, s7;
	s11 =	smul.u32 $0x50000, s0  }
0x7: {  	s30 =	sshll.u32 s0, $0xE;
	s18 =	sshll.u32 s0, $0x6;
	s1 =	sor.u32 s6, s28  }
0x8: {  	s8 =	smul.u32 $0x140000, s6;
	s6 =	ssub.s32 $0x2, s6;
	s18 =	sor.u32 $0x1C01, s18  }
0x9: {  	s4 =	smul.u32 $0x500, s1;
	s1 =	rddreg [dreg:$0x2];
	_ =	strace $0x80000047  }
0xa: {  	s29 =	sshrl.u32 s6, $0x1;
	s31 =	sshrl.u32 s11, $0x2;
	s8 =	sadd.s32 s9, s8  }
0xb: {  	s9 =	ssub.s32 s6, s29;
	s19 =	sadd.s32 s31, s2;
	s10 =	sadd.s32 s4, s7  }
0xc: {  	s4 =	sadd.s32 $0x19A00, s7;
	s8 =	sshrl.u32 s8, $0x3;
	s9 =	smax.u32 s9, $0x1  }
0xd: {  	s19 =	sshrl.u32 s19, $0x3;
	s8 =	sadd.s32 s8, s7;
	s7 =	sadd.s32 s30, s2  }
0xe: {  	s6 =	sadd.s32 $0x5A00, s10;
	s8 =	sadd.s32 $0x1AA00, s8;
	s10 =	sadd.s32 $0x40000, s7  }
0xf: {  	s11 =	sadd.s32 $0x80000, s7;
	s12 =	sadd.s32 $0xC0000, s7;
	s13 =	sadd.s32 $0x100000, s7  }
.LBB2_1:
0x10: {  	[tilespmem:s3], [sflag:$0x1] =	stream.linear.gather [hbm4b:s6+s3], $0x2800, $0x38;
	[tilespmem:$0x1E800] =	vst v63  }
0x11: {  	_ =	swait.ge [sflag:s14], $0x2800  }
0x12: {  	[sflag:s14] =	ssyncset.done $0x0  }
0x13: {  	[sflag:s14] =	ssyncadd.s32 $0xFFFFD800  }
0x14: {  	[tilespmem:s15], [sflag:$0x1] =	stream.linear.gather [hbm4b:s5+s3], $0x4000, $0x38;
	[tilespmem:$0x1E800] =	vst v63  }
0x15: {  	_ =	swait.ge [sflag:s14], $0x4000  }
0x16: {  	[sflag:s14] =	ssyncset.done $0x0  }
0x17: {  	[sflag:s14] =	ssyncadd.s32 $0xFFFFC000  }
0x18: {  	[tilespmem:s16], [sflag:$0x1] =	stream.linear.gather [hbm4b:s4+s3], $0x4000, $0x38;
	[tilespmem:$0x1E800] =	vst v63  }
0x19: {  	_ =	swait.ge [sflag:s14], $0x4000  }
0x1a: {  	[sflag:s14] =	ssyncset.done $0x0  }
0x1b: {  	[sflag:s14] =	ssyncadd.s32 $0xFFFFC000  }
0x1c: {  	[spmem:s7] =	stream.linear.scatter [tilespmem:s16], [sflag:$0x1], $0x4000, $0x38;
	[tilespmem:$0x1E800] =	vst v63  }
0x1d: {  	_ =	swait.ge [sflag:s14], $0x4000  }
0x1e: {  	[sflag:s14] =	ssyncset.done $0x0  }
0x1f: {  	[sflag:s14] =	ssyncadd.s32 $0xFFFFC000  }
0x20: {  	[spmem:s10] =	stream.linear.scatter [tilespmem:s16], [sflag:$0x1], $0x4000, $0x38;
	[tilespmem:$0x1E800] =	vst v63  }
0x21: {  	_ =	swait.ge [sflag:s14], $0x4000  }
0x22: {  	[sflag:s14] =	ssyncset.done $0x0  }
0x23: {  	[sflag:s14] =	ssyncadd.s32 $0xFFFFC000  }
0x24: {  	[spmem:s11] =	stream.linear.scatter [tilespmem:s16], [sflag:$0x1], $0x4000, $0x38;
	[tilespmem:$0x1E800] =	vst v63  }
0x25: {  	_ =	swait.ge [sflag:s14], $0x4000  }
0x26: {  	[sflag:s14] =	ssyncset.done $0x0  }
0x27: {  	[sflag:s14] =	ssyncadd.s32 $0xFFFFC000  }
0x28: {  	[spmem:s12] =	stream.linear.scatter [tilespmem:s16], [sflag:$0x1], $0x4000, $0x38;
	[tilespmem:$0x1E800] =	vst v63  }
0x29: {  	_ =	swait.ge [sflag:s14], $0x4000  }
0x2a: {  	[sflag:s14] =	ssyncset.done $0x0  }
0x2b: {  	[sflag:s14] =	ssyncadd.s32 $0xFFFFC000  }
0x2c: {  	[spmem:s13] =	stream.linear.scatter [tilespmem:s16], [sflag:$0x1], $0x4000, $0x38;
	[tilespmem:$0x1E800] =	vst v63  }
0x2d: {  	_ =	swait.ge [sflag:s14], $0x4000  }
0x2e: {  	[sflag:s14] =	ssyncset.done $0x0  }
0x2f: {  	[sflag:s14] =	ssyncadd.s32 $0xFFFFC000  }
0x30: {  	s21 =	simm.s32 $0x0;
	[bflag:$0x0] =	sbarrier.arrive $0xFFFF  }
0x31: {  	[spmem:s2] =	stream.indirect.scatter.add.f32 [tilespmem:s15], [sflag:$0x1], $0x80, s21, s17, $0xb8;
	[tilespmem:$0x1E800] =	vst v63  }
0x32: {  	_ =	swait.ge [sflag:s14], $0x4000  }
0x33: {  	s21 =	simm.s32 $0x200;
	[sflag:s14] =	ssyncset.done $0x0  }
.LBB2_2:
0x34: {  	s22 =	sshra.s32 s21, $0x2;
	[sflag:s14] =	ssyncadd.s32 $0xFFFFC000;
	p0 =	sne.s32 s21, $0x9E00  }
0x35: {  	[spmem:s2] =	stream.indirect.scatter.add.f32 [tilespmem:s15], [sflag:$0x1], $0x80, s22, s17, $0xb8;
	[tilespmem:$0x1E800] =	vst v63  }
.Ltmp0:
0x36: {  	_ = 	snop;
	(pc) =	sbr.rel @p0 .LBB2_2-.Ltmp0, $4  }
0x37: {  	_ = 	snop  }
0x38: {  	s21 =	sadd.s32 $0x200, s21  }
0x39: {  	_ =	swait.ge [sflag:s14], $0x4000  }
0x3a: {  	[sflag:s14] =	ssyncset.done $0x0  }
0x3b: {  	s20 =	sadd.s32 $0x1, s20  }
0x3c: {  	[sflag:s14] =	ssyncadd.s32 $0xFFFFC000;
	p0 =	sne.s32 s20, s9  }
.Ltmp1:
0x3d: {  	[bflag:$0x0] =	sbarrier.arrive $0xFFFF;
	(pc) =	sbr.rel @p0 .LBB2_1-.Ltmp1, $4  }
0x3e: {  	[hbm:s8], [sflag:s18] =	dma.local [spmem:s19], $0x2800  }
0x3f: {  	_ =	swait.ge [sflag:s14], $0x2800  }
0x40: {  	[sflag:s14] =	ssyncset.done $0x0  }
0x41: {  	[sflag:s14] =	ssyncadd.s32 $0xFFFFD800  }
0x42: {  	_ =	sfence.sel $0x180000  }
0x43: {  	[bflag:$0x0] =	sbarrier.arrive $0xFFFF  }
0x44: {  	p0 =	sne.s32 s0, $0x0;
	_ =	strace $0x90000047  }
0x45: {  	s0 =	sadd.s32 @!p0 $0x100000, s1;
	[bflag:$0x2] =	sbarrier.arrive $0xFFFF  }
0x46: {  	[sflag:s0] =	ssyncadd.tile.s32 @!p0 $0x1;
	_ =	shalt  }
.Lfunc_end2:
_tile_overlayer_lowered:
.L_overlay_start_2:
0x47: {  	(tag) =	ssettag $0x2  }
0x48: {  	s0 =	rddreg [dreg:$0x0];
	s2 =	stileid.u32  }
0x49: {  	s1 =	rddreg [dreg:$0x1];
	p0 =	sne.s32 s2, $0x0  }
0x4a: {  	s3 =	rddreg [dreg:$0x2];
	[bflag:$0x3] =	sbarrier.arrive $0xFFFF;
	s2 =	simm.s32 @!p0 $0x1C01  }
0x4b: {  	[timem:s3], [sflag:s2] =	dma.local @!p0 [hbm:s0], s1  }
0x4c: {  	s0 =	simm.s32 @!p0 $0x1  }
0x4d: {  	_ =	swait.ge @!p0 [sflag:s0], s1  }
0x4e: {  	s1 =	ssub.s32 @!p0 $0x0, s1;
	[sflag:s0] =	ssyncset.done @!p0 $0x0  }
0x4f: {  	[sflag:s0] =	ssyncadd.s32 @!p0 s1  }
0x50: {  	[bflag:$0x3] =	sbarrier.arrive $0xFFFF  }
0x51: {  	_ =	shalt  }

// kernel: kernel.14.cloned.1.call-start
scs
__scs_entry_jumppad:
0x0: {  	(pc) =	sbr.rel $0x88, $3  }
0x1: {  	(tag) =	ssettag $0x0;
	lr =	simm.s32 $0x1  }
0x2: {  	[smem:$0x3F96] =	sst lr;
	_ =	strace $0xD0000000  }
0x3: {  	_ = 	snop  }
0x4: {  	_ = 	snop  }
0x5: {  	_ = 	snop  }
0x6: {  	_ = 	snop  }
0x7: {  	_ = 	snop  }
__scs_overlays_trampoline_lowered:
0x8: {  	[smem:$0x3FA5] =	sst s0  }
0x9: {  	[smem:$0x3FA6] =	sst s1  }
0xa: {  	[smem:$0x3FA7] =	sst s2  }
0xb: {  	[smem:$0x3FA8] =	sst s3  }
0xc: {  	[smem:$0x3FA9] =	sst s4  }
0xd: {  	[smem:$0x3FAA] =	sst s5  }
0xe: {  	[smem:$0x3FAB] =	sst s6  }
0xf: {  	[smem:$0x3FAC] =	sst s7  }
0x10: {  	[smem:$0x3FAD] =	sst s8  }
0x11: {  	[smem:$0x3FAE] =	sst s9;
	s0 =	simm.s32 @!p0 $0x0  }
0x12: {  	s1 =	sld [smem:$0x3F94];
	s0 =	simm.s32 @p0 $0x1  }
0x13: {  	[smem:$0x3FAF] =	sst s0;
	s0 =	simm.s32 @!p1 $0x0  }
0x14: {  	s2 =	sld [smem:$0x3F93];
	s0 =	simm.s32 @p1 $0x1  }
0x15: {  	[smem:$0x3FB0] =	sst s0;
	s0 =	simm.s32 @!p2 $0x0  }
0x16: {  	s3 =	sld [smem:$0x3FDB];
	s0 =	simm.s32 @p2 $0x1  }
0x17: {  	s4 =	simm.s32 $0x1BF5;
	[smem:$0x3FB2] =	sst s0  }
0x18: {  	s0 =	sld [smem:$0x3F95];
	_ =	swait.ge [sflag:s4], $0x0  }
0x19: {  	s7 =	sld [smem:$0x3F96]  }
0x1a: {  	s8 =	sadd.s32 $0xFFFFE003, lr  }
0x1b: {  	s9 =	sadd.s32 $0xFFFFFEF7, lr;
	s5 =	simm.s32 $0xFFFFFFFF;
	p2 =	slt.u32 s8, $0xFFFFF086  }
0x1c: {  	p1 =	slt.u32 s9, $0xF7A;
	s5 =	simm.s32 @!p2 $0x0  }
0x1d: {  	s5 =	simm.s32 @p1 $0x1;
	p0 =	seq.s32 s7, s2  }
0x1e: {  	s7 =	smul.u32 @!p0 $0xF7A, s2;
	p2 =	seq.s32 @!p0 s5, $0x0  }
0x1f: {  	s9 =	smul.u32 $0xF7A, s1;
	s8 =	simm.s32 @!p0 $0x1BF5;
	p2 =	por !p2, p0  }
0x20: {  	[sflag:s8] =	ssyncset.s32 @!p0 $0xFFFFF086;
	s6 =	sadd.s32 @!p0 s3, s7;
	s7 =	simm.s32 @!p0 $0x108  }
0x21: {  	s3 =	sadd.s32 s3, s9;
	s6 =	sadd.s32 @!p0 $0x88, s6;
	s7 =	simm.s32 @p2 $0x1082  }
0x22: {  	[simem:s7], [sflag:s8] =	dma.local @!p0 [hbm:s6], $0xF7A  }
0x23: {  	s9 =	sor.u32 $0xD0000000, s2;
	s6 =	simm.s32 $0x108;
	_ =	swait.ge @!p0 [sflag:s8], $0x0  }
0x24: {  	s3 =	sadd.s32 $0x88, s3;
	s6 =	simm.s32 @!p1 $0x1082;
	[sflag:s4] =	ssyncset.s32 $0xFFFFF086  }
0x25: {  	[simem:s6], [sflag:s4] =	dma.local [hbm:s3], $0xF7A  }
0x26: {  	[smem:$0x3F96] =	sst s1;
	(tag) =	ssettag s2;
	_ =	strace s9  }
0x27: {  	s1 =	sld [smem:$0x3FA6]  }
0x28: {  	s2 =	sld [smem:$0x3FA7]  }
0x29: {  	s4 =	sld [smem:$0x3FA9]  }
0x2a: {  	p0 =	seq.s32 s5, $0x0;
	s5 =	sld [smem:$0x3FAA]  }
0x2b: {  	s6 =	sld [smem:$0x3FAB]  }
0x2c: {  	s7 =	sld [smem:$0x3FAC]  }
0x2d: {  	s3 =	simm.s32 $0x108;
	s8 =	sld [smem:$0x3FAD]  }
0x2e: {  	s3 =	simm.s32 @!p0 $0x1082;
	s9 =	sld [smem:$0x3FAE]  }
0x2f: {  	lr =	sadd.s32 s0, s3;
	s0 =	sld [smem:$0x3FA5]  }
0x30: {  	s3 =	sld [smem:$0x3FA8]  }
0x31: {  	[smem:$0x3FB1] =	sst s10  }
0x32: {  	s10 =	sld [smem:$0x3FAF];
	_ =	sdelay $0x3  }
0x33: {  	p0 =	seq.s32 s10, $0x1;
	s10 =	sld [smem:$0x3FB1];
	_ =	sdelay $0x3  }
0x34: {  	[smem:$0x3FB1] =	sst s10  }
0x35: {  	s10 =	sld [smem:$0x3FB0];
	_ =	sdelay $0x3  }
0x36: {  	p1 =	seq.s32 s10, $0x1;
	s10 =	sld [smem:$0x3FB1];
	_ =	sdelay $0x3  }
0x37: {  	[smem:$0x3FB1] =	sst s10  }
0x38: {  	s10 =	sld [smem:$0x3FB2]  }
0x39: {  	_ = 	snop;
	(pc) =	sbr.ind lr, $3  }
0x3a: {  	_ = 	snop  }
0x3b: {  	_ = 	snop  }
0x3c: {  	p2 =	seq.s32 s10, $0x1;
	s10 =	sld [smem:$0x3FB1]  }
0x3d: {  	_ =	shalt  }
0x3e: {  	_ =	shalt  }
0x3f: {  	_ =	shalt  }
0x40: {  	_ =	shalt  }
0x41: {  	_ =	shalt  }
0x42: {  	_ =	shalt  }
0x43: {  	_ =	shalt  }
0x44: {  	_ =	shalt  }
0x45: {  	_ =	shalt  }
0x46: {  	_ =	shalt  }
0x47: {  	_ =	shalt  }
0x48: {  	_ =	shalt  }
0x49: {  	_ =	shalt  }
0x4a: {  	_ =	shalt  }
0x4b: {  	_ =	shalt  }
0x4c: {  	_ =	shalt  }
0x4d: {  	_ =	shalt  }
0x4e: {  	_ =	shalt  }
0x4f: {  	_ =	shalt  }
0x50: {  	_ =	shalt  }
0x51: {  	_ =	shalt  }
0x52: {  	_ =	shalt  }
0x53: {  	_ =	shalt  }
0x54: {  	_ =	shalt  }
0x55: {  	_ =	shalt  }
0x56: {  	_ =	shalt  }
0x57: {  	_ =	shalt  }
0x58: {  	_ =	shalt  }
0x59: {  	_ =	shalt  }
0x5a: {  	_ =	shalt  }
0x5b: {  	_ =	shalt  }
0x5c: {  	_ =	shalt  }
0x5d: {  	_ =	shalt  }
0x5e: {  	_ =	shalt  }
0x5f: {  	_ =	shalt  }
0x60: {  	_ =	shalt  }
0x61: {  	_ =	shalt  }
0x62: {  	_ =	shalt  }
0x63: {  	_ =	shalt  }
0x64: {  	_ =	shalt  }
0x65: {  	_ =	shalt  }
0x66: {  	_ =	shalt  }
0x67: {  	_ =	shalt  }
0x68: {  	_ =	shalt  }
0x69: {  	_ =	shalt  }
0x6a: {  	_ =	shalt  }
0x6b: {  	_ =	shalt  }
0x6c: {  	_ =	shalt  }
0x6d: {  	_ =	shalt  }
0x6e: {  	_ =	shalt  }
0x6f: {  	_ =	shalt  }
0x70: {  	_ =	shalt  }
0x71: {  	_ =	shalt  }
0x72: {  	_ =	shalt  }
0x73: {  	_ =	shalt  }
0x74: {  	_ =	shalt  }
0x75: {  	_ =	shalt  }
0x76: {  	_ =	shalt  }
0x77: {  	_ =	shalt  }
0x78: {  	_ =	shalt  }
0x79: {  	_ =	shalt  }
0x7a: {  	_ =	shalt  }
0x7b: {  	_ =	shalt  }
0x7c: {  	_ =	shalt  }
0x7d: {  	_ =	shalt  }
0x7e: {  	_ =	shalt  }
0x7f: {  	_ =	shalt  }
0x80: {  	_ =	shalt  }
0x81: {  	_ =	shalt  }
0x82: {  	_ =	shalt  }
0x83: {  	_ =	shalt  }
0x84: {  	_ =	shalt  }
0x85: {  	_ =	shalt  }
0x86: {  	_ =	shalt  }
0x87: {  	_ =	shalt  }
.Lfunc_end0:
.L_simem_size_0:
called_computation.1_lowered:
.L_overlay_start_0:
0x88: {  	s2 =	sld [smem:$0x3FD9]  }
0x89: {  	s3 =	sld [smem:$0x3FFE];
	_ =	sdelay $0x1  }
0x8a: {  	s1 =	srdreg.scid  }
0x8b: {  	s0 =	sand.u32 $0x1, s1  }
0x8c: {  	s16 =	sshll.u32 s0, $0xA;
	s2 =	sadd.s32 s3, s2  }
0x8d: {  	s2 =	sadd.s32 s2, s16  }
0x8e: {  	[smem:$0x3FBD] =	sst s2  }
0x8f: {  	_ = 	snop  }
0x90: {  	(tm) =	ssettm $0x1  }
0x91: {  	s17 =	sld [smem:$0x3FFB];
	_ =	sdelay $0x3  }
0x92: {  	_ =	strace s17  }
0x93: {  	s2 =	sld [smem:$0x3FFC];
	_ =	sdelay $0x3  }
0x94: {  	_ =	strace s2  }
0x95: {  	s2 =	sld [smem:$0x3FFD];
	_ =	sdelay $0x3  }
0x96: {  	_ =	strace s2  }
0x97: {  	_ =	strace $0x8FFFFFFF  }
0x98: {  	s18 =	sld [smem:$0x3FDB];
	_ =	sdelay $0x1  }
0x99: {  	s19 =	simm.s32 $_scs_section_size  }
0x9a: {  	s4 =	simm.s32 $_size__tile_overlayer_lowered;
	s5 =	simm.s32 $_tile_overlayer_lowered  }
0x9b: {  	s22 =	simm.s32 $0x1BFF;
	s21 =	sshll.u32 s5, $0x1;
	s2 =	sadd.s32 s19, s18  }
0x9c: {  	s6 =	simm.s32 $0x0;
	s20 =	sshll.u32 s4, $0x1;
	s4 =	sadd.s32 s21, s2  }
0x9d: {  	[timem:s6], [sflag:s22] =	dma.local [hbm:s4], s20  }
0x9e: {  	_ =	swait.ge [sflag:s22], s20  }
0x9f: {  	s3 =	ssub.s32 $0x0, s20;
	[sflag:s22] =	ssyncset.done $0x0  }
0xa0: {  	[sflag:s22] =	ssyncadd.s32 s3;
	_ =	sdelay $0x1  }
0xa1: {  	s23 =	simm.s32 $0x1B8B  }
0xa2: {  	_ =	swait.ge [sflag:s23], $0x1  }
0xa3: {  	[sflag:s23] =	ssyncset.done $0x0  }
0xa4: {  	s25 =	simm.s32 $0x1B8E;
	s24 =	sld [smem:$0x3FFE];
	[sflag:s23] =	ssyncadd.s32 $0xFFFFFFFF  }
0xa5: {  	s26 =	simm.s32 $execute0_lowered;
	[smem:$0x3FD2] =	sst s25  }
0xa6: {  	s4 =	sshll.u32 s26, $0x1;
	_ =	strace $0x80000049;
	[dreg:$0x1] =	wrdreg $0xFFFFFFFF  }
0xa7: {  	s28 =	simm.s32 $_size_execute0_lowered;
	s2 =	sadd.s32 s2, s4;
	[dreg:$0x0] =	wrdreg $0x0  }
0xa8: {  	s4 =	sshll.u32 s28, $0x1;
	[dreg:$0x2] =	wrdreg s2  }
0xa9: {  	[dreg:$0x3] =	wrdreg s4  }
0xaa: {  	[dreg:$0x4] =	wrdreg $0xC0  }
0xab: {  	_ =	task [dreg:s6], $0x5FFFF  }
0xac: {  	[dreg:$0x1] =	wrdreg $0xFFFFFFFF  }
0xad: {  	[dreg:$0x0] =	wrdreg $0x60  }
0xae: {  	[dreg:$0x2] =	wrdreg s24  }
0xaf: {  	[dreg:$0x3] =	wrdreg $0xA8000  }
0xb0: {  	[dreg:$0x4] =	wrdreg $0x9  }
0xb1: {  	_ =	task.clear_ibuf [dreg:s6], $0x5FFFF;
	_ =	strace $0x90000049  }
0xb2: {  	s29 =	simm.s32 $0x9;
	_ =	strace $0x8000004B  }
0xb3: {  	_ =	swait.ge [sflag:s29], $0x1  }
0xb4: {  	[sflag:s29] =	ssyncadd.s32 $0xFFFFFFFF  }
0xb5: {  	_ =	strace $0x9000004B  }
0xb6: {  	_ =	sfence  }
0xb7: {  	s30 =	sld [smem:$0x0];
	_ =	sdelay $0x2  }
0xb8: {  	s31 =	sshll.u32 s1, $0xD;
	s1 =	sshrl.u32 s1, $0x2  }
0xb9: {  	s3 =	sand.u32 $0x4000, s31;
	s1 =	sadd.s32 s1, s30  }
0xba: {  	s0 =	sor.u32 s3, s0;
	s1 =	sshll.u32 s1, $0x11  }
0xbb: {  	s0 =	sor.u32 s1, s0  }
0xbc: {  	s0 =	sadd.s32 $0x8F2B, s0  }
0xbd: {  	[sflag:s0] =	ssyncadd.remote.s32 $0x1  }
0xbe: {  	_ =	sfence.sel $0xFFFF  }
0xbf: {  	[dreg:$0x0] =	wrdreg $0xFFFFFFFF;
	(pc) =	sbr.abs _section_cstart, $3  }
0xc0: {  	[dreg:$0x1] =	wrdreg $0xFFFFFFFF  }
0xc1: {  	_ =	task.clear_ibuf [dreg:s6], $0x2FFFF;
	_ =	strace $0x9FFFFFFF  }
0xc2: {  	(tm) =	ssettm $0x7FFFFFFF  }
0xc3: {  	_ =	shalt  }
tec
execute0_lowered:
.L_overlay_start_1:
0x0: {  	(tag) =	ssettag $0x1  }
0x1: {  	s6 =	rddreg [dreg:$0x0]  }
0x2: {  	s1 =	rddreg [dreg:$0x1];
	s3 =	simm.s32 $0x0;
	s4 =	srdreg.scid  }
0x3: {  	s2 =	stileid.u32;
	s17 =	simm.s32 $0x3;
	s18 =	simm.s32 $0x80  }
0x4: {  	s19 =	simm.s32 $0x2800;
	s20 =	simm.s32 $0x1400;
	s21 =	simm.s32 $0x6800  }
0x5: {  	s22 =	simm.s32 $0x1;
	s23 =	simm.s32 $0x2;
	s24 =	simm.s32 $0x1380  }
0x6: {  	s28 =	simm.s32 $0x2780;
	s29 =	simm.s32 $0x0;
	[smem:$0x7FF] =	sst s3  }
0x7: {  	s7 =	sand.u32 $0x1, s4;
	s5 =	sshll.u32 s2, $0x1;
	s4 =	sadd.s32 $0x6A200, s6  }
0x8: {  	s9 =	smul.u32 $0x14000, s2;
	s10 =	sadd.s32 $0xFA00, s6;
	s11 =	sadd.s32 $0x5A00, s6  }
0x9: {  	s30 =	sshll.u32 s2, $0xE;
	s16 =	smul.u32 $0x50000, s2;
	_ =	strace $0x8000004A  }
0xa: {  	s8 =	smul.u32 $0x140000, s7;
	s5 =	sor.u32 s7, s5;
	s7 =	ssub.s32 $0x2, s7  }
0xb: {  	s12 =	smul.u32 $0x2800, s5;
	s5 =	sadd.s32 $0x19A00, s6;
	s26 =	sshrl.u32 s7, $0x1  }
0xc: {  	s31 =	sshrl.u32 s16, $0x2;
	s8 =	sadd.s32 s9, s8;
	s14 =	ssub.s32 s7, s26  }
0xd: {  	s25 =	sadd.s32 s31, s1;
	s26 =	simm.s32 $0x2700;
	s8 =	sshrl.u32 s8, $0x3  }
0xe: {  	s12 =	sshrl.u32 s12, $0x3;
	s25 =	sshrl.u32 s25, $0x3;
	s13 =	sadd.s32 s8, s6  }
0xf: {  	s6 =	sadd.s32 s10, s12;
	s15 =	sadd.s32 $0x280, s12;
	s7 =	sadd.s32 s11, s12  }
0x10: {  	s8 =	sadd.s32 s30, s1;
	s12 =	smax.u32 s14, $0x1;
	s9 =	sadd.s32 s10, s15  }
0x11: {  	s10 =	sadd.s32 s11, s15;
	s11 =	sadd.s32 $0x92200, s13;
	s13 =	sadd.s32 $0x40000, s8  }
0x12: {  	s14 =	sadd.s32 $0x80000, s8;
	s15 =	sadd.s32 $0xC0000, s8;
	s16 =	sadd.s32 $0x100000, s8  }
.LBB2_1:
0x13: {  	[tilespmem:s3], [sflag:$0x3] =	stream.linear.gather [hbm4b:s6+s3], $0x1400, $0x38;
	[tilespmem:$0x1E800] =	vst v63  }
0x14: {  	_ =	swait.ge [sflag:s17], $0x1400  }
0x15: {  	[sflag:s17] =	ssyncset.done $0x0  }
0x16: {  	[sflag:s17] =	ssyncadd.s32 $0xFFFFEC00  }
0x17: {  	[tilespmem:s19], [sflag:$0x1] =	stream.indirect.gather [hbm4b:s4+s18], $0x80, s3, s18, $0xb8;
	[tilespmem:$0x1E800] =	vst v63  }
0x18: {  	_ = 	snop  }
0x19: {  	[tilespmem:s20], [sflag:$0x3] =	stream.linear.gather [hbm4b:s7+s3], $0x1400, $0x38;
	[tilespmem:$0x1E800] =	vst v63  }
0x1a: {  	_ =	swait.ge [sflag:s17], $0x1400  }
0x1b: {  	[sflag:s17] =	ssyncset.done $0x0  }
0x1c: {  	[sflag:s17] =	ssyncadd.s32 $0xFFFFEC00  }
0x1d: {  	[tilespmem:s21], [sflag:$0x3] =	stream.linear.gather [hbm4b:s5+s3], $0x4000, $0x38;
	[tilespmem:$0x1E800] =	vst v63  }
0x1e: {  	_ =	swait.ge [sflag:s17], $0x4000  }
0x1f: {  	[sflag:s17] =	ssyncset.done $0x0  }
0x20: {  	[sflag:s17] =	ssyncadd.s32 $0xFFFFC000  }
0x21: {  	[spmem:s8] =	stream.linear.scatter [tilespmem:s21], [sflag:$0x3], $0x4000, $0x38;
	[tilespmem:$0x1E800] =	vst v63  }
0x22: {  	_ =	swait.ge [sflag:s17], $0x4000  }
0x23: {  	[sflag:s17] =	ssyncset.done $0x0  }
0x24: {  	[sflag:s17] =	ssyncadd.s32 $0xFFFFC000  }
0x25: {  	[spmem:s13] =	stream.linear.scatter [tilespmem:s21], [sflag:$0x3], $0x4000, $0x38;
	[tilespmem:$0x1E800] =	vst v63  }
0x26: {  	_ =	swait.ge [sflag:s17], $0x4000  }
0x27: {  	[sflag:s17] =	ssyncset.done $0x0  }
0x28: {  	[sflag:s17] =	ssyncadd.s32 $0xFFFFC000  }
0x29: {  	[spmem:s14] =	stream.linear.scatter [tilespmem:s21], [sflag:$0x3], $0x4000, $0x38;
	[tilespmem:$0x1E800] =	vst v63  }
0x2a: {  	_ =	swait.ge [sflag:s17], $0x4000  }
0x2b: {  	[sflag:s17] =	ssyncset.done $0x0  }
0x2c: {  	[sflag:s17] =	ssyncadd.s32 $0xFFFFC000  }
0x2d: {  	[spmem:s15] =	stream.linear.scatter [tilespmem:s21], [sflag:$0x3], $0x4000, $0x38;
	[tilespmem:$0x1E800] =	vst v63  }
0x2e: {  	_ =	swait.ge [sflag:s17], $0x4000  }
0x2f: {  	[sflag:s17] =	ssyncset.done $0x0  }
0x30: {  	[sflag:s17] =	ssyncadd.s32 $0xFFFFC000  }
0x31: {  	[spmem:s16] =	stream.linear.scatter [tilespmem:s21], [sflag:$0x3], $0x4000, $0x38;
	[tilespmem:$0x1E800] =	vst v63  }
0x32: {  	_ =	swait.ge [sflag:s17], $0x4000  }
0x33: {  	[sflag:s17] =	ssyncset.done $0x0  }
0x34: {  	[sflag:s17] =	ssyncadd.s32 $0xFFFFC000  }
0x35: {  	[bflag:$0x0] =	sbarrier.arrive $0xFFFF  }
0x36: {  	_ =	swait.ge [sflag:s22], $0x4000  }
0x37: {  	[sflag:s22] =	ssyncset.done $0x0  }
0x38: {  	s30 =	simm.s32 $0x80;
	[sflag:s22] =	ssyncadd.s32 $0xFFFFC000  }
0x39: {  	[tilespmem:s21], [sflag:$0x2] =	stream.indirect.gather [hbm4b:s4+s18], $0x80, s30, s18, $0xb8;
	[tilespmem:$0x1E800] =	vst v63  }
0x3a: {  	s30 =	simm.s32 $0x1400  }
0x3b: {  	[spmem:s1] =	stream.indirect.scatter.add.f32 [tilespmem:s19], [sflag:$0x3], $0x80, s30, s18, $0xb8;
	[tilespmem:$0x1E800] =	vst v63  }
0x3c: {  	_ =	swait.ge [sflag:s17], $0x4000  }
0x3d: {  	[sflag:s17] =	ssyncset.done $0x0  }
0x3e: {  	[sflag:s17] =	ssyncadd.s32 $0xFFFFC000  }
0x3f: {  	_ =	swait.ge [sflag:s23], $0x4000  }
0x40: {  	[sflag:s23] =	ssyncset.done $0x0  }
0x41: {  	s30 =	simm.s32 $0x100;
	[sflag:s23] =	ssyncadd.s32 $0xFFFFC000  }
0x42: {  	[tilespmem:s19], [sflag:$0x1] =	stream.indirect.gather [hbm4b:s4+s18], $0x80, s30, s18, $0xb8;
	[tilespmem:$0x1E800] =	vst v63  }
0x43: {  	s30 =	simm.s32 $0x1480  }
0x44: {  	[spmem:s1] =	stream.indirect.scatter.add.f32 [tilespmem:s21], [sflag:$0x3], $0x80, s30, s18, $0xb8;
	[tilespmem:$0x1E800] =	vst v63  }
0x45: {  	_ =	swait.ge [sflag:s17], $0x4000  }
0x46: {  	s30 =	simm.s32 $0x400;
	[sflag:s17] =	ssyncset.done $0x0  }
.LBB2_2:
0x47: {  	p0 =	sne.s32 s30, $0x4800  }
0x48: {  	[sflag:s17] =	ssyncadd.s32 $0xFFFFC000;
	s31 =	smov.u32 s30;
	s30 =	sadd.s32 $0x400, s30  }
0x49: {  	_ = 	snop  }
0x4a: {  	_ =	swait.ge [sflag:s22], $0x4000  }
0x4b: {  	s31 =	sshra.s32 s31, $0x2;
	[sflag:s22] =	ssyncset.done $0x0  }
0x4c: {  	s0 =	sadd.s32 $0x80, s31;
	[sflag:s22] =	ssyncadd.s32 $0xFFFFC000  }
0x4d: {  	[tilespmem:s21], [sflag:$0x2] =	stream.indirect.gather [hbm4b:s4+s18], $0x80, s0, s18, $0xb8;
	[tilespmem:$0x1E800] =	vst v63  }
0x4e: {  	s0 =	sadd.s32 $0x1400, s31  }
0x4f: {  	[spmem:s1] =	stream.indirect.scatter.add.f32 [tilespmem:s19], [sflag:$0x3], $0x80, s0, s18, $0xb8;
	[tilespmem:$0x1E800] =	vst v63  }
0x50: {  	_ =	swait.ge [sflag:s17], $0x4000  }
0x51: {  	[sflag:s17] =	ssyncset.done $0x0  }
0x52: {  	[sflag:s17] =	ssyncadd.s32 $0xFFFFC000  }
0x53: {  	_ =	swait.ge [sflag:s23], $0x4000  }
0x54: {  	[sflag:s23] =	ssyncset.done $0x0  }
0x55: {  	s0 =	sadd.s32 $0x100, s31;
	[sflag:s23] =	ssyncadd.s32 $0xFFFFC000  }
0x56: {  	[tilespmem:s19], [sflag:$0x1] =	stream.indirect.gather [hbm4b:s4+s18], $0x80, s0, s18, $0xb8;
	[tilespmem:$0x1E800] =	vst v63  }
.Ltmp0:
0x57: {  	_ = 	snop;
	(pc) =	sbr.rel @p0 .LBB2_2-.Ltmp0, $4  }
0x58: {  	s0 =	sadd.s32 $0x1480, s31  }
0x59: {  	[spmem:s1] =	stream.indirect.scatter.add.f32 [tilespmem:s21], [sflag:$0x3], $0x80, s0, s18, $0xb8;
	[tilespmem:$0x1E800] =	vst v63  }
0x5a: {  	_ =	swait.ge [sflag:s17], $0x4000  }
0x5b: {  	[sflag:s17] =	ssyncset.done $0x0  }
0x5c: {  	[sflag:s17] =	ssyncadd.s32 $0xFFFFC000  }
0x5d: {  	_ =	swait.ge [sflag:s22], $0x4000  }
0x5e: {  	[sflag:s22] =	ssyncset.done $0x0  }
0x5f: {  	[sflag:s22] =	ssyncadd.s32 $0xFFFFC000  }
0x60: {  	[tilespmem:s21], [sflag:$0x2] =	stream.indirect.gather [hbm4b:s4+s18], $0x80, s24, s18, $0xb8;
	[tilespmem:$0x1E800] =	vst v63  }
0x61: {  	_ = 	snop  }
0x62: {  	[spmem:s1] =	stream.indirect.scatter.add.f32 [tilespmem:s19], [sflag:$0x3], $0x80, s26, s18, $0xb8;
	[tilespmem:$0x1E800] =	vst v63  }
0x63: {  	_ =	swait.ge [sflag:s17], $0x4000  }
0x64: {  	[sflag:s17] =	ssyncset.done $0x0  }
0x65: {  	[sflag:s17] =	ssyncadd.s32 $0xFFFFC000  }
0x66: {  	_ =	swait.ge [sflag:s23], $0x4000  }
0x67: {  	[sflag:s23] =	ssyncset.done $0x0  }
0x68: {  	[sflag:s23] =	ssyncadd.s32 $0xFFFFC000  }
0x69: {  	[spmem:s1] =	stream.indirect.scatter.add.f32 [tilespmem:s21], [sflag:$0x3], $0x80, s28, s18, $0xb8;
	[tilespmem:$0x1E800] =	vst v63  }
0x6a: {  	_ =	swait.ge [sflag:s17], $0x4000  }
0x6b: {  	[sflag:s17] =	ssyncset.done $0x0  }
0x6c: {  	s0 =	simm.s32 $0x0;
	[sflag:s17] =	ssyncadd.s32 $0xFFFFC000  }
0x6d: {  	[tilespmem:s0], [sflag:$0x3] =	stream.linear.gather [hbm4b:s9+s0], $0x1400, $0x38;
	[tilespmem:$0x1E800] =	vst v63  }
0x6e: {  	_ =	swait.ge [sflag:s17], $0x1400  }
0x6f: {  	[sflag:s17] =	ssyncset.done $0x0  }
0x70: {  	[sflag:s17] =	ssyncadd.s32 $0xFFFFEC00  }
0x71: {  	[tilespmem:s20], [sflag:$0x3] =	stream.linear.gather [hbm4b:s10+s0], $0x1400, $0x38;
	[tilespmem:$0x1E800] =	vst v63  }
0x72: {  	_ =	swait.ge [sflag:s17], $0x1400  }
0x73: {  	[sflag:s17] =	ssyncset.done $0x0  }
0x74: {  	[sflag:s17] =	ssyncadd.s32 $0xFFFFEC00  }
0x75: {  	[tilespmem:s19], [sflag:$0x1] =	stream.indirect.gather [hbm4b:s4+s18], $0x80, s0, s18, $0xb8;
	[tilespmem:$0x1E800] =	vst v63  }
0x76: {  	_ =	swait.ge [sflag:s22], $0x4000  }
0x77: {  	[sflag:s22] =	ssyncset.done $0x0  }
0x78: {  	s31 =	simm.s32 $0x80;
	[sflag:s22] =	ssyncadd.s32 $0xFFFFC000  }
0x79: {  	[tilespmem:s21], [sflag:$0x2] =	stream.indirect.gather [hbm4b:s4+s18], $0x80, s31, s18, $0xb8;
	[tilespmem:$0x1E800] =	vst v63  }
0x7a: {  	s31 =	simm.s32 $0x1400  }
0x7b: {  	[spmem:s1] =	stream.indirect.scatter.add.f32 [tilespmem:s19], [sflag:$0x3], $0x80, s31, s18, $0xb8;
	[tilespmem:$0x1E800] =	vst v63  }
0x7c: {  	_ =	swait.ge [sflag:s17], $0x4000  }
0x7d: {  	[sflag:s17] =	ssyncset.done $0x0  }
0x7e: {  	[sflag:s17] =	ssyncadd.s32 $0xFFFFC000  }
0x7f: {  	_ =	swait.ge [sflag:s23], $0x4000  }
0x80: {  	[sflag:s23] =	ssyncset.done $0x0  }
0x81: {  	s31 =	simm.s32 $0x100;
	[sflag:s23] =	ssyncadd.s32 $0xFFFFC000  }
0x82: {  	[tilespmem:s19], [sflag:$0x1] =	stream.indirect.gather [hbm4b:s4+s18], $0x80, s31, s18, $0xb8;
	[tilespmem:$0x1E800] =	vst v63  }
0x83: {  	s31 =	simm.s32 $0x1480  }
0x84: {  	[spmem:s1] =	stream.indirect.scatter.add.f32 [tilespmem:s21], [sflag:$0x3], $0x80, s31, s18, $0xb8;
	[tilespmem:$0x1E800] =	vst v63  }
0x85: {  	_ =	swait.ge [sflag:s17], $0x4000  }
0x86: {  	s30 =	simm.s32 $0x400;
	[sflag:s17] =	ssyncset.done $0x0  }
.LBB2_4:
0x87: {  	p0 =	sne.s32 s30, $0x4800  }
0x88: {  	[sflag:s17] =	ssyncadd.s32 $0xFFFFC000;
	s0 =	smov.u32 s30;
	s30 =	sadd.s32 $0x400, s30  }
0x89: {  	_ = 	snop  }
0x8a: {  	_ =	swait.ge [sflag:s22], $0x4000  }
0x8b: {  	s0 =	sshra.s32 s0, $0x2;
	[sflag:s22] =	ssyncset.done $0x0  }
0x8c: {  	s31 =	sadd.s32 $0x80, s0;
	[sflag:s22] =	ssyncadd.s32 $0xFFFFC000  }
0x8d: {  	[tilespmem:s21], [sflag:$0x2] =	stream.indirect.gather [hbm4b:s4+s18], $0x80, s31, s18, $0xb8;
	[tilespmem:$0x1E800] =	vst v63  }
0x8e: {  	s31 =	sadd.s32 $0x1400, s0  }
0x8f: {  	[spmem:s1] =	stream.indirect.scatter.add.f32 [tilespmem:s19], [sflag:$0x3], $0x80, s31, s18, $0xb8;
	[tilespmem:$0x1E800] =	vst v63  }
0x90: {  	_ =	swait.ge [sflag:s17], $0x4000  }
0x91: {  	[sflag:s17] =	ssyncset.done $0x0  }
0x92: {  	[sflag:s17] =	ssyncadd.s32 $0xFFFFC000  }
0x93: {  	_ =	swait.ge [sflag:s23], $0x4000  }
0x94: {  	[sflag:s23] =	ssyncset.done $0x0  }
0x95: {  	s31 =	sadd.s32 $0x100, s0;
	[sflag:s23] =	ssyncadd.s32 $0xFFFFC000  }
0x96: {  	[tilespmem:s19], [sflag:$0x1] =	stream.indirect.gather [hbm4b:s4+s18], $0x80, s31, s18, $0xb8;
	[tilespmem:$0x1E800] =	vst v63  }
.Ltmp1:
0x97: {  	_ = 	snop;
	(pc) =	sbr.rel @p0 .LBB2_4-.Ltmp1, $4  }
0x98: {  	s0 =	sadd.s32 $0x1480, s0  }
0x99: {  	[spmem:s1] =	stream.indirect.scatter.add.f32 [tilespmem:s21], [sflag:$0x3], $0x80, s0, s18, $0xb8;
	[tilespmem:$0x1E800] =	vst v63  }
0x9a: {  	_ =	swait.ge [sflag:s17], $0x4000  }
0x9b: {  	[sflag:s17] =	ssyncset.done $0x0  }
0x9c: {  	[sflag:s17] =	ssyncadd.s32 $0xFFFFC000  }
0x9d: {  	_ =	swait.ge [sflag:s22], $0x4000  }
0x9e: {  	[sflag:s22] =	ssyncset.done $0x0  }
0x9f: {  	[sflag:s22] =	ssyncadd.s32 $0xFFFFC000  }
0xa0: {  	[tilespmem:s21], [sflag:$0x2] =	stream.indirect.gather [hbm4b:s4+s18], $0x80, s24, s18, $0xb8;
	[tilespmem:$0x1E800] =	vst v63  }
0xa1: {  	_ = 	snop  }
0xa2: {  	[spmem:s1] =	stream.indirect.scatter.add.f32 [tilespmem:s19], [sflag:$0x3], $0x80, s26, s18, $0xb8;
	[tilespmem:$0x1E800] =	vst v63  }
0xa3: {  	_ =	swait.ge [sflag:s17], $0x4000  }
0xa4: {  	[sflag:s17] =	ssyncset.done $0x0  }
0xa5: {  	[sflag:s17] =	ssyncadd.s32 $0xFFFFC000  }
0xa6: {  	_ =	swait.ge [sflag:s23], $0x4000  }
0xa7: {  	[sflag:s23] =	ssyncset.done $0x0  }
0xa8: {  	[sflag:s23] =	ssyncadd.s32 $0xFFFFC000  }
0xa9: {  	[spmem:s1] =	stream.indirect.scatter.add.f32 [tilespmem:s21], [sflag:$0x3], $0x80, s28, s18, $0xb8;
	[tilespmem:$0x1E800] =	vst v63  }
0xaa: {  	_ =	swait.ge [sflag:s17], $0x4000  }
0xab: {  	s29 =	sadd.s32 $0x1, s29;
	[sflag:s17] =	ssyncset.done $0x0  }
0xac: {  	s0 =	sshll.u32 s2, $0x6;
	p0 =	sne.s32 s29, s12;
	[sflag:s17] =	ssyncadd.s32 $0xFFFFC000  }
.Ltmp2:
0xad: {  	s0 =	sor.u32 $0x1C03, s0;
	[bflag:$0x0] =	sbarrier.arrive $0xFFFF;
	(pc) =	sbr.rel @p0 .LBB2_1-.Ltmp2, $4  }
0xae: {  	[hbm:s11], [sflag:s0] =	dma.local [spmem:s25], $0x2800  }
0xaf: {  	_ =	swait.ge [sflag:s17], $0x2800  }
0xb0: {  	[sflag:s17] =	ssyncset.done $0x0  }
0xb1: {  	[sflag:s17] =	ssyncadd.s32 $0xFFFFD800  }
0xb2: {  	_ =	sfence.sel $0x180000  }
0xb3: {  	[bflag:$0x0] =	sbarrier.arrive $0xFFFF  }
0xb4: {  	_ =	strace $0x9000004A  }
0xb5: {  	[bflag:$0x2] =	sbarrier.arrive $0xFFFF  }
0xb6: {  	p0 =	sne.s32 s2, $0x0;
	s0 =	rddreg [dreg:$0x2]  }
0xb7: {  	s0 =	sadd.s32 @!p0 $0x100000, s0  }
0xb8: {  	[sflag:s0] =	ssyncadd.tile.s32 @!p0 $0x1;
	_ =	shalt  }
.Lfunc_end2:
_tile_overlayer_lowered:
.L_overlay_start_2:
0xb9: {  	(tag) =	ssettag $0x2  }
0xba: {  	s0 =	rddreg [dreg:$0x0];
	s2 =	stileid.u32  }
0xbb: {  	s1 =	rddreg [dreg:$0x1];
	p0 =	sne.s32 s2, $0x0  }
0xbc: {  	s3 =	rddreg [dreg:$0x2];
	[bflag:$0x3] =	sbarrier.arrive $0xFFFF;
	s2 =	simm.s32 @!p0 $0x1C03  }
0xbd: {  	[timem:s3], [sflag:s2] =	dma.local @!p0 [hbm:s0], s1  }
0xbe: {  	s0 =	simm.s32 @!p0 $0x3  }
0xbf: {  	_ =	swait.ge @!p0 [sflag:s0], s1  }
0xc0: {  	s1 =	ssub.s32 @!p0 $0x0, s1;
	[sflag:s0] =	ssyncset.done @!p0 $0x0  }
0xc1: {  	[sflag:s0] =	ssyncadd.s32 @!p0 s1  }
0xc2: {  	[bflag:$0x3] =	sbarrier.arrive $0xFFFF  }
0xc3: {  	_ =	shalt  }

// kernel: kernel.17.cloned.1.call-start
scs
__scs_entry_jumppad:
0x0: {  	(pc) =	sbr.rel $0x88, $3  }
0x1: {  	(tag) =	ssettag $0x0;
	lr =	simm.s32 $0x1  }
0x2: {  	[smem:$0x3F96] =	sst lr;
	_ =	strace $0xD0000000  }
0x3: {  	_ = 	snop  }
0x4: {  	_ = 	snop  }
0x5: {  	_ = 	snop  }
0x6: {  	_ = 	snop  }
0x7: {  	_ = 	snop  }
__scs_overlays_trampoline_lowered:
0x8: {  	[smem:$0x3FA5] =	sst s0  }
0x9: {  	[smem:$0x3FA6] =	sst s1  }
0xa: {  	[smem:$0x3FA7] =	sst s2  }
0xb: {  	[smem:$0x3FA8] =	sst s3  }
0xc: {  	[smem:$0x3FA9] =	sst s4  }
0xd: {  	[smem:$0x3FAA] =	sst s5  }
0xe: {  	[smem:$0x3FAB] =	sst s6  }
0xf: {  	[smem:$0x3FAC] =	sst s7  }
0x10: {  	[smem:$0x3FAD] =	sst s8  }
0x11: {  	[smem:$0x3FAE] =	sst s9;
	s0 =	simm.s32 @!p0 $0x0  }
0x12: {  	s1 =	sld [smem:$0x3F94];
	s0 =	simm.s32 @p0 $0x1  }
0x13: {  	[smem:$0x3FAF] =	sst s0;
	s0 =	simm.s32 @!p1 $0x0  }
0x14: {  	s2 =	sld [smem:$0x3F93];
	s0 =	simm.s32 @p1 $0x1  }
0x15: {  	[smem:$0x3FB0] =	sst s0;
	s0 =	simm.s32 @!p2 $0x0  }
0x16: {  	s3 =	sld [smem:$0x3FDB];
	s0 =	simm.s32 @p2 $0x1  }
0x17: {  	s4 =	simm.s32 $0x1BF5;
	[smem:$0x3FB2] =	sst s0  }
0x18: {  	s0 =	sld [smem:$0x3F95];
	_ =	swait.ge [sflag:s4], $0x0  }
0x19: {  	s7 =	sld [smem:$0x3F96]  }
0x1a: {  	s8 =	sadd.s32 $0xFFFFE003, lr  }
0x1b: {  	s9 =	sadd.s32 $0xFFFFFEF7, lr;
	s5 =	simm.s32 $0xFFFFFFFF;
	p2 =	slt.u32 s8, $0xFFFFF086  }
0x1c: {  	p1 =	slt.u32 s9, $0xF7A;
	s5 =	simm.s32 @!p2 $0x0  }
0x1d: {  	s5 =	simm.s32 @p1 $0x1;
	p0 =	seq.s32 s7, s2  }
0x1e: {  	s7 =	smul.u32 @!p0 $0xF7A, s2;
	p2 =	seq.s32 @!p0 s5, $0x0  }
0x1f: {  	s9 =	smul.u32 $0xF7A, s1;
	s8 =	simm.s32 @!p0 $0x1BF5;
	p2 =	por !p2, p0  }
0x20: {  	[sflag:s8] =	ssyncset.s32 @!p0 $0xFFFFF086;
	s6 =	sadd.s32 @!p0 s3, s7;
	s7 =	simm.s32 @!p0 $0x108  }
0x21: {  	s3 =	sadd.s32 s3, s9;
	s6 =	sadd.s32 @!p0 $0x88, s6;
	s7 =	simm.s32 @p2 $0x1082  }
0x22: {  	[simem:s7], [sflag:s8] =	dma.local @!p0 [hbm:s6], $0xF7A  }
0x23: {  	s9 =	sor.u32 $0xD0000000, s2;
	s6 =	simm.s32 $0x108;
	_ =	swait.ge @!p0 [sflag:s8], $0x0  }
0x24: {  	s3 =	sadd.s32 $0x88, s3;
	s6 =	simm.s32 @!p1 $0x1082;
	[sflag:s4] =	ssyncset.s32 $0xFFFFF086  }
0x25: {  	[simem:s6], [sflag:s4] =	dma.local [hbm:s3], $0xF7A  }
0x26: {  	[smem:$0x3F96] =	sst s1;
	(tag) =	ssettag s2;
	_ =	strace s9  }
0x27: {  	s1 =	sld [smem:$0x3FA6]  }
0x28: {  	s2 =	sld [smem:$0x3FA7]  }
0x29: {  	s4 =	sld [smem:$0x3FA9]  }
0x2a: {  	p0 =	seq.s32 s5, $0x0;
	s5 =	sld [smem:$0x3FAA]  }
0x2b: {  	s6 =	sld [smem:$0x3FAB]  }
0x2c: {  	s7 =	sld [smem:$0x3FAC]  }
0x2d: {  	s3 =	simm.s32 $0x108;
	s8 =	sld [smem:$0x3FAD]  }
0x2e: {  	s3 =	simm.s32 @!p0 $0x1082;
	s9 =	sld [smem:$0x3FAE]  }
0x2f: {  	lr =	sadd.s32 s0, s3;
	s0 =	sld [smem:$0x3FA5]  }
0x30: {  	s3 =	sld [smem:$0x3FA8]  }
0x31: {  	[smem:$0x3FB1] =	sst s10  }
0x32: {  	s10 =	sld [smem:$0x3FAF];
	_ =	sdelay $0x3  }
0x33: {  	p0 =	seq.s32 s10, $0x1;
	s10 =	sld [smem:$0x3FB1];
	_ =	sdelay $0x3  }
0x34: {  	[smem:$0x3FB1] =	sst s10  }
0x35: {  	s10 =	sld [smem:$0x3FB0];
	_ =	sdelay $0x3  }
0x36: {  	p1 =	seq.s32 s10, $0x1;
	s10 =	sld [smem:$0x3FB1];
	_ =	sdelay $0x3  }
0x37: {  	[smem:$0x3FB1] =	sst s10  }
0x38: {  	s10 =	sld [smem:$0x3FB2]  }
0x39: {  	_ = 	snop;
	(pc) =	sbr.ind lr, $3  }
0x3a: {  	_ = 	snop  }
0x3b: {  	_ = 	snop  }
0x3c: {  	p2 =	seq.s32 s10, $0x1;
	s10 =	sld [smem:$0x3FB1]  }
0x3d: {  	_ =	shalt  }
0x3e: {  	_ =	shalt  }
0x3f: {  	_ =	shalt  }
0x40: {  	_ =	shalt  }
0x41: {  	_ =	shalt  }
0x42: {  	_ =	shalt  }
0x43: {  	_ =	shalt  }
0x44: {  	_ =	shalt  }
0x45: {  	_ =	shalt  }
0x46: {  	_ =	shalt  }
0x47: {  	_ =	shalt  }
0x48: {  	_ =	shalt  }
0x49: {  	_ =	shalt  }
0x4a: {  	_ =	shalt  }
0x4b: {  	_ =	shalt  }
0x4c: {  	_ =	shalt  }
0x4d: {  	_ =	shalt  }
0x4e: {  	_ =	shalt  }
0x4f: {  	_ =	shalt  }
0x50: {  	_ =	shalt  }
0x51: {  	_ =	shalt  }
0x52: {  	_ =	shalt  }
0x53: {  	_ =	shalt  }
0x54: {  	_ =	shalt  }
0x55: {  	_ =	shalt  }
0x56: {  	_ =	shalt  }
0x57: {  	_ =	shalt  }
0x58: {  	_ =	shalt  }
0x59: {  	_ =	shalt  }
0x5a: {  	_ =	shalt  }
0x5b: {  	_ =	shalt  }
0x5c: {  	_ =	shalt  }
0x5d: {  	_ =	shalt  }
0x5e: {  	_ =	shalt  }
0x5f: {  	_ =	shalt  }
0x60: {  	_ =	shalt  }
0x61: {  	_ =	shalt  }
0x62: {  	_ =	shalt  }
0x63: {  	_ =	shalt  }
0x64: {  	_ =	shalt  }
0x65: {  	_ =	shalt  }
0x66: {  	_ =	shalt  }
0x67: {  	_ =	shalt  }
0x68: {  	_ =	shalt  }
0x69: {  	_ =	shalt  }
0x6a: {  	_ =	shalt  }
0x6b: {  	_ =	shalt  }
0x6c: {  	_ =	shalt  }
0x6d: {  	_ =	shalt  }
0x6e: {  	_ =	shalt  }
0x6f: {  	_ =	shalt  }
0x70: {  	_ =	shalt  }
0x71: {  	_ =	shalt  }
0x72: {  	_ =	shalt  }
0x73: {  	_ =	shalt  }
0x74: {  	_ =	shalt  }
0x75: {  	_ =	shalt  }
0x76: {  	_ =	shalt  }
0x77: {  	_ =	shalt  }
0x78: {  	_ =	shalt  }
0x79: {  	_ =	shalt  }
0x7a: {  	_ =	shalt  }
0x7b: {  	_ =	shalt  }
0x7c: {  	_ =	shalt  }
0x7d: {  	_ =	shalt  }
0x7e: {  	_ =	shalt  }
0x7f: {  	_ =	shalt  }
0x80: {  	_ =	shalt  }
0x81: {  	_ =	shalt  }
0x82: {  	_ =	shalt  }
0x83: {  	_ =	shalt  }
0x84: {  	_ =	shalt  }
0x85: {  	_ =	shalt  }
0x86: {  	_ =	shalt  }
0x87: {  	_ =	shalt  }
.Lfunc_end0:
.L_simem_size_0:
called_computation.2_lowered:
.L_overlay_start_0:
0x88: {  	s2 =	sld [smem:$0x3FD9]  }
0x89: {  	s3 =	sld [smem:$0x3FFE];
	_ =	sdelay $0x1  }
0x8a: {  	s1 =	srdreg.scid  }
0x8b: {  	s0 =	sand.u32 $0x1, s1  }
0x8c: {  	s16 =	sshll.u32 s0, $0xA;
	s2 =	sadd.s32 s3, s2  }
0x8d: {  	s2 =	sadd.s32 s2, s16  }
0x8e: {  	[smem:$0x3FBD] =	sst s2  }
0x8f: {  	_ = 	snop  }
0x90: {  	(tm) =	ssettm $0x1  }
0x91: {  	s17 =	sld [smem:$0x3FFB];
	_ =	sdelay $0x3  }
0x92: {  	_ =	strace s17  }
0x93: {  	s2 =	sld [smem:$0x3FFC];
	_ =	sdelay $0x3  }
0x94: {  	_ =	strace s2  }
0x95: {  	s2 =	sld [smem:$0x3FFD];
	_ =	sdelay $0x3  }
0x96: {  	_ =	strace s2  }
0x97: {  	_ =	strace $0x8FFFFFFF  }
0x98: {  	s18 =	sld [smem:$0x3FDB];
	_ =	sdelay $0x1  }
0x99: {  	s19 =	simm.s32 $_scs_section_size  }
0x9a: {  	s4 =	simm.s32 $_size__tile_overlayer_lowered;
	s5 =	simm.s32 $_tile_overlayer_lowered  }
0x9b: {  	s22 =	simm.s32 $0x1BFF;
	s21 =	sshll.u32 s5, $0x1;
	s2 =	sadd.s32 s19, s18  }
0x9c: {  	s6 =	simm.s32 $0x0;
	s20 =	sshll.u32 s4, $0x1;
	s4 =	sadd.s32 s21, s2  }
0x9d: {  	[timem:s6], [sflag:s22] =	dma.local [hbm:s4], s20  }
0x9e: {  	_ =	swait.ge [sflag:s22], s20  }
0x9f: {  	s3 =	ssub.s32 $0x0, s20;
	[sflag:s22] =	ssyncset.done $0x0  }
0xa0: {  	[sflag:s22] =	ssyncadd.s32 s3;
	_ =	sdelay $0x1  }
0xa1: {  	s23 =	simm.s32 $0x1B8B  }
0xa2: {  	_ =	swait.ge [sflag:s23], $0x1  }
0xa3: {  	[sflag:s23] =	ssyncset.done $0x0  }
0xa4: {  	s25 =	simm.s32 $0x1B8E;
	s24 =	sld [smem:$0x3FFE];
	[sflag:s23] =	ssyncadd.s32 $0xFFFFFFFF  }
0xa5: {  	s26 =	simm.s32 $execute0_lowered;
	[smem:$0x3FD2] =	sst s25  }
0xa6: {  	s4 =	sshll.u32 s26, $0x1;
	_ =	strace $0x8000004C;
	[dreg:$0x1] =	wrdreg $0xFFFFFFFF  }
0xa7: {  	s28 =	simm.s32 $_size_execute0_lowered;
	s2 =	sadd.s32 s2, s4;
	[dreg:$0x0] =	wrdreg $0x0  }
0xa8: {  	s4 =	sshll.u32 s28, $0x1;
	[dreg:$0x2] =	wrdreg s2  }
0xa9: {  	[dreg:$0x3] =	wrdreg s4  }
0xaa: {  	[dreg:$0x4] =	wrdreg $0xC0  }
0xab: {  	_ =	task [dreg:s6], $0x5FFFF  }
0xac: {  	[dreg:$0x1] =	wrdreg $0xFFFFFFFF  }
0xad: {  	[dreg:$0x0] =	wrdreg $0x60  }
0xae: {  	[dreg:$0x2] =	wrdreg s24  }
0xaf: {  	[dreg:$0x3] =	wrdreg $0xA8000  }
0xb0: {  	[dreg:$0x4] =	wrdreg $0x9  }
0xb1: {  	_ =	task.clear_ibuf [dreg:s6], $0x5FFFF;
	_ =	strace $0x9000004C  }
0xb2: {  	s29 =	simm.s32 $0x9;
	_ =	strace $0x8000004E  }
0xb3: {  	_ =	swait.ge [sflag:s29], $0x1  }
0xb4: {  	[sflag:s29] =	ssyncadd.s32 $0xFFFFFFFF  }
0xb5: {  	_ =	strace $0x9000004E  }
0xb6: {  	_ =	sfence  }
0xb7: {  	s30 =	sld [smem:$0x0];
	_ =	sdelay $0x2  }
0xb8: {  	s31 =	sshll.u32 s1, $0xD;
	s1 =	sshrl.u32 s1, $0x2  }
0xb9: {  	s3 =	sand.u32 $0x4000, s31;
	s1 =	sadd.s32 s1, s30  }
0xba: {  	s0 =	sor.u32 s3, s0;
	s1 =	sshll.u32 s1, $0x11  }
0xbb: {  	s0 =	sor.u32 s1, s0  }
0xbc: {  	s0 =	sadd.s32 $0x8F2B, s0  }
0xbd: {  	[sflag:s0] =	ssyncadd.remote.s32 $0x1  }
0xbe: {  	_ =	sfence.sel $0xFFFF  }
0xbf: {  	[dreg:$0x0] =	wrdreg $0xFFFFFFFF;
	(pc) =	sbr.abs _section_cstart, $3  }
0xc0: {  	[dreg:$0x1] =	wrdreg $0xFFFFFFFF  }
0xc1: {  	_ =	task.clear_ibuf [dreg:s6], $0x2FFFF;
	_ =	strace $0x9FFFFFFF  }
0xc2: {  	(tm) =	ssettm $0x7FFFFFFF  }
0xc3: {  	_ =	shalt  }
tec
execute0_lowered:
.L_overlay_start_1:
0x0: {  	(tag) =	ssettag $0x1  }
0x1: {  	s6 =	rddreg [dreg:$0x0]  }
0x2: {  	s1 =	rddreg [dreg:$0x1];
	s3 =	simm.s32 $0x0;
	s4 =	srdreg.scid  }
0x3: {  	s2 =	stileid.u32;
	s17 =	simm.s32 $0x3;
	s18 =	simm.s32 $0x80  }
0x4: {  	s19 =	simm.s32 $0x2800;
	s20 =	simm.s32 $0x1400;
	s21 =	simm.s32 $0x6800  }
0x5: {  	s22 =	simm.s32 $0x1;
	s23 =	simm.s32 $0x2;
	s24 =	simm.s32 $0x1380  }
0x6: {  	s28 =	simm.s32 $0x2780;
	s29 =	simm.s32 $0x0;
	[smem:$0x7FF] =	sst s3  }
0x7: {  	s7 =	sand.u32 $0x1, s4;
	s5 =	sshll.u32 s2, $0x1;
	s4 =	sadd.s32 $0x6A200, s6  }
0x8: {  	s9 =	smul.u32 $0x14000, s2;
	s10 =	sadd.s32 $0xFA00, s6;
	s11 =	sadd.s32 $0x5A00, s6  }
0x9: {  	s30 =	sshll.u32 s2, $0xE;
	s16 =	smul.u32 $0x50000, s2;
	_ =	strace $0x8000004D  }
0xa: {  	s8 =	smul.u32 $0x140000, s7;
	s5 =	sor.u32 s7, s5;
	s7 =	ssub.s32 $0x2, s7  }
0xb: {  	s12 =	smul.u32 $0x2800, s5;
	s5 =	sadd.s32 $0x19A00, s6;
	s26 =	sshrl.u32 s7, $0x1  }
0xc: {  	s31 =	sshrl.u32 s16, $0x2;
	s8 =	sadd.s32 s9, s8;
	s14 =	ssub.s32 s7, s26  }
0xd: {  	s25 =	sadd.s32 s31, s1;
	s26 =	simm.s32 $0x2700;
	s8 =	sshrl.u32 s8, $0x3  }
0xe: {  	s12 =	sshrl.u32 s12, $0x3;
	s25 =	sshrl.u32 s25, $0x3;
	s13 =	sadd.s32 s8, s6  }
0xf: {  	s6 =	sadd.s32 s10, s12;
	s15 =	sadd.s32 $0x280, s12;
	s7 =	sadd.s32 s11, s12  }
0x10: {  	s8 =	sadd.s32 s30, s1;
	s12 =	smax.u32 s14, $0x1;
	s9 =	sadd.s32 s10, s15  }
0x11: {  	s10 =	sadd.s32 s11, s15;
	s11 =	sadd.s32 $0xBA200, s13;
	s13 =	sadd.s32 $0x40000, s8  }
0x12: {  	s14 =	sadd.s32 $0x80000, s8;
	s15 =	sadd.s32 $0xC0000, s8;
	s16 =	sadd.s32 $0x100000, s8  }
.LBB2_1:
0x13: {  	[tilespmem:s3], [sflag:$0x3] =	stream.linear.gather [hbm4b:s6+s3], $0x1400, $0x38;
	[tilespmem:$0x1E800] =	vst v63  }
0x14: {  	_ =	swait.ge [sflag:s17], $0x1400  }
0x15: {  	[sflag:s17] =	ssyncset.done $0x0  }
0x16: {  	[sflag:s17] =	ssyncadd.s32 $0xFFFFEC00  }
0x17: {  	[tilespmem:s19], [sflag:$0x1] =	stream.indirect.gather [hbm4b:s4+s18], $0x80, s3, s18, $0xb8;
	[tilespmem:$0x1E800] =	vst v63  }
0x18: {  	_ = 	snop  }
0x19: {  	[tilespmem:s20], [sflag:$0x3] =	stream.linear.gather [hbm4b:s7+s3], $0x1400, $0x38;
	[tilespmem:$0x1E800] =	vst v63  }
0x1a: {  	_ =	swait.ge [sflag:s17], $0x1400  }
0x1b: {  	[sflag:s17] =	ssyncset.done $0x0  }
0x1c: {  	[sflag:s17] =	ssyncadd.s32 $0xFFFFEC00  }
0x1d: {  	[tilespmem:s21], [sflag:$0x3] =	stream.linear.gather [hbm4b:s5+s3], $0x4000, $0x38;
	[tilespmem:$0x1E800] =	vst v63  }
0x1e: {  	_ =	swait.ge [sflag:s17], $0x4000  }
0x1f: {  	[sflag:s17] =	ssyncset.done $0x0  }
0x20: {  	[sflag:s17] =	ssyncadd.s32 $0xFFFFC000  }
0x21: {  	[spmem:s8] =	stream.linear.scatter [tilespmem:s21], [sflag:$0x3], $0x4000, $0x38;
	[tilespmem:$0x1E800] =	vst v63  }
0x22: {  	_ =	swait.ge [sflag:s17], $0x4000  }
0x23: {  	[sflag:s17] =	ssyncset.done $0x0  }
0x24: {  	[sflag:s17] =	ssyncadd.s32 $0xFFFFC000  }
0x25: {  	[spmem:s13] =	stream.linear.scatter [tilespmem:s21], [sflag:$0x3], $0x4000, $0x38;
	[tilespmem:$0x1E800] =	vst v63  }
0x26: {  	_ =	swait.ge [sflag:s17], $0x4000  }
0x27: {  	[sflag:s17] =	ssyncset.done $0x0  }
0x28: {  	[sflag:s17] =	ssyncadd.s32 $0xFFFFC000  }
0x29: {  	[spmem:s14] =	stream.linear.scatter [tilespmem:s21], [sflag:$0x3], $0x4000, $0x38;
	[tilespmem:$0x1E800] =	vst v63  }
0x2a: {  	_ =	swait.ge [sflag:s17], $0x4000  }
0x2b: {  	[sflag:s17] =	ssyncset.done $0x0  }
0x2c: {  	[sflag:s17] =	ssyncadd.s32 $0xFFFFC000  }
0x2d: {  	[spmem:s15] =	stream.linear.scatter [tilespmem:s21], [sflag:$0x3], $0x4000, $0x38;
	[tilespmem:$0x1E800] =	vst v63  }
0x2e: {  	_ =	swait.ge [sflag:s17], $0x4000  }
0x2f: {  	[sflag:s17] =	ssyncset.done $0x0  }
0x30: {  	[sflag:s17] =	ssyncadd.s32 $0xFFFFC000  }
0x31: {  	[spmem:s16] =	stream.linear.scatter [tilespmem:s21], [sflag:$0x3], $0x4000, $0x38;
	[tilespmem:$0x1E800] =	vst v63  }
0x32: {  	_ =	swait.ge [sflag:s17], $0x4000  }
0x33: {  	[sflag:s17] =	ssyncset.done $0x0  }
0x34: {  	[sflag:s17] =	ssyncadd.s32 $0xFFFFC000  }
0x35: {  	[bflag:$0x0] =	sbarrier.arrive $0xFFFF  }
0x36: {  	_ =	swait.ge [sflag:s22], $0x4000  }
0x37: {  	[sflag:s22] =	ssyncset.done $0x0  }
0x38: {  	s30 =	simm.s32 $0x80;
	[sflag:s22] =	ssyncadd.s32 $0xFFFFC000  }
0x39: {  	[tilespmem:s21], [sflag:$0x2] =	stream.indirect.gather [hbm4b:s4+s18], $0x80, s30, s18, $0xb8;
	[tilespmem:$0x1E800] =	vst v63  }
0x3a: {  	s30 =	simm.s32 $0x1400  }
0x3b: {  	[spmem:s1] =	stream.indirect.scatter.add.f32 [tilespmem:s19], [sflag:$0x3], $0x80, s30, s18, $0xb8;
	[tilespmem:$0x1E800] =	vst v63  }
0x3c: {  	_ =	swait.ge [sflag:s17], $0x4000  }
0x3d: {  	[sflag:s17] =	ssyncset.done $0x0  }
0x3e: {  	[sflag:s17] =	ssyncadd.s32 $0xFFFFC000  }
0x3f: {  	_ =	swait.ge [sflag:s23], $0x4000  }
0x40: {  	[sflag:s23] =	ssyncset.done $0x0  }
0x41: {  	s30 =	simm.s32 $0x100;
	[sflag:s23] =	ssyncadd.s32 $0xFFFFC000  }
0x42: {  	[tilespmem:s19], [sflag:$0x1] =	stream.indirect.gather [hbm4b:s4+s18], $0x80, s30, s18, $0xb8;
	[tilespmem:$0x1E800] =	vst v63  }
0x43: {  	s30 =	simm.s32 $0x1480  }
0x44: {  	[spmem:s1] =	stream.indirect.scatter.add.f32 [tilespmem:s21], [sflag:$0x3], $0x80, s30, s18, $0xb8;
	[tilespmem:$0x1E800] =	vst v63  }
0x45: {  	_ =	swait.ge [sflag:s17], $0x4000  }
0x46: {  	s30 =	simm.s32 $0x400;
	[sflag:s17] =	ssyncset.done $0x0  }
.LBB2_2:
0x47: {  	p0 =	sne.s32 s30, $0x4800  }
0x48: {  	[sflag:s17] =	ssyncadd.s32 $0xFFFFC000;
	s31 =	smov.u32 s30;
	s30 =	sadd.s32 $0x400, s30  }
0x49: {  	_ = 	snop  }
0x4a: {  	_ =	swait.ge [sflag:s22], $0x4000  }
0x4b: {  	s31 =	sshra.s32 s31, $0x2;
	[sflag:s22] =	ssyncset.done $0x0  }
0x4c: {  	s0 =	sadd.s32 $0x80, s31;
	[sflag:s22] =	ssyncadd.s32 $0xFFFFC000  }
0x4d: {  	[tilespmem:s21], [sflag:$0x2] =	stream.indirect.gather [hbm4b:s4+s18], $0x80, s0, s18, $0xb8;
	[tilespmem:$0x1E800] =	vst v63  }
0x4e: {  	s0 =	sadd.s32 $0x1400, s31  }
0x4f: {  	[spmem:s1] =	stream.indirect.scatter.add.f32 [tilespmem:s19], [sflag:$0x3], $0x80, s0, s18, $0xb8;
	[tilespmem:$0x1E800] =	vst v63  }
0x50: {  	_ =	swait.ge [sflag:s17], $0x4000  }
0x51: {  	[sflag:s17] =	ssyncset.done $0x0  }
0x52: {  	[sflag:s17] =	ssyncadd.s32 $0xFFFFC000  }
0x53: {  	_ =	swait.ge [sflag:s23], $0x4000  }
0x54: {  	[sflag:s23] =	ssyncset.done $0x0  }
0x55: {  	s0 =	sadd.s32 $0x100, s31;
	[sflag:s23] =	ssyncadd.s32 $0xFFFFC000  }
0x56: {  	[tilespmem:s19], [sflag:$0x1] =	stream.indirect.gather [hbm4b:s4+s18], $0x80, s0, s18, $0xb8;
	[tilespmem:$0x1E800] =	vst v63  }
.Ltmp0:
0x57: {  	_ = 	snop;
	(pc) =	sbr.rel @p0 .LBB2_2-.Ltmp0, $4  }
0x58: {  	s0 =	sadd.s32 $0x1480, s31  }
0x59: {  	[spmem:s1] =	stream.indirect.scatter.add.f32 [tilespmem:s21], [sflag:$0x3], $0x80, s0, s18, $0xb8;
	[tilespmem:$0x1E800] =	vst v63  }
0x5a: {  	_ =	swait.ge [sflag:s17], $0x4000  }
0x5b: {  	[sflag:s17] =	ssyncset.done $0x0  }
0x5c: {  	[sflag:s17] =	ssyncadd.s32 $0xFFFFC000  }
0x5d: {  	_ =	swait.ge [sflag:s22], $0x4000  }
0x5e: {  	[sflag:s22] =	ssyncset.done $0x0  }
0x5f: {  	[sflag:s22] =	ssyncadd.s32 $0xFFFFC000  }
0x60: {  	[tilespmem:s21], [sflag:$0x2] =	stream.indirect.gather [hbm4b:s4+s18], $0x80, s24, s18, $0xb8;
	[tilespmem:$0x1E800] =	vst v63  }
0x61: {  	_ = 	snop  }
0x62: {  	[spmem:s1] =	stream.indirect.scatter.add.f32 [tilespmem:s19], [sflag:$0x3], $0x80, s26, s18, $0xb8;
	[tilespmem:$0x1E800] =	vst v63  }
0x63: {  	_ =	swait.ge [sflag:s17], $0x4000  }
0x64: {  	[sflag:s17] =	ssyncset.done $0x0  }
0x65: {  	[sflag:s17] =	ssyncadd.s32 $0xFFFFC000  }
0x66: {  	_ =	swait.ge [sflag:s23], $0x4000  }
0x67: {  	[sflag:s23] =	ssyncset.done $0x0  }
0x68: {  	[sflag:s23] =	ssyncadd.s32 $0xFFFFC000  }
0x69: {  	[spmem:s1] =	stream.indirect.scatter.add.f32 [tilespmem:s21], [sflag:$0x3], $0x80, s28, s18, $0xb8;
	[tilespmem:$0x1E800] =	vst v63  }
0x6a: {  	_ =	swait.ge [sflag:s17], $0x4000  }
0x6b: {  	[sflag:s17] =	ssyncset.done $0x0  }
0x6c: {  	s0 =	simm.s32 $0x0;
	[sflag:s17] =	ssyncadd.s32 $0xFFFFC000  }
0x6d: {  	[tilespmem:s0], [sflag:$0x3] =	stream.linear.gather [hbm4b:s9+s0], $0x1400, $0x38;
	[tilespmem:$0x1E800] =	vst v63  }
0x6e: {  	_ =	swait.ge [sflag:s17], $0x1400  }
0x6f: {  	[sflag:s17] =	ssyncset.done $0x0  }
0x70: {  	[sflag:s17] =	ssyncadd.s32 $0xFFFFEC00  }
0x71: {  	[tilespmem:s20], [sflag:$0x3] =	stream.linear.gather [hbm4b:s10+s0], $0x1400, $0x38;
	[tilespmem:$0x1E800] =	vst v63  }
0x72: {  	_ =	swait.ge [sflag:s17], $0x1400  }
0x73: {  	[sflag:s17] =	ssyncset.done $0x0  }
0x74: {  	[sflag:s17] =	ssyncadd.s32 $0xFFFFEC00  }
0x75: {  	[tilespmem:s19], [sflag:$0x1] =	stream.indirect.gather [hbm4b:s4+s18], $0x80, s0, s18, $0xb8;
	[tilespmem:$0x1E800] =	vst v63  }
0x76: {  	_ =	swait.ge [sflag:s22], $0x4000  }
0x77: {  	[sflag:s22] =	ssyncset.done $0x0  }
0x78: {  	s31 =	simm.s32 $0x80;
	[sflag:s22] =	ssyncadd.s32 $0xFFFFC000  }
0x79: {  	[tilespmem:s21], [sflag:$0x2] =	stream.indirect.gather [hbm4b:s4+s18], $0x80, s31, s18, $0xb8;
	[tilespmem:$0x1E800] =	vst v63  }
0x7a: {  	s31 =	simm.s32 $0x1400  }
0x7b: {  	[spmem:s1] =	stream.indirect.scatter.add.f32 [tilespmem:s19], [sflag:$0x3], $0x80, s31, s18, $0xb8;
	[tilespmem:$0x1E800] =	vst v63  }
0x7c: {  	_ =	swait.ge [sflag:s17], $0x4000  }
0x7d: {  	[sflag:s17] =	ssyncset.done $0x0  }
0x7e: {  	[sflag:s17] =	ssyncadd.s32 $0xFFFFC000  }
0x7f: {  	_ =	swait.ge [sflag:s23], $0x4000  }
0x80: {  	[sflag:s23] =	ssyncset.done $0x0  }
0x81: {  	s31 =	simm.s32 $0x100;
	[sflag:s23] =	ssyncadd.s32 $0xFFFFC000  }
0x82: {  	[tilespmem:s19], [sflag:$0x1] =	stream.indirect.gather [hbm4b:s4+s18], $0x80, s31, s18, $0xb8;
	[tilespmem:$0x1E800] =	vst v63  }
0x83: {  	s31 =	simm.s32 $0x1480  }
0x84: {  	[spmem:s1] =	stream.indirect.scatter.add.f32 [tilespmem:s21], [sflag:$0x3], $0x80, s31, s18, $0xb8;
	[tilespmem:$0x1E800] =	vst v63  }
0x85: {  	_ =	swait.ge [sflag:s17], $0x4000  }
0x86: {  	s30 =	simm.s32 $0x400;
	[sflag:s17] =	ssyncset.done $0x0  }
.LBB2_4:
0x87: {  	p0 =	sne.s32 s30, $0x4800  }
0x88: {  	[sflag:s17] =	ssyncadd.s32 $0xFFFFC000;
	s0 =	smov.u32 s30;
	s30 =	sadd.s32 $0x400, s30  }
0x89: {  	_ = 	snop  }
0x8a: {  	_ =	swait.ge [sflag:s22], $0x4000  }
0x8b: {  	s0 =	sshra.s32 s0, $0x2;
	[sflag:s22] =	ssyncset.done $0x0  }
0x8c: {  	s31 =	sadd.s32 $0x80, s0;
	[sflag:s22] =	ssyncadd.s32 $0xFFFFC000  }
0x8d: {  	[tilespmem:s21], [sflag:$0x2] =	stream.indirect.gather [hbm4b:s4+s18], $0x80, s31, s18, $0xb8;
	[tilespmem:$0x1E800] =	vst v63  }
0x8e: {  	s31 =	sadd.s32 $0x1400, s0  }
0x8f: {  	[spmem:s1] =	stream.indirect.scatter.add.f32 [tilespmem:s19], [sflag:$0x3], $0x80, s31, s18, $0xb8;
	[tilespmem:$0x1E800] =	vst v63  }
0x90: {  	_ =	swait.ge [sflag:s17], $0x4000  }
0x91: {  	[sflag:s17] =	ssyncset.done $0x0  }
0x92: {  	[sflag:s17] =	ssyncadd.s32 $0xFFFFC000  }
0x93: {  	_ =	swait.ge [sflag:s23], $0x4000  }
0x94: {  	[sflag:s23] =	ssyncset.done $0x0  }
0x95: {  	s31 =	sadd.s32 $0x100, s0;
	[sflag:s23] =	ssyncadd.s32 $0xFFFFC000  }
0x96: {  	[tilespmem:s19], [sflag:$0x1] =	stream.indirect.gather [hbm4b:s4+s18], $0x80, s31, s18, $0xb8;
	[tilespmem:$0x1E800] =	vst v63  }
.Ltmp1:
0x97: {  	_ = 	snop;
	(pc) =	sbr.rel @p0 .LBB2_4-.Ltmp1, $4  }
0x98: {  	s0 =	sadd.s32 $0x1480, s0  }
0x99: {  	[spmem:s1] =	stream.indirect.scatter.add.f32 [tilespmem:s21], [sflag:$0x3], $0x80, s0, s18, $0xb8;
	[tilespmem:$0x1E800] =	vst v63  }
0x9a: {  	_ =	swait.ge [sflag:s17], $0x4000  }
0x9b: {  	[sflag:s17] =	ssyncset.done $0x0  }
0x9c: {  	[sflag:s17] =	ssyncadd.s32 $0xFFFFC000  }
0x9d: {  	_ =	swait.ge [sflag:s22], $0x4000  }
0x9e: {  	[sflag:s22] =	ssyncset.done $0x0  }
0x9f: {  	[sflag:s22] =	ssyncadd.s32 $0xFFFFC000  }
0xa0: {  	[tilespmem:s21], [sflag:$0x2] =	stream.indirect.gather [hbm4b:s4+s18], $0x80, s24, s18, $0xb8;
	[tilespmem:$0x1E800] =	vst v63  }
0xa1: {  	_ = 	snop  }
0xa2: {  	[spmem:s1] =	stream.indirect.scatter.add.f32 [tilespmem:s19], [sflag:$0x3], $0x80, s26, s18, $0xb8;
	[tilespmem:$0x1E800] =	vst v63  }
0xa3: {  	_ =	swait.ge [sflag:s17], $0x4000  }
0xa4: {  	[sflag:s17] =	ssyncset.done $0x0  }
0xa5: {  	[sflag:s17] =	ssyncadd.s32 $0xFFFFC000  }
0xa6: {  	_ =	swait.ge [sflag:s23], $0x4000  }
0xa7: {  	[sflag:s23] =	ssyncset.done $0x0  }
0xa8: {  	[sflag:s23] =	ssyncadd.s32 $0xFFFFC000  }
0xa9: {  	[spmem:s1] =	stream.indirect.scatter.add.f32 [tilespmem:s21], [sflag:$0x3], $0x80, s28, s18, $0xb8;
	[tilespmem:$0x1E800] =	vst v63  }
0xaa: {  	_ =	swait.ge [sflag:s17], $0x4000  }
0xab: {  	s29 =	sadd.s32 $0x1, s29;
	[sflag:s17] =	ssyncset.done $0x0  }
0xac: {  	s0 =	sshll.u32 s2, $0x6;
	p0 =	sne.s32 s29, s12;
	[sflag:s17] =	ssyncadd.s32 $0xFFFFC000  }
.Ltmp2:
0xad: {  	s0 =	sor.u32 $0x1C03, s0;
	[bflag:$0x0] =	sbarrier.arrive $0xFFFF;
	(pc) =	sbr.rel @p0 .LBB2_1-.Ltmp2, $4  }
0xae: {  	[hbm:s11], [sflag:s0] =	dma.local [spmem:s25], $0x2800  }
0xaf: {  	_ =	swait.ge [sflag:s17], $0x2800  }
0xb0: {  	[sflag:s17] =	ssyncset.done $0x0  }
0xb1: {  	[sflag:s17] =	ssyncadd.s32 $0xFFFFD800  }
0xb2: {  	_ =	sfence.sel $0x180000  }
0xb3: {  	[bflag:$0x0] =	sbarrier.arrive $0xFFFF  }
0xb4: {  	_ =	strace $0x9000004D  }
0xb5: {  	[bflag:$0x2] =	sbarrier.arrive $0xFFFF  }
0xb6: {  	p0 =	sne.s32 s2, $0x0;
	s0 =	rddreg [dreg:$0x2]  }
0xb7: {  	s0 =	sadd.s32 @!p0 $0x100000, s0  }
0xb8: {  	[sflag:s0] =	ssyncadd.tile.s32 @!p0 $0x1;
	_ =	shalt  }
.Lfunc_end2:
_tile_overlayer_lowered:
.L_overlay_start_2:
0xb9: {  	(tag) =	ssettag $0x2  }
0xba: {  	s0 =	rddreg [dreg:$0x0];
	s2 =	stileid.u32  }
0xbb: {  	s1 =	rddreg [dreg:$0x1];
	p0 =	sne.s32 s2, $0x0  }
0xbc: {  	s3 =	rddreg [dreg:$0x2];
	[bflag:$0x3] =	sbarrier.arrive $0xFFFF;
	s2 =	simm.s32 @!p0 $0x1C03  }
0xbd: {  	[timem:s3], [sflag:s2] =	dma.local @!p0 [hbm:s0], s1  }
0xbe: {  	s0 =	simm.s32 @!p0 $0x3  }
0xbf: {  	_ =	swait.ge @!p0 [sflag:s0], s1  }
0xc0: {  	s1 =	ssub.s32 @!p0 $0x0, s1;
	[sflag:s0] =	ssyncset.done @!p0 $0x0  }
0xc1: {  	[sflag:s0] =	ssyncadd.s32 @!p0 s1  }
0xc2: {  	[bflag:$0x3] =	sbarrier.arrive $0xFFFF  }
0xc3: {  	_ =	shalt  }

// kernel: kernel.20.cloned.1.call-start
scs
__scs_entry_jumppad:
0x0: {  	(pc) =	sbr.rel $0x88, $3  }
0x1: {  	(tag) =	ssettag $0x0;
	lr =	simm.s32 $0x1  }
0x2: {  	[smem:$0x3F96] =	sst lr;
	_ =	strace $0xD0000000  }
0x3: {  	_ = 	snop  }
0x4: {  	_ = 	snop  }
0x5: {  	_ = 	snop  }
0x6: {  	_ = 	snop  }
0x7: {  	_ = 	snop  }
__scs_overlays_trampoline_lowered:
0x8: {  	[smem:$0x3FA5] =	sst s0  }
0x9: {  	[smem:$0x3FA6] =	sst s1  }
0xa: {  	[smem:$0x3FA7] =	sst s2  }
0xb: {  	[smem:$0x3FA8] =	sst s3  }
0xc: {  	[smem:$0x3FA9] =	sst s4  }
0xd: {  	[smem:$0x3FAA] =	sst s5  }
0xe: {  	[smem:$0x3FAB] =	sst s6  }
0xf: {  	[smem:$0x3FAC] =	sst s7  }
0x10: {  	[smem:$0x3FAD] =	sst s8  }
0x11: {  	[smem:$0x3FAE] =	sst s9;
	s0 =	simm.s32 @!p0 $0x0  }
0x12: {  	s1 =	sld [smem:$0x3F94];
	s0 =	simm.s32 @p0 $0x1  }
0x13: {  	[smem:$0x3FAF] =	sst s0;
	s0 =	simm.s32 @!p1 $0x0  }
0x14: {  	s2 =	sld [smem:$0x3F93];
	s0 =	simm.s32 @p1 $0x1  }
0x15: {  	[smem:$0x3FB0] =	sst s0;
	s0 =	simm.s32 @!p2 $0x0  }
0x16: {  	s3 =	sld [smem:$0x3FDB];
	s0 =	simm.s32 @p2 $0x1  }
0x17: {  	s4 =	simm.s32 $0x1BF5;
	[smem:$0x3FB2] =	sst s0  }
0x18: {  	s0 =	sld [smem:$0x3F95];
	_ =	swait.ge [sflag:s4], $0x0  }
0x19: {  	s7 =	sld [smem:$0x3F96]  }
0x1a: {  	s8 =	sadd.s32 $0xFFFFE003, lr  }
0x1b: {  	s9 =	sadd.s32 $0xFFFFFEF7, lr;
	s5 =	simm.s32 $0xFFFFFFFF;
	p2 =	slt.u32 s8, $0xFFFFF086  }
0x1c: {  	p1 =	slt.u32 s9, $0xF7A;
	s5 =	simm.s32 @!p2 $0x0  }
0x1d: {  	s5 =	simm.s32 @p1 $0x1;
	p0 =	seq.s32 s7, s2  }
0x1e: {  	s7 =	smul.u32 @!p0 $0xF7A, s2;
	p2 =	seq.s32 @!p0 s5, $0x0  }
0x1f: {  	s9 =	smul.u32 $0xF7A, s1;
	s8 =	simm.s32 @!p0 $0x1BF5;
	p2 =	por !p2, p0  }
0x20: {  	[sflag:s8] =	ssyncset.s32 @!p0 $0xFFFFF086;
	s6 =	sadd.s32 @!p0 s3, s7;
	s7 =	simm.s32 @!p0 $0x108  }
0x21: {  	s3 =	sadd.s32 s3, s9;
	s6 =	sadd.s32 @!p0 $0x88, s6;
	s7 =	simm.s32 @p2 $0x1082  }
0x22: {  	[simem:s7], [sflag:s8] =	dma.local @!p0 [hbm:s6], $0xF7A  }
0x23: {  	s9 =	sor.u32 $0xD0000000, s2;
	s6 =	simm.s32 $0x108;
	_ =	swait.ge @!p0 [sflag:s8], $0x0  }
0x24: {  	s3 =	sadd.s32 $0x88, s3;
	s6 =	simm.s32 @!p1 $0x1082;
	[sflag:s4] =	ssyncset.s32 $0xFFFFF086  }
0x25: {  	[simem:s6], [sflag:s4] =	dma.local [hbm:s3], $0xF7A  }
0x26: {  	[smem:$0x3F96] =	sst s1;
	(tag) =	ssettag s2;
	_ =	strace s9  }
0x27: {  	s1 =	sld [smem:$0x3FA6]  }
0x28: {  	s2 =	sld [smem:$0x3FA7]  }
0x29: {  	s4 =	sld [smem:$0x3FA9]  }
0x2a: {  	p0 =	seq.s32 s5, $0x0;
	s5 =	sld [smem:$0x3FAA]  }
0x2b: {  	s6 =	sld [smem:$0x3FAB]  }
0x2c: {  	s7 =	sld [smem:$0x3FAC]  }
0x2d: {  	s3 =	simm.s32 $0x108;
	s8 =	sld [smem:$0x3FAD]  }
0x2e: {  	s3 =	simm.s32 @!p0 $0x1082;
	s9 =	sld [smem:$0x3FAE]  }
0x2f: {  	lr =	sadd.s32 s0, s3;
	s0 =	sld [smem:$0x3FA5]  }
0x30: {  	s3 =	sld [smem:$0x3FA8]  }
0x31: {  	[smem:$0x3FB1] =	sst s10  }
0x32: {  	s10 =	sld [smem:$0x3FAF];
	_ =	sdelay $0x3  }
0x33: {  	p0 =	seq.s32 s10, $0x1;
	s10 =	sld [smem:$0x3FB1];
	_ =	sdelay $0x3  }
0x34: {  	[smem:$0x3FB1] =	sst s10  }
0x35: {  	s10 =	sld [smem:$0x3FB0];
	_ =	sdelay $0x3  }
0x36: {  	p1 =	seq.s32 s10, $0x1;
	s10 =	sld [smem:$0x3FB1];
	_ =	sdelay $0x3  }
0x37: {  	[smem:$0x3FB1] =	sst s10  }
0x38: {  	s10 =	sld [smem:$0x3FB2]  }
0x39: {  	_ = 	snop;
	(pc) =	sbr.ind lr, $3  }
0x3a: {  	_ = 	snop  }
0x3b: {  	_ = 	snop  }
0x3c: {  	p2 =	seq.s32 s10, $0x1;
	s10 =	sld [smem:$0x3FB1]  }
0x3d: {  	_ =	shalt  }
0x3e: {  	_ =	shalt  }
0x3f: {  	_ =	shalt  }
0x40: {  	_ =	shalt  }
0x41: {  	_ =	shalt  }
0x42: {  	_ =	shalt  }
0x43: {  	_ =	shalt  }
0x44: {  	_ =	shalt  }
0x45: {  	_ =	shalt  }
0x46: {  	_ =	shalt  }
0x47: {  	_ =	shalt  }
0x48: {  	_ =	shalt  }
0x49: {  	_ =	shalt  }
0x4a: {  	_ =	shalt  }
0x4b: {  	_ =	shalt  }
0x4c: {  	_ =	shalt  }
0x4d: {  	_ =	shalt  }
0x4e: {  	_ =	shalt  }
0x4f: {  	_ =	shalt  }
0x50: {  	_ =	shalt  }
0x51: {  	_ =	shalt  }
0x52: {  	_ =	shalt  }
0x53: {  	_ =	shalt  }
0x54: {  	_ =	shalt  }
0x55: {  	_ =	shalt  }
0x56: {  	_ =	shalt  }
0x57: {  	_ =	shalt  }
0x58: {  	_ =	shalt  }
0x59: {  	_ =	shalt  }
0x5a: {  	_ =	shalt  }
0x5b: {  	_ =	shalt  }
0x5c: {  	_ =	shalt  }
0x5d: {  	_ =	shalt  }
0x5e: {  	_ =	shalt  }
0x5f: {  	_ =	shalt  }
0x60: {  	_ =	shalt  }
0x61: {  	_ =	shalt  }
0x62: {  	_ =	shalt  }
0x63: {  	_ =	shalt  }
0x64: {  	_ =	shalt  }
0x65: {  	_ =	shalt  }
0x66: {  	_ =	shalt  }
0x67: {  	_ =	shalt  }
0x68: {  	_ =	shalt  }
0x69: {  	_ =	shalt  }
0x6a: {  	_ =	shalt  }
0x6b: {  	_ =	shalt  }
0x6c: {  	_ =	shalt  }
0x6d: {  	_ =	shalt  }
0x6e: {  	_ =	shalt  }
0x6f: {  	_ =	shalt  }
0x70: {  	_ =	shalt  }
0x71: {  	_ =	shalt  }
0x72: {  	_ =	shalt  }
0x73: {  	_ =	shalt  }
0x74: {  	_ =	shalt  }
0x75: {  	_ =	shalt  }
0x76: {  	_ =	shalt  }
0x77: {  	_ =	shalt  }
0x78: {  	_ =	shalt  }
0x79: {  	_ =	shalt  }
0x7a: {  	_ =	shalt  }
0x7b: {  	_ =	shalt  }
0x7c: {  	_ =	shalt  }
0x7d: {  	_ =	shalt  }
0x7e: {  	_ =	shalt  }
0x7f: {  	_ =	shalt  }
0x80: {  	_ =	shalt  }
0x81: {  	_ =	shalt  }
0x82: {  	_ =	shalt  }
0x83: {  	_ =	shalt  }
0x84: {  	_ =	shalt  }
0x85: {  	_ =	shalt  }
0x86: {  	_ =	shalt  }
0x87: {  	_ =	shalt  }
.Lfunc_end0:
.L_simem_size_0:
called_computation.3_lowered:
.L_overlay_start_0:
0x88: {  	s2 =	sld [smem:$0x3FD9]  }
0x89: {  	s3 =	sld [smem:$0x3FFE];
	_ =	sdelay $0x1  }
0x8a: {  	s1 =	srdreg.scid  }
0x8b: {  	s0 =	sand.u32 $0x1, s1  }
0x8c: {  	s16 =	sshll.u32 s0, $0xA;
	s2 =	sadd.s32 s3, s2  }
0x8d: {  	s2 =	sadd.s32 s2, s16  }
0x8e: {  	[smem:$0x3FBD] =	sst s2  }
0x8f: {  	_ = 	snop  }
0x90: {  	(tm) =	ssettm $0x1  }
0x91: {  	s17 =	sld [smem:$0x3FFB];
	_ =	sdelay $0x3  }
0x92: {  	_ =	strace s17  }
0x93: {  	s2 =	sld [smem:$0x3FFC];
	_ =	sdelay $0x3  }
0x94: {  	_ =	strace s2  }
0x95: {  	s2 =	sld [smem:$0x3FFD];
	_ =	sdelay $0x3  }
0x96: {  	_ =	strace s2  }
0x97: {  	_ =	strace $0x8FFFFFFF  }
0x98: {  	s18 =	sld [smem:$0x3FDB];
	_ =	sdelay $0x1  }
0x99: {  	s19 =	simm.s32 $_scs_section_size  }
0x9a: {  	s4 =	simm.s32 $_size__tile_overlayer_lowered;
	s5 =	simm.s32 $_tile_overlayer_lowered  }
0x9b: {  	s22 =	simm.s32 $0x1BFF;
	s21 =	sshll.u32 s5, $0x1;
	s2 =	sadd.s32 s19, s18  }
0x9c: {  	s6 =	simm.s32 $0x0;
	s20 =	sshll.u32 s4, $0x1;
	s4 =	sadd.s32 s21, s2  }
0x9d: {  	[timem:s6], [sflag:s22] =	dma.local [hbm:s4], s20  }
0x9e: {  	_ =	swait.ge [sflag:s22], s20  }
0x9f: {  	s3 =	ssub.s32 $0x0, s20;
	[sflag:s22] =	ssyncset.done $0x0  }
0xa0: {  	[sflag:s22] =	ssyncadd.s32 s3;
	_ =	sdelay $0x1  }
0xa1: {  	s23 =	simm.s32 $0x1B8B  }
0xa2: {  	_ =	swait.ge [sflag:s23], $0x1  }
0xa3: {  	[sflag:s23] =	ssyncset.done $0x0  }
0xa4: {  	s25 =	simm.s32 $0x1B8E;
	s24 =	sld [smem:$0x3FFE];
	[sflag:s23] =	ssyncadd.s32 $0xFFFFFFFF  }
0xa5: {  	s26 =	simm.s32 $execute0_lowered;
	[smem:$0x3FD2] =	sst s25  }
0xa6: {  	s4 =	sshll.u32 s26, $0x1;
	_ =	strace $0x8000004F;
	[dreg:$0x1] =	wrdreg $0xFFFFFFFF  }
0xa7: {  	s28 =	simm.s32 $_size_execute0_lowered;
	s2 =	sadd.s32 s2, s4;
	[dreg:$0x0] =	wrdreg $0x0  }
0xa8: {  	s4 =	sshll.u32 s28, $0x1;
	[dreg:$0x2] =	wrdreg s2  }
0xa9: {  	[dreg:$0x3] =	wrdreg s4  }
0xaa: {  	[dreg:$0x4] =	wrdreg $0xC0  }
0xab: {  	_ =	task [dreg:s6], $0x5FFFF  }
0xac: {  	[dreg:$0x1] =	wrdreg $0xFFFFFFFF  }
0xad: {  	[dreg:$0x0] =	wrdreg $0x60  }
0xae: {  	[dreg:$0x2] =	wrdreg s24  }
0xaf: {  	[dreg:$0x3] =	wrdreg $0xA8000  }
0xb0: {  	[dreg:$0x4] =	wrdreg $0x9  }
0xb1: {  	_ =	task.clear_ibuf [dreg:s6], $0x5FFFF;
	_ =	strace $0x9000004F  }
0xb2: {  	s29 =	simm.s32 $0x9;
	_ =	strace $0x80000051  }
0xb3: {  	_ =	swait.ge [sflag:s29], $0x1  }
0xb4: {  	[sflag:s29] =	ssyncadd.s32 $0xFFFFFFFF  }
0xb5: {  	_ =	strace $0x90000051  }
0xb6: {  	_ =	sfence  }
0xb7: {  	s30 =	sld [smem:$0x0];
	_ =	sdelay $0x2  }
0xb8: {  	s31 =	sshll.u32 s1, $0xD;
	s1 =	sshrl.u32 s1, $0x2  }
0xb9: {  	s3 =	sand.u32 $0x4000, s31;
	s1 =	sadd.s32 s1, s30  }
0xba: {  	s0 =	sor.u32 s3, s0;
	s1 =	sshll.u32 s1, $0x11  }
0xbb: {  	s0 =	sor.u32 s1, s0  }
0xbc: {  	s0 =	sadd.s32 $0x8F2B, s0  }
0xbd: {  	[sflag:s0] =	ssyncadd.remote.s32 $0x1  }
0xbe: {  	_ =	sfence.sel $0xFFFF  }
0xbf: {  	[dreg:$0x0] =	wrdreg $0xFFFFFFFF;
	(pc) =	sbr.abs _section_cstart, $3  }
0xc0: {  	[dreg:$0x1] =	wrdreg $0xFFFFFFFF  }
0xc1: {  	_ =	task.clear_ibuf [dreg:s6], $0x2FFFF;
	_ =	strace $0x9FFFFFFF  }
0xc2: {  	(tm) =	ssettm $0x7FFFFFFF  }
0xc3: {  	_ =	shalt  }
tec
execute0_lowered:
.L_overlay_start_1:
0x0: {  	(tag) =	ssettag $0x1  }
0x1: {  	s6 =	rddreg [dreg:$0x0]  }
0x2: {  	s1 =	rddreg [dreg:$0x1];
	s3 =	simm.s32 $0x0;
	s4 =	srdreg.scid  }
0x3: {  	s2 =	stileid.u32;
	s17 =	simm.s32 $0x3;
	s18 =	simm.s32 $0x80  }
0x4: {  	s19 =	simm.s32 $0x2800;
	s20 =	simm.s32 $0x1400;
	s21 =	simm.s32 $0x6800  }
0x5: {  	s22 =	simm.s32 $0x1;
	s23 =	simm.s32 $0x2;
	s24 =	simm.s32 $0x1380  }
0x6: {  	s28 =	simm.s32 $0x2780;
	s29 =	simm.s32 $0x0;
	[smem:$0x7FF] =	sst s3  }
0x7: {  	s7 =	sand.u32 $0x1, s4;
	s5 =	sshll.u32 s2, $0x1;
	s4 =	sadd.s32 $0x6A200, s6  }
0x8: {  	s9 =	smul.u32 $0x14000, s2;
	s10 =	sadd.s32 $0xFA00, s6;
	s11 =	sadd.s32 $0x5A00, s6  }
0x9: {  	s30 =	sshll.u32 s2, $0xE;
	s16 =	smul.u32 $0x50000, s2;
	_ =	strace $0x80000050  }
0xa: {  	s8 =	smul.u32 $0x140000, s7;
	s5 =	sor.u32 s7, s5;
	s7 =	ssub.s32 $0x2, s7  }
0xb: {  	s12 =	smul.u32 $0x2800, s5;
	s5 =	sadd.s32 $0x19A00, s6;
	s26 =	sshrl.u32 s7, $0x1  }
0xc: {  	s31 =	sshrl.u32 s16, $0x2;
	s8 =	sadd.s32 s9, s8;
	s14 =	ssub.s32 s7, s26  }
0xd: {  	s25 =	sadd.s32 s31, s1;
	s26 =	simm.s32 $0x2700;
	s8 =	sshrl.u32 s8, $0x3  }
0xe: {  	s12 =	sshrl.u32 s12, $0x3;
	s25 =	sshrl.u32 s25, $0x3;
	s13 =	sadd.s32 s8, s6  }
0xf: {  	s6 =	sadd.s32 s10, s12;
	s15 =	sadd.s32 $0x280, s12;
	s7 =	sadd.s32 s11, s12  }
0x10: {  	s8 =	sadd.s32 s30, s1;
	s12 =	smax.u32 s14, $0x1;
	s9 =	sadd.s32 s10, s15  }
0x11: {  	s10 =	sadd.s32 s11, s15;
	s11 =	sadd.s32 $0x92200, s13;
	s13 =	sadd.s32 $0x40000, s8  }
0x12: {  	s14 =	sadd.s32 $0x80000, s8;
	s15 =	sadd.s32 $0xC0000, s8;
	s16 =	sadd.s32 $0x100000, s8  }
.LBB2_1:
0x13: {  	[tilespmem:s3], [sflag:$0x3] =	stream.linear.gather [hbm4b:s6+s3], $0x1400, $0x38;
	[tilespmem:$0x1E800] =	vst v63  }
0x14: {  	_ =	swait.ge [sflag:s17], $0x1400  }
0x15: {  	[sflag:s17] =	ssyncset.done $0x0  }
0x16: {  	[sflag:s17] =	ssyncadd.s32 $0xFFFFEC00  }
0x17: {  	[tilespmem:s19], [sflag:$0x1] =	stream.indirect.gather [hbm4b:s4+s18], $0x80, s3, s18, $0xb8;
	[tilespmem:$0x1E800] =	vst v63  }
0x18: {  	_ = 	snop  }
0x19: {  	[tilespmem:s20], [sflag:$0x3] =	stream.linear.gather [hbm4b:s7+s3], $0x1400, $0x38;
	[tilespmem:$0x1E800] =	vst v63  }
0x1a: {  	_ =	swait.ge [sflag:s17], $0x1400  }
0x1b: {  	[sflag:s17] =	ssyncset.done $0x0  }
0x1c: {  	[sflag:s17] =	ssyncadd.s32 $0xFFFFEC00  }
0x1d: {  	[tilespmem:s21], [sflag:$0x3] =	stream.linear.gather [hbm4b:s5+s3], $0x4000, $0x38;
	[tilespmem:$0x1E800] =	vst v63  }
0x1e: {  	_ =	swait.ge [sflag:s17], $0x4000  }
0x1f: {  	[sflag:s17] =	ssyncset.done $0x0  }
0x20: {  	[sflag:s17] =	ssyncadd.s32 $0xFFFFC000  }
0x21: {  	[spmem:s8] =	stream.linear.scatter [tilespmem:s21], [sflag:$0x3], $0x4000, $0x38;
	[tilespmem:$0x1E800] =	vst v63  }
0x22: {  	_ =	swait.ge [sflag:s17], $0x4000  }
0x23: {  	[sflag:s17] =	ssyncset.done $0x0  }
0x24: {  	[sflag:s17] =	ssyncadd.s32 $0xFFFFC000  }
0x25: {  	[spmem:s13] =	stream.linear.scatter [tilespmem:s21], [sflag:$0x3], $0x4000, $0x38;
	[tilespmem:$0x1E800] =	vst v63  }
0x26: {  	_ =	swait.ge [sflag:s17], $0x4000  }
0x27: {  	[sflag:s17] =	ssyncset.done $0x0  }
0x28: {  	[sflag:s17] =	ssyncadd.s32 $0xFFFFC000  }
0x29: {  	[spmem:s14] =	stream.linear.scatter [tilespmem:s21], [sflag:$0x3], $0x4000, $0x38;
	[tilespmem:$0x1E800] =	vst v63  }
0x2a: {  	_ =	swait.ge [sflag:s17], $0x4000  }
0x2b: {  	[sflag:s17] =	ssyncset.done $0x0  }
0x2c: {  	[sflag:s17] =	ssyncadd.s32 $0xFFFFC000  }
0x2d: {  	[spmem:s15] =	stream.linear.scatter [tilespmem:s21], [sflag:$0x3], $0x4000, $0x38;
	[tilespmem:$0x1E800] =	vst v63  }
0x2e: {  	_ =	swait.ge [sflag:s17], $0x4000  }
0x2f: {  	[sflag:s17] =	ssyncset.done $0x0  }
0x30: {  	[sflag:s17] =	ssyncadd.s32 $0xFFFFC000  }
0x31: {  	[spmem:s16] =	stream.linear.scatter [tilespmem:s21], [sflag:$0x3], $0x4000, $0x38;
	[tilespmem:$0x1E800] =	vst v63  }
0x32: {  	_ =	swait.ge [sflag:s17], $0x4000  }
0x33: {  	[sflag:s17] =	ssyncset.done $0x0  }
0x34: {  	[sflag:s17] =	ssyncadd.s32 $0xFFFFC000  }
0x35: {  	[bflag:$0x0] =	sbarrier.arrive $0xFFFF  }
0x36: {  	_ =	swait.ge [sflag:s22], $0x4000  }
0x37: {  	[sflag:s22] =	ssyncset.done $0x0  }
0x38: {  	s30 =	simm.s32 $0x80;
	[sflag:s22] =	ssyncadd.s32 $0xFFFFC000  }
0x39: {  	[tilespmem:s21], [sflag:$0x2] =	stream.indirect.gather [hbm4b:s4+s18], $0x80, s30, s18, $0xb8;
	[tilespmem:$0x1E800] =	vst v63  }
0x3a: {  	s30 =	simm.s32 $0x1400  }
0x3b: {  	[spmem:s1] =	stream.indirect.scatter.add.f32 [tilespmem:s19], [sflag:$0x3], $0x80, s30, s18, $0xb8;
	[tilespmem:$0x1E800] =	vst v63  }
0x3c: {  	_ =	swait.ge [sflag:s17], $0x4000  }
0x3d: {  	[sflag:s17] =	ssyncset.done $0x0  }
0x3e: {  	[sflag:s17] =	ssyncadd.s32 $0xFFFFC000  }
0x3f: {  	_ =	swait.ge [sflag:s23], $0x4000  }
0x40: {  	[sflag:s23] =	ssyncset.done $0x0  }
0x41: {  	s30 =	simm.s32 $0x100;
	[sflag:s23] =	ssyncadd.s32 $0xFFFFC000  }
0x42: {  	[tilespmem:s19], [sflag:$0x1] =	stream.indirect.gather [hbm4b:s4+s18], $0x80, s30, s18, $0xb8;
	[tilespmem:$0x1E800] =	vst v63  }
0x43: {  	s30 =	simm.s32 $0x1480  }
0x44: {  	[spmem:s1] =	stream.indirect.scatter.add.f32 [tilespmem:s21], [sflag:$0x3], $0x80, s30, s18, $0xb8;
	[tilespmem:$0x1E800] =	vst v63  }
0x45: {  	_ =	swait.ge [sflag:s17], $0x4000  }
0x46: {  	s30 =	simm.s32 $0x400;
	[sflag:s17] =	ssyncset.done $0x0  }
.LBB2_2:
0x47: {  	p0 =	sne.s32 s30, $0x4800  }
0x48: {  	[sflag:s17] =	ssyncadd.s32 $0xFFFFC000;
	s31 =	smov.u32 s30;
	s30 =	sadd.s32 $0x400, s30  }
0x49: {  	_ = 	snop  }
0x4a: {  	_ =	swait.ge [sflag:s22], $0x4000  }
0x4b: {  	s31 =	sshra.s32 s31, $0x2;
	[sflag:s22] =	ssyncset.done $0x0  }
0x4c: {  	s0 =	sadd.s32 $0x80, s31;
	[sflag:s22] =	ssyncadd.s32 $0xFFFFC000  }
0x4d: {  	[tilespmem:s21], [sflag:$0x2] =	stream.indirect.gather [hbm4b:s4+s18], $0x80, s0, s18, $0xb8;
	[tilespmem:$0x1E800] =	vst v63  }
0x4e: {  	s0 =	sadd.s32 $0x1400, s31  }
0x4f: {  	[spmem:s1] =	stream.indirect.scatter.add.f32 [tilespmem:s19], [sflag:$0x3], $0x80, s0, s18, $0xb8;
	[tilespmem:$0x1E800] =	vst v63  }
0x50: {  	_ =	swait.ge [sflag:s17], $0x4000  }
0x51: {  	[sflag:s17] =	ssyncset.done $0x0  }
0x52: {  	[sflag:s17] =	ssyncadd.s32 $0xFFFFC000  }
0x53: {  	_ =	swait.ge [sflag:s23], $0x4000  }
0x54: {  	[sflag:s23] =	ssyncset.done $0x0  }
0x55: {  	s0 =	sadd.s32 $0x100, s31;
	[sflag:s23] =	ssyncadd.s32 $0xFFFFC000  }
0x56: {  	[tilespmem:s19], [sflag:$0x1] =	stream.indirect.gather [hbm4b:s4+s18], $0x80, s0, s18, $0xb8;
	[tilespmem:$0x1E800] =	vst v63  }
.Ltmp0:
0x57: {  	_ = 	snop;
	(pc) =	sbr.rel @p0 .LBB2_2-.Ltmp0, $4  }
0x58: {  	s0 =	sadd.s32 $0x1480, s31  }
0x59: {  	[spmem:s1] =	stream.indirect.scatter.add.f32 [tilespmem:s21], [sflag:$0x3], $0x80, s0, s18, $0xb8;
	[tilespmem:$0x1E800] =	vst v63  }
0x5a: {  	_ =	swait.ge [sflag:s17], $0x4000  }
0x5b: {  	[sflag:s17] =	ssyncset.done $0x0  }
0x5c: {  	[sflag:s17] =	ssyncadd.s32 $0xFFFFC000  }
0x5d: {  	_ =	swait.ge [sflag:s22], $0x4000  }
0x5e: {  	[sflag:s22] =	ssyncset.done $0x0  }
0x5f: {  	[sflag:s22] =	ssyncadd.s32 $0xFFFFC000  }
0x60: {  	[tilespmem:s21], [sflag:$0x2] =	stream.indirect.gather [hbm4b:s4+s18], $0x80, s24, s18, $0xb8;
	[tilespmem:$0x1E800] =	vst v63  }
0x61: {  	_ = 	snop  }
0x62: {  	[spmem:s1] =	stream.indirect.scatter.add.f32 [tilespmem:s19], [sflag:$0x3], $0x80, s26, s18, $0xb8;
	[tilespmem:$0x1E800] =	vst v63  }
0x63: {  	_ =	swait.ge [sflag:s17], $0x4000  }
0x64: {  	[sflag:s17] =	ssyncset.done $0x0  }
0x65: {  	[sflag:s17] =	ssyncadd.s32 $0xFFFFC000  }
0x66: {  	_ =	swait.ge [sflag:s23], $0x4000  }
0x67: {  	[sflag:s23] =	ssyncset.done $0x0  }
0x68: {  	[sflag:s23] =	ssyncadd.s32 $0xFFFFC000  }
0x69: {  	[spmem:s1] =	stream.indirect.scatter.add.f32 [tilespmem:s21], [sflag:$0x3], $0x80, s28, s18, $0xb8;
	[tilespmem:$0x1E800] =	vst v63  }
0x6a: {  	_ =	swait.ge [sflag:s17], $0x4000  }
0x6b: {  	[sflag:s17] =	ssyncset.done $0x0  }
0x6c: {  	s0 =	simm.s32 $0x0;
	[sflag:s17] =	ssyncadd.s32 $0xFFFFC000  }
0x6d: {  	[tilespmem:s0], [sflag:$0x3] =	stream.linear.gather [hbm4b:s9+s0], $0x1400, $0x38;
	[tilespmem:$0x1E800] =	vst v63  }
0x6e: {  	_ =	swait.ge [sflag:s17], $0x1400  }
0x6f: {  	[sflag:s17] =	ssyncset.done $0x0  }
0x70: {  	[sflag:s17] =	ssyncadd.s32 $0xFFFFEC00  }
0x71: {  	[tilespmem:s20], [sflag:$0x3] =	stream.linear.gather [hbm4b:s10+s0], $0x1400, $0x38;
	[tilespmem:$0x1E800] =	vst v63  }
0x72: {  	_ =	swait.ge [sflag:s17], $0x1400  }
0x73: {  	[sflag:s17] =	ssyncset.done $0x0  }
0x74: {  	[sflag:s17] =	ssyncadd.s32 $0xFFFFEC00  }
0x75: {  	[tilespmem:s19], [sflag:$0x1] =	stream.indirect.gather [hbm4b:s4+s18], $0x80, s0, s18, $0xb8;
	[tilespmem:$0x1E800] =	vst v63  }
0x76: {  	_ =	swait.ge [sflag:s22], $0x4000  }
0x77: {  	[sflag:s22] =	ssyncset.done $0x0  }
0x78: {  	s31 =	simm.s32 $0x80;
	[sflag:s22] =	ssyncadd.s32 $0xFFFFC000  }
0x79: {  	[tilespmem:s21], [sflag:$0x2] =	stream.indirect.gather [hbm4b:s4+s18], $0x80, s31, s18, $0xb8;
	[tilespmem:$0x1E800] =	vst v63  }
0x7a: {  	s31 =	simm.s32 $0x1400  }
0x7b: {  	[spmem:s1] =	stream.indirect.scatter.add.f32 [tilespmem:s19], [sflag:$0x3], $0x80, s31, s18, $0xb8;
	[tilespmem:$0x1E800] =	vst v63  }
0x7c: {  	_ =	swait.ge [sflag:s17], $0x4000  }
0x7d: {  	[sflag:s17] =	ssyncset.done $0x0  }
0x7e: {  	[sflag:s17] =	ssyncadd.s32 $0xFFFFC000  }
0x7f: {  	_ =	swait.ge [sflag:s23], $0x4000  }
0x80: {  	[sflag:s23] =	ssyncset.done $0x0  }
0x81: {  	s31 =	simm.s32 $0x100;
	[sflag:s23] =	ssyncadd.s32 $0xFFFFC000  }
0x82: {  	[tilespmem:s19], [sflag:$0x1] =	stream.indirect.gather [hbm4b:s4+s18], $0x80, s31, s18, $0xb8;
	[tilespmem:$0x1E800] =	vst v63  }
0x83: {  	s31 =	simm.s32 $0x1480  }
0x84: {  	[spmem:s1] =	stream.indirect.scatter.add.f32 [tilespmem:s21], [sflag:$0x3], $0x80, s31, s18, $0xb8;
	[tilespmem:$0x1E800] =	vst v63  }
0x85: {  	_ =	swait.ge [sflag:s17], $0x4000  }
0x86: {  	s30 =	simm.s32 $0x400;
	[sflag:s17] =	ssyncset.done $0x0  }
.LBB2_4:
0x87: {  	p0 =	sne.s32 s30, $0x4800  }
0x88: {  	[sflag:s17] =	ssyncadd.s32 $0xFFFFC000;
	s0 =	smov.u32 s30;
	s30 =	sadd.s32 $0x400, s30  }
0x89: {  	_ = 	snop  }
0x8a: {  	_ =	swait.ge [sflag:s22], $0x4000  }
0x8b: {  	s0 =	sshra.s32 s0, $0x2;
	[sflag:s22] =	ssyncset.done $0x0  }
0x8c: {  	s31 =	sadd.s32 $0x80, s0;
	[sflag:s22] =	ssyncadd.s32 $0xFFFFC000  }
0x8d: {  	[tilespmem:s21], [sflag:$0x2] =	stream.indirect.gather [hbm4b:s4+s18], $0x80, s31, s18, $0xb8;
	[tilespmem:$0x1E800] =	vst v63  }
0x8e: {  	s31 =	sadd.s32 $0x1400, s0  }
0x8f: {  	[spmem:s1] =	stream.indirect.scatter.add.f32 [tilespmem:s19], [sflag:$0x3], $0x80, s31, s18, $0xb8;
	[tilespmem:$0x1E800] =	vst v63  }
0x90: {  	_ =	swait.ge [sflag:s17], $0x4000  }
0x91: {  	[sflag:s17] =	ssyncset.done $0x0  }
0x92: {  	[sflag:s17] =	ssyncadd.s32 $0xFFFFC000  }
0x93: {  	_ =	swait.ge [sflag:s23], $0x4000  }
0x94: {  	[sflag:s23] =	ssyncset.done $0x0  }
0x95: {  	s31 =	sadd.s32 $0x100, s0;
	[sflag:s23] =	ssyncadd.s32 $0xFFFFC000  }
0x96: {  	[tilespmem:s19], [sflag:$0x1] =	stream.indirect.gather [hbm4b:s4+s18], $0x80, s31, s18, $0xb8;
	[tilespmem:$0x1E800] =	vst v63  }
.Ltmp1:
0x97: {  	_ = 	snop;
	(pc) =	sbr.rel @p0 .LBB2_4-.Ltmp1, $4  }
0x98: {  	s0 =	sadd.s32 $0x1480, s0  }
0x99: {  	[spmem:s1] =	stream.indirect.scatter.add.f32 [tilespmem:s21], [sflag:$0x3], $0x80, s0, s18, $0xb8;
	[tilespmem:$0x1E800] =	vst v63  }
0x9a: {  	_ =	swait.ge [sflag:s17], $0x4000  }
0x9b: {  	[sflag:s17] =	ssyncset.done $0x0  }
0x9c: {  	[sflag:s17] =	ssyncadd.s32 $0xFFFFC000  }
0x9d: {  	_ =	swait.ge [sflag:s22], $0x4000  }
0x9e: {  	[sflag:s22] =	ssyncset.done $0x0  }
0x9f: {  	[sflag:s22] =	ssyncadd.s32 $0xFFFFC000  }
0xa0: {  	[tilespmem:s21], [sflag:$0x2] =	stream.indirect.gather [hbm4b:s4+s18], $0x80, s24, s18, $0xb8;
	[tilespmem:$0x1E800] =	vst v63  }
0xa1: {  	_ = 	snop  }
0xa2: {  	[spmem:s1] =	stream.indirect.scatter.add.f32 [tilespmem:s19], [sflag:$0x3], $0x80, s26, s18, $0xb8;
	[tilespmem:$0x1E800] =	vst v63  }
0xa3: {  	_ =	swait.ge [sflag:s17], $0x4000  }
0xa4: {  	[sflag:s17] =	ssyncset.done $0x0  }
0xa5: {  	[sflag:s17] =	ssyncadd.s32 $0xFFFFC000  }
0xa6: {  	_ =	swait.ge [sflag:s23], $0x4000  }
0xa7: {  	[sflag:s23] =	ssyncset.done $0x0  }
0xa8: {  	[sflag:s23] =	ssyncadd.s32 $0xFFFFC000  }
0xa9: {  	[spmem:s1] =	stream.indirect.scatter.add.f32 [tilespmem:s21], [sflag:$0x3], $0x80, s28, s18, $0xb8;
	[tilespmem:$0x1E800] =	vst v63  }
0xaa: {  	_ =	swait.ge [sflag:s17], $0x4000  }
0xab: {  	s29 =	sadd.s32 $0x1, s29;
	[sflag:s17] =	ssyncset.done $0x0  }
0xac: {  	s0 =	sshll.u32 s2, $0x6;
	p0 =	sne.s32 s29, s12;
	[sflag:s17] =	ssyncadd.s32 $0xFFFFC000  }
.Ltmp2:
0xad: {  	s0 =	sor.u32 $0x1C03, s0;
	[bflag:$0x0] =	sbarrier.arrive $0xFFFF;
	(pc) =	sbr.rel @p0 .LBB2_1-.Ltmp2, $4  }
0xae: {  	[hbm:s11], [sflag:s0] =	dma.local [spmem:s25], $0x2800  }
0xaf: {  	_ =	swait.ge [sflag:s17], $0x2800  }
0xb0: {  	[sflag:s17] =	ssyncset.done $0x0  }
0xb1: {  	[sflag:s17] =	ssyncadd.s32 $0xFFFFD800  }
0xb2: {  	_ =	sfence.sel $0x180000  }
0xb3: {  	[bflag:$0x0] =	sbarrier.arrive $0xFFFF  }
0xb4: {  	_ =	strace $0x90000050  }
0xb5: {  	[bflag:$0x2] =	sbarrier.arrive $0xFFFF  }
0xb6: {  	p0 =	sne.s32 s2, $0x0;
	s0 =	rddreg [dreg:$0x2]  }
0xb7: {  	s0 =	sadd.s32 @!p0 $0x100000, s0  }
0xb8: {  	[sflag:s0] =	ssyncadd.tile.s32 @!p0 $0x1;
	_ =	shalt  }
.Lfunc_end2:
_tile_overlayer_lowered:
.L_overlay_start_2:
0xb9: {  	(tag) =	ssettag $0x2  }
0xba: {  	s0 =	rddreg [dreg:$0x0];
	s2 =	stileid.u32  }
0xbb: {  	s1 =	rddreg [dreg:$0x1];
	p0 =	sne.s32 s2, $0x0  }
0xbc: {  	s3 =	rddreg [dreg:$0x2];
	[bflag:$0x3] =	sbarrier.arrive $0xFFFF;
	s2 =	simm.s32 @!p0 $0x1C03  }
0xbd: {  	[timem:s3], [sflag:s2] =	dma.local @!p0 [hbm:s0], s1  }
0xbe: {  	s0 =	simm.s32 @!p0 $0x3  }
0xbf: {  	_ =	swait.ge @!p0 [sflag:s0], s1  }
0xc0: {  	s1 =	ssub.s32 @!p0 $0x0, s1;
	[sflag:s0] =	ssyncset.done @!p0 $0x0  }
0xc1: {  	[sflag:s0] =	ssyncadd.s32 @!p0 s1  }
0xc2: {  	[bflag:$0x3] =	sbarrier.arrive $0xFFFF  }
0xc3: {  	_ =	shalt  }

</sc_bundles>
